<compile_context>
chip_gen: v7x
topology: tpu7x:2x2x1
jax: 0.10.2.dev20260603
libtpu: 0.0.44.dev20260713+nightly
codegen_flags: <defaults>
</compile_context>

<pallas_src>
import functools

import jax
import jax.numpy as jnp
from jax import lax
from jax.experimental import pallas as pl
from jax.experimental.pallas import tpu as pltpu
from jax.experimental.pallas import tpu_sc as plsc

N = 10000
NUM_GRAPHS = 16
NP = 10240
ROWS_PER_TILE = NP // 16
CHUNK = 128
NW = 32
DEGW = 8

_MESH = plsc.VectorSubcoreMesh(core_axis_name="c", subcore_axis_name="s")

K = 2


def _make_agg(d, n_chunks, nc0, nc1):

    @functools.partial(
        pl.kernel,
        mesh=_MESH,
        out_type=jax.ShapeDtypeStruct((2, NP, d), jnp.float32),
        scratch_types=(
            [pltpu.VMEM((n_chunks + K, CHUNK), jnp.int32)] * 2
            + [pltpu.VMEM((CHUNK, d), jnp.float32)] * K
            + [pltpu.SemaphoreType.DMA] * (2 * K)
            + [pltpu.VMEM_SHARED((NP, d), jnp.float32)]
        ),
        compiler_params=pltpu.CompilerParams(use_tc_tiling_on_sc=False),
    )
    def agg(g_hbm, src_hbm, dst_hbm, z_hbm, out_hbm, src_v, dst_v, *rest):
        bufs = rest[:K]
        sem_g = rest[K:2 * K]
        sem_s = rest[2 * K:3 * K]
        acc_sh = rest[3 * K]
        c = lax.axis_index("c")
        s = lax.axis_index("s")
        w = c * 16 + s
        pltpu.sync_copy(src_hbm.at[w], src_v)
        pltpu.sync_copy(dst_hbm.at[w], dst_v)
        base = s * ROWS_PER_TILE
        pltpu.sync_copy(z_hbm, acc_sh.at[pl.ds(base, ROWS_PER_TILE)])
        plsc.subcore_barrier()

        pltpu.async_copy(g_hbm.at[src_v.at[0]], bufs[0], sem_g[0]).wait()

        def body(q, carry):
            j = q * K
            db = pltpu.async_copy(g_hbm.at[src_v.at[j + 1]], bufs[1], sem_g[1])
            pltpu.sync_copy(bufs[0], acc_sh.at[dst_v.at[j]], add=True)
            db.wait()
            da = pltpu.async_copy(g_hbm.at[src_v.at[j + 2]], bufs[0], sem_g[0])
            pltpu.sync_copy(bufs[1], acc_sh.at[dst_v.at[j + 1]], add=True)
            da.wait()
            return carry

        lax.fori_loop(0, jnp.where(c == 0, nc0 // K, nc1 // K), body, 0)
        plsc.subcore_barrier()
        pltpu.sync_copy(acc_sh.at[pl.ds(base, ROWS_PER_TILE)],
                        out_hbm.at[c, pl.ds(base, ROWS_PER_TILE)])

    return agg


def _make_deg(n_chunks, nc0, nc1):

    @functools.partial(
        pl.kernel,
        mesh=_MESH,
        out_type=jax.ShapeDtypeStruct((2, NP, DEGW), jnp.float32),
        scratch_types=[
            pltpu.VMEM((n_chunks + K, CHUNK), jnp.int32),
            pltpu.VMEM((CHUNK, DEGW), jnp.float32),
            pltpu.VMEM_SHARED((NP, DEGW), jnp.float32),
            pltpu.SemaphoreType.DMA,
        ],
        compiler_params=pltpu.CompilerParams(use_tc_tiling_on_sc=False),
    )
    def degk(dst_hbm, ones_hbm, z_hbm, out_hbm, dst_v, ones_v, acc_sh, sem):
        c = lax.axis_index("c")
        s = lax.axis_index("s")
        w = c * 16 + s
        pltpu.sync_copy(dst_hbm.at[w], dst_v)
        pltpu.sync_copy(ones_hbm, ones_v)
        base = s * ROWS_PER_TILE
        pltpu.sync_copy(z_hbm, acc_sh.at[pl.ds(base, ROWS_PER_TILE)])
        plsc.subcore_barrier()

        def body(q, carry):
            j = q * K
            scat = [pltpu.async_copy(ones_v, acc_sh.at[dst_v.at[j + b]],
                                     sem, add=True) for b in range(K)]
            for d_ in scat:
                d_.wait()
            return carry

        lax.fori_loop(0, jnp.where(c == 0, nc0 // K, nc1 // K), body, 0)
        plsc.subcore_barrier()
        pltpu.sync_copy(acc_sh.at[pl.ds(base, ROWS_PER_TILE)],
                        out_hbm.at[c, pl.ds(base, ROWS_PER_TILE)])

    return degk


def _dinv_from(deg_ref):
    deg = deg_ref[0, :N, 0:1] + deg_ref[1, :N, 0:1] + 1.0
    return lax.rsqrt(deg)


def _pad_rows(h):
    return jnp.concatenate(
        [h, jnp.zeros((NP - N, h.shape[1]), jnp.float32)], axis=0)


def _tc_matmul(x, W1):

    def body(x_ref, w_ref, o_ref):
        o_ref[...] = jnp.dot(x_ref[...], w_ref[...],
                             preferred_element_type=jnp.float32)

    return pl.pallas_call(
        body, out_shape=jax.ShapeDtypeStruct((N, W1.shape[1]), jnp.float32),
    )(x, W1)


def _tc_first(h1, degp):

    def body(h_ref, deg_ref, o_ref):
        o_ref[...] = _pad_rows(h_ref[...] * _dinv_from(deg_ref))

    return pl.pallas_call(
        body, out_shape=jax.ShapeDtypeStruct((NP, h1.shape[1]), jnp.float32),
    )(h1, degp)


def _tc_mid(accp, g, degp, b_prev, W, d_eff, d_out_pad):
    d_out = W.shape[1]

    def body(acc_ref, g_ref, deg_ref, b_ref, w_ref, o_ref):
        dinv = _dinv_from(deg_ref)
        tot = (acc_ref[0, :N, :d_eff] + acc_ref[1, :N, :d_eff]
               + g_ref[:N, :d_eff])
        a = jax.nn.relu(dinv * tot + b_ref[...])
        h = jnp.dot(a, w_ref[...], preferred_element_type=jnp.float32) * dinv
        if d_out_pad > d_out:
            h = jnp.concatenate(
                [h, jnp.zeros((N, d_out_pad - d_out), jnp.float32)], axis=1)
        o_ref[...] = _pad_rows(h)

    return pl.pallas_call(
        body, out_shape=jax.ShapeDtypeStruct((NP, d_out_pad), jnp.float32),
    )(accp, g, degp, b_prev, W)


def _tc_scale(accp, g, degp, b_prev, d_eff, d_out_pad):

    def body(acc_ref, g_ref, deg_ref, b_ref, o_ref):
        dinv = _dinv_from(deg_ref)
        tot = (acc_ref[0, :N, :d_eff] + acc_ref[1, :N, :d_eff]
               + g_ref[:N, :d_eff])
        a = jax.nn.relu(dinv * tot + b_ref[...])
        h = a * dinv
        if d_out_pad > d_eff:
            h = jnp.concatenate(
                [h, jnp.zeros((N, d_out_pad - d_eff), jnp.float32)], axis=1)
        o_ref[...] = _pad_rows(h)

    return pl.pallas_call(
        body, out_shape=jax.ShapeDtypeStruct((NP, d_out_pad), jnp.float32),
    )(accp, g, degp, b_prev)


def _tc_last(accp, g, degp, W5, b5, batch2d, d_eff):

    def body(acc_ref, g_ref, deg_ref, w_ref, b_ref, batch_ref, o_ref):
        dinv = _dinv_from(deg_ref)
        tot = (acc_ref[0, :N, :d_eff] + acc_ref[1, :N, :d_eff]
               + g_ref[:N, :d_eff])
        t = dinv * tot
        a = jax.nn.relu(
            jnp.dot(t, w_ref[...], preferred_element_type=jnp.float32)
            + b_ref[...])
        gids = batch_ref[...]
        onehot = (gids == lax.broadcasted_iota(jnp.int32, (1, NUM_GRAPHS), 1)
                  ).astype(jnp.float32)
        sums = lax.dot_general(onehot, a, (((0,), (0,)), ((), ())),
                               preferred_element_type=jnp.float32)
        cnt = jnp.sum(onehot, axis=0)[:, None]
        o_ref[...] = sums / jnp.maximum(cnt, 1.0)

    return pl.pallas_call(
        body, out_shape=jax.ShapeDtypeStruct((NUM_GRAPHS, W5.shape[1]), jnp.float32),
    )(accp, g, degp, W5, b5, batch2d)


def kernel(x, edge_index, batch, W1, b1, W2, b2, W3, b3, W4, b4, W5, b5):
    src = edge_index[0].astype(jnp.int32)
    dst = edge_index[1].astype(jnp.int32)
    E = src.shape[0]
    c_tot = -(-E // CHUNK)
    nc0 = max(K, -(-int(c_tot * 0.40) // 16))
    nc0 += nc0 % K
    e0 = min(16 * nc0 * CHUNK, E)
    nc1 = max(K, -(-(E - e0) // (16 * CHUNK)))
    nc1 += nc1 % K
    ncmax = max(nc0, nc1)

    def _part(v, fill):
        p0 = jnp.concatenate(
            [v[:e0], jnp.full((16 * nc0 * CHUNK - e0,), fill, jnp.int32)]
        ).reshape(16, nc0, CHUNK)
        p1 = jnp.concatenate(
            [v[e0:], jnp.full((16 * nc1 * CHUNK - (E - e0),), fill, jnp.int32)]
        ).reshape(16, nc1, CHUNK)
        p0 = jnp.concatenate(
            [p0, jnp.full((16, ncmax + K - nc0, CHUNK), fill, jnp.int32)], 1)
        p1 = jnp.concatenate(
            [p1, jnp.full((16, ncmax + K - nc1, CHUNK), fill, jnp.int32)], 1)
        return jnp.concatenate([p0, p1], axis=0)

    n_chunks = ncmax
    srcp = _part(src, 0)
    dstp = _part(dst, N)
    batch2d = batch.astype(jnp.int32).reshape(N, 1)
    b1r, b2r, b3r, b4r, b5r = (b.reshape(1, -1) for b in (b1, b2, b3, b4, b5))

    zrows = {d: jnp.zeros((ROWS_PER_TILE, d), jnp.float32)
             for d in (8, 16, 32, 64)}
    ones8 = jnp.ones((CHUNK, DEGW), jnp.float32)

    degp = _make_deg(n_chunks, nc0, nc1)(dstp, ones8, zrows[DEGW])

    agg64 = _make_agg(64, n_chunks, nc0, nc1)
    agg32 = _make_agg(32, n_chunks, nc0, nc1)
    agg16 = _make_agg(16, n_chunks, nc0, nc1)
    agg8 = _make_agg(8, n_chunks, nc0, nc1)

    h1 = _tc_matmul(x, W1)
    g1 = _tc_first(h1, degp)
    acc1 = agg64(g1, srcp, dstp, zrows[64])
    g2 = _tc_mid(acc1, g1, degp, b1r, W2, 64, 32)
    acc2 = agg32(g2, srcp, dstp, zrows[32])
    g3 = _tc_mid(acc2, g2, degp, b2r, W3, 32, 16)
    acc3 = agg16(g3, srcp, dstp, zrows[16])
    g4 = _tc_mid(acc3, g3, degp, b3r, W4, 16, 8)
    acc4 = agg8(g4, srcp, dstp, zrows[8])
    g5 = _tc_scale(acc4, g4, degp, b4r, 8, 8)
    acc5 = agg8(g5, srcp, dstp, zrows[8])
    return _tc_last(acc5, g5, degp, W5, b5r, batch2d, 8)

# --- scband reference (transcript-rebuilt; emitter-appended) ---
"""Pipeline reference for scband-gcnfeature-extractor-10995116278494 (READ-ONLY COPY).

The authoritative reference and input builder live on the scoring server;
editing this copy changes nothing except your own understanding.
"""

import jax, jax.numpy as jnp
import numpy as np

N = 10000
E = 320000
NUM_GRAPHS = 16
# layer dims from GCNFeatureExtractor: num_layers=5 -> max_exp=6
# in(128) -> 2^6=64 -> 2^5=32 -> 2^4=16 -> 2^3=8 -> out(128)
DIMS = [128, 64, 32, 16, 8, 128]


def _glorot(key, shape):
    lim = (6.0 / (shape[0] + shape[1])) ** 0.5
    return jax.random.uniform(key, shape, jnp.float32, -lim, lim)


def setup_inputs(seed: int = 0) -> dict:
    key = jax.random.key(seed)
    ks = jax.random.split(key, 16)
    x = jax.random.normal(ks[0], (N, DIMS[0]), jnp.float32)
    edge_index = jax.random.randint(ks[1], (2, E), 0, N)
    batch = jnp.sort(jax.random.randint(ks[2], (N,), 0, NUM_GRAPHS))
    inp = {"x": x, "edge_index": edge_index, "batch": batch}
    for i in range(5):
        inp[f"W{i+1}"] = _glorot(ks[3 + i], (DIMS[i], DIMS[i + 1]))
        inp[f"b{i+1}"] = jnp.zeros((DIMS[i + 1],), jnp.float32)
    return inp


def _gcn_conv(x, W, b, src, dst):
    # PyG GCNConv: add self-loops, symmetric normalization D^-1/2 A D^-1/2,
    # linear transform, scatter-add aggregation to dst, plus bias.
    n = x.shape[0]
    loop = jnp.arange(n, dtype=src.dtype)
    s = jnp.concatenate([src, loop])
    d = jnp.concatenate([dst, loop])
    deg = jnp.zeros((n,), x.dtype).at[d].add(1.0)
    dinv = jnp.where(deg > 0, jax.lax.rsqrt(jnp.maximum(deg, 1e-12)), 0.0)
    norm = dinv[s] * dinv[d]
    h = x @ W
    msg = h[s] * norm[:, None]
    out = jnp.zeros((n, W.shape[1]), x.dtype).at[d].add(msg)
    return out + b


def reference(x, edge_index, batch, W1, b1, W2, b2, W3, b3, W4, b4, W5, b5):
    src = edge_index[0]
    dst = edge_index[1]
    params = [(W1, b1), (W2, b2), (W3, b3), (W4, b4), (W5, b5)]
    h = x
    for W, b in params:
        h = _gcn_conv(h, W, b, src, dst)
        h = jax.nn.relu(h)
    # global_mean_pool over graph ids
    sums = jax.ops.segment_sum(h, batch, num_segments=NUM_GRAPHS)
    cnt = jax.ops.segment_sum(jnp.ones((h.shape[0], 1), h.dtype), batch, num_segments=NUM_GRAPHS)
    return sums / jnp.maximum(cnt, 1.0)

if __name__ == "__main__":
    import jax
    _d = setup_inputs()
    print(jax.jit(kernel)(*tuple(_d.values())))

</pallas_src>

<mosaic_0001>
#map = affine_map<(d0, d1) -> (0, 0, 0)>
#map1 = affine_map<(d0, d1) -> (0, 0)>
module attributes {stable_mosaic.version = 14 : i64} {
  func.func @degk(%arg0: i32, %arg1: i32, %arg2: memref<32x96x128xi32, #tpu.memory_space<hbm>>, %arg3: memref<128x8xf32, #tpu.memory_space<hbm>>, %arg4: memref<640x8xf32, #tpu.memory_space<hbm>>, %arg5: memref<2x10240x8xf32, #tpu.memory_space<hbm>>, %arg6: memref<96x128xi32, #tpu.memory_space<vmem>>, %arg7: memref<128x8xf32, #tpu.memory_space<vmem>>, %arg8: memref<10240x8xf32, #tpu.memory_space<vmem_shared>>, %arg9: memref<!tpu.dma_semaphore, #tpu.memory_space<semaphore_mem>>) attributes {dimension_semantics = [#tpu.dimension_semantics<core_parallel>, #tpu.dimension_semantics<subcore_parallel>], iteration_bounds = array<i64: 2, 16>, scalar_prefetch = 0 : i64, scratch_operands = 4 : i64, tpu.core_type = #tpu.core_type<sc_vector_subcore>, window_params = [{transform_indices = #map}, {transform_indices = #map1}, {transform_indices = #map1}, {transform_indices = #map}]} {
    %mul3A = arith.constant 16 : i32
    %mul3A_0 = arith.muli %arg0, %mul3A : i32
    %add3A = arith.addi %mul3A_0, %arg1 : i32
    "tpu.region"() ({
      %run_scoped3A = tpu.sem_alloc : memref<!tpu.dma_semaphore, #tpu.memory_space<semaphore_mem>>
      %dma_start3A = arith.constant 0 : i32
      %dma_start3A_15 = arith.constant 0 : i32
      %dma_start3A_16 = tpu.memref_slice %arg2[%add3A, %dma_start3A, %dma_start3A_15] : memref<32x96x128xi32, #tpu.memory_space<hbm>> -> memref<1x96x128xi32, #tpu.memory_space<hbm>>
      %dma_start3A_17 = tpu.memref_squeeze %dma_start3A_16 : memref<1x96x128xi32, #tpu.memory_space<hbm>> -> memref<96x128xi32, #tpu.memory_space<hbm>>
      %dma_start3A_18 = arith.constant 0 : i32
      %dma_start3A_19 = arith.constant 0 : i32
      %dma_start3A_20 = tpu.memref_slice %arg2[%add3A, %dma_start3A_18, %dma_start3A_19] : memref<32x96x128xi32, #tpu.memory_space<hbm>> -> memref<1x96x128xi32, #tpu.memory_space<hbm>>
      %dma_start3A_21 = tpu.memref_squeeze %dma_start3A_20 : memref<1x96x128xi32, #tpu.memory_space<hbm>> -> memref<96x128xi32, #tpu.memory_space<hbm>>
      tpu.enqueue_dma source(%dma_start3A_21 : memref<96x128xi32, #tpu.memory_space<hbm>>) target(%arg6 : memref<96x128xi32, #tpu.memory_space<vmem>>) target_semaphore(%run_scoped3A : memref<!tpu.dma_semaphore, #tpu.memory_space<semaphore_mem>>)
      %dma_wait3A = arith.constant 0 : i32
      %dma_wait3A_22 = arith.constant 0 : i32
      %dma_wait3A_23 = tpu.memref_slice %arg2[%add3A, %dma_wait3A, %dma_wait3A_22] : memref<32x96x128xi32, #tpu.memory_space<hbm>> -> memref<1x96x128xi32, #tpu.memory_space<hbm>>
      %dma_wait3A_24 = tpu.memref_squeeze %dma_wait3A_23 : memref<1x96x128xi32, #tpu.memory_space<hbm>> -> memref<96x128xi32, #tpu.memory_space<hbm>>
      %dma_wait3A_25 = arith.constant 0 : i32
      %dma_wait3A_26 = arith.constant 0 : i32
      %dma_wait3A_27 = tpu.memref_slice %arg2[%add3A, %dma_wait3A_25, %dma_wait3A_26] : memref<32x96x128xi32, #tpu.memory_space<hbm>> -> memref<1x96x128xi32, #tpu.memory_space<hbm>>
      %dma_wait3A_28 = tpu.memref_squeeze %dma_wait3A_27 : memref<1x96x128xi32, #tpu.memory_space<hbm>> -> memref<96x128xi32, #tpu.memory_space<hbm>>
      tpu.wait_dma2 semaphore(%run_scoped3A : memref<!tpu.dma_semaphore, #tpu.memory_space<semaphore_mem>>) src(%dma_wait3A_28 : memref<96x128xi32, #tpu.memory_space<hbm>>) dst(%arg6 : memref<96x128xi32, #tpu.memory_space<vmem>>)
      tpu.yield
    }) : () -> ()
    "tpu.region"() ({
      %run_scoped3A = tpu.sem_alloc : memref<!tpu.dma_semaphore, #tpu.memory_space<semaphore_mem>>
      tpu.enqueue_dma source(%arg3 : memref<128x8xf32, #tpu.memory_space<hbm>>) target(%arg7 : memref<128x8xf32, #tpu.memory_space<vmem>>) target_semaphore(%run_scoped3A : memref<!tpu.dma_semaphore, #tpu.memory_space<semaphore_mem>>)
      tpu.wait_dma2 semaphore(%run_scoped3A : memref<!tpu.dma_semaphore, #tpu.memory_space<semaphore_mem>>) src(%arg3 : memref<128x8xf32, #tpu.memory_space<hbm>>) dst(%arg7 : memref<128x8xf32, #tpu.memory_space<vmem>>)
      tpu.yield
    }) : () -> ()
    %mul3A_1 = arith.constant 640 : i32
    %mul3A_2 = arith.muli %arg1, %mul3A_1 : i32
    "tpu.region"() ({
      %run_scoped3A = tpu.sem_alloc : memref<!tpu.dma_semaphore, #tpu.memory_space<semaphore_mem>>
      %dma_start3A = arith.constant 0 : i32
      %dma_start3A_15 = tpu.memref_slice %arg8[%mul3A_2, %dma_start3A] : memref<10240x8xf32, #tpu.memory_space<vmem_shared>> -> memref<640x8xf32, #tpu.memory_space<vmem_shared>>
      tpu.enqueue_dma source(%arg4 : memref<640x8xf32, #tpu.memory_space<hbm>>) target(%dma_start3A_15 : memref<640x8xf32, #tpu.memory_space<vmem_shared>>) target_semaphore(%run_scoped3A : memref<!tpu.dma_semaphore, #tpu.memory_space<semaphore_mem>>)
      %dma_wait3A = arith.constant 0 : i32
      %dma_wait3A_16 = tpu.memref_slice %arg8[%mul3A_2, %dma_wait3A] : memref<10240x8xf32, #tpu.memory_space<vmem_shared>> -> memref<640x8xf32, #tpu.memory_space<vmem_shared>>
      tpu.wait_dma2 semaphore(%run_scoped3A : memref<!tpu.dma_semaphore, #tpu.memory_space<semaphore_mem>>) src(%arg4 : memref<640x8xf32, #tpu.memory_space<hbm>>) dst(%dma_wait3A_16 : memref<640x8xf32, #tpu.memory_space<vmem_shared>>)
      tpu.yield
    }) : () -> ()
    %barrier3A = arith.constant 0 : index
    tpu.barrier barrier_id(%barrier3A)
    %eq3A = arith.constant 0 : i32
    %eq3A_3 = arith.cmpi eq, %arg0, %eq3A : i32
    %jit3A = arith.constant 32 : i32
    %jit3A_4 = arith.constant 47 : i32
    %select_n3A = arith.select %eq3A_3, %jit3A, %jit3A_4 : i32
    %while3A = arith.constant 0 : i32
    %while3A_5 = arith.constant 0 : i32
    %while3A_6 = arith.subi %select_n3A, %while3A_5 : i32
    %while3A_7 = arith.addi %while3A_5, %while3A_6 : i32
    %while3A_8 = arith.constant 1 : i32
    %while3A_9 = arith.divsi %while3A_6, %while3A_8 : i32
    %while3A_10 = arith.muli %while3A_9, %while3A_8 : i32
    %while3A_11 = arith.addi %while3A_5, %while3A_10 : i32
    %while3A_12 = arith.constant 1 : i32
    scf.for %while3A_15 = %while3A_5 to %while3A_11 step %while3A_12  : i32 {
      %mul3A_16 = arith.constant 2 : i32
      %mul3A_17 = arith.muli %while3A_15, %mul3A_16 : i32
      %add3A_18 = arith.constant 0 : i32
      %add3A_19 = arith.addi %mul3A_17, %add3A_18 : i32
      %dma_start3A = arith.constant 0 : i32
      %dma_start3A_20 = tpu.memref_slice %arg6[%add3A_19, %dma_start3A] : memref<96x128xi32, #tpu.memory_space<vmem>> -> memref<1x128xi32, #tpu.memory_space<vmem>>
      %dma_start3A_21 = tpu.memref_squeeze %dma_start3A_20 : memref<1x128xi32, #tpu.memory_space<vmem>> -> memref<128xi32, #tpu.memory_space<vmem>>
      %dma_start3A_22 = arith.constant 0 : i32
      %dma_start3A_23 = arith.constant 0 : i32
      %dma_start3A_24 = tpu.memref_slice %arg8[%dma_start3A_22, %dma_start3A_23] : memref<10240x8xf32, #tpu.memory_space<vmem_shared>> -> memref<10240x8xf32, #tpu.memory_space<vmem_shared>>
      tpu.enqueue_indirect_dma source(%arg7 : memref<128x8xf32, #tpu.memory_space<vmem>>) target(%dma_start3A_24 : memref<10240x8xf32, #tpu.memory_space<vmem_shared>>) offsets(%dma_start3A_21 : memref<128xi32, #tpu.memory_space<vmem>>) semaphore(%arg9 : memref<!tpu.dma_semaphore, #tpu.memory_space<semaphore_mem>>) {add = true}
      %add3A_25 = arith.constant 1 : i32
      %add3A_26 = arith.addi %mul3A_17, %add3A_25 : i32
      %dma_start3A_27 = arith.constant 0 : i32
      %dma_start3A_28 = tpu.memref_slice %arg6[%add3A_26, %dma_start3A_27] : memref<96x128xi32, #tpu.memory_space<vmem>> -> memref<1x128xi32, #tpu.memory_space<vmem>>
      %dma_start3A_29 = tpu.memref_squeeze %dma_start3A_28 : memref<1x128xi32, #tpu.memory_space<vmem>> -> memref<128xi32, #tpu.memory_space<vmem>>
      %dma_start3A_30 = arith.constant 0 : i32
      %dma_start3A_31 = arith.constant 0 : i32
      %dma_start3A_32 = tpu.memref_slice %arg8[%dma_start3A_30, %dma_start3A_31] : memref<10240x8xf32, #tpu.memory_space<vmem_shared>> -> memref<10240x8xf32, #tpu.memory_space<vmem_shared>>
      tpu.enqueue_indirect_dma source(%arg7 : memref<128x8xf32, #tpu.memory_space<vmem>>) target(%dma_start3A_32 : memref<10240x8xf32, #tpu.memory_space<vmem_shared>>) offsets(%dma_start3A_29 : memref<128xi32, #tpu.memory_space<vmem>>) semaphore(%arg9 : memref<!tpu.dma_semaphore, #tpu.memory_space<semaphore_mem>>) {add = true}
      %dma_wait3A = arith.constant 0 : i32
      %dma_wait3A_33 = tpu.memref_slice %arg6[%add3A_19, %dma_wait3A] : memref<96x128xi32, #tpu.memory_space<vmem>> -> memref<1x128xi32, #tpu.memory_space<vmem>>
      %dma_wait3A_34 = tpu.memref_squeeze %dma_wait3A_33 : memref<1x128xi32, #tpu.memory_space<vmem>> -> memref<128xi32, #tpu.memory_space<vmem>>
      %dma_wait3A_35 = arith.constant 0 : i32
      %dma_wait3A_36 = arith.constant 0 : i32
      %dma_wait3A_37 = tpu.memref_slice %arg8[%dma_wait3A_35, %dma_wait3A_36] : memref<10240x8xf32, #tpu.memory_space<vmem_shared>> -> memref<10240x8xf32, #tpu.memory_space<vmem_shared>>
      tpu.wait_indirect_dma semaphore(%arg9 : memref<!tpu.dma_semaphore, #tpu.memory_space<semaphore_mem>>) src(%arg7 : memref<128x8xf32, #tpu.memory_space<vmem>>) dst(%dma_wait3A_37 : memref<10240x8xf32, #tpu.memory_space<vmem_shared>>)
      %dma_wait3A_38 = arith.constant 0 : i32
      %dma_wait3A_39 = tpu.memref_slice %arg6[%add3A_26, %dma_wait3A_38] : memref<96x128xi32, #tpu.memory_space<vmem>> -> memref<1x128xi32, #tpu.memory_space<vmem>>
      %dma_wait3A_40 = tpu.memref_squeeze %dma_wait3A_39 : memref<1x128xi32, #tpu.memory_space<vmem>> -> memref<128xi32, #tpu.memory_space<vmem>>
      %dma_wait3A_41 = arith.constant 0 : i32
      %dma_wait3A_42 = arith.constant 0 : i32
      %dma_wait3A_43 = tpu.memref_slice %arg8[%dma_wait3A_41, %dma_wait3A_42] : memref<10240x8xf32, #tpu.memory_space<vmem_shared>> -> memref<10240x8xf32, #tpu.memory_space<vmem_shared>>
      tpu.wait_indirect_dma semaphore(%arg9 : memref<!tpu.dma_semaphore, #tpu.memory_space<semaphore_mem>>) src(%arg7 : memref<128x8xf32, #tpu.memory_space<vmem>>) dst(%dma_wait3A_43 : memref<10240x8xf32, #tpu.memory_space<vmem_shared>>)
    }
    %while3A_13 = arith.constant 1 : i32
    scf.for %while3A_15 = %while3A_11 to %while3A_7 step %while3A_13  : i32 {
      %mul3A_16 = arith.constant 2 : i32
      %mul3A_17 = arith.muli %while3A_15, %mul3A_16 : i32
      %add3A_18 = arith.constant 0 : i32
      %add3A_19 = arith.addi %mul3A_17, %add3A_18 : i32
      %dma_start3A = arith.constant 0 : i32
      %dma_start3A_20 = tpu.memref_slice %arg6[%add3A_19, %dma_start3A] : memref<96x128xi32, #tpu.memory_space<vmem>> -> memref<1x128xi32, #tpu.memory_space<vmem>>
      %dma_start3A_21 = tpu.memref_squeeze %dma_start3A_20 : memref<1x128xi32, #tpu.memory_space<vmem>> -> memref<128xi32, #tpu.memory_space<vmem>>
      %dma_start3A_22 = arith.constant 0 : i32
      %dma_start3A_23 = arith.constant 0 : i32
      %dma_start3A_24 = tpu.memref_slice %arg8[%dma_start3A_22, %dma_start3A_23] : memref<10240x8xf32, #tpu.memory_space<vmem_shared>> -> memref<10240x8xf32, #tpu.memory_space<vmem_shared>>
      tpu.enqueue_indirect_dma source(%arg7 : memref<128x8xf32, #tpu.memory_space<vmem>>) target(%dma_start3A_24 : memref<10240x8xf32, #tpu.memory_space<vmem_shared>>) offsets(%dma_start3A_21 : memref<128xi32, #tpu.memory_space<vmem>>) semaphore(%arg9 : memref<!tpu.dma_semaphore, #tpu.memory_space<semaphore_mem>>) {add = true}
      %add3A_25 = arith.constant 1 : i32
      %add3A_26 = arith.addi %mul3A_17, %add3A_25 : i32
      %dma_start3A_27 = arith.constant 0 : i32
      %dma_start3A_28 = tpu.memref_slice %arg6[%add3A_26, %dma_start3A_27] : memref<96x128xi32, #tpu.memory_space<vmem>> -> memref<1x128xi32, #tpu.memory_space<vmem>>
      %dma_start3A_29 = tpu.memref_squeeze %dma_start3A_28 : memref<1x128xi32, #tpu.memory_space<vmem>> -> memref<128xi32, #tpu.memory_space<vmem>>
      %dma_start3A_30 = arith.constant 0 : i32
      %dma_start3A_31 = arith.constant 0 : i32
      %dma_start3A_32 = tpu.memref_slice %arg8[%dma_start3A_30, %dma_start3A_31] : memref<10240x8xf32, #tpu.memory_space<vmem_shared>> -> memref<10240x8xf32, #tpu.memory_space<vmem_shared>>
      tpu.enqueue_indirect_dma source(%arg7 : memref<128x8xf32, #tpu.memory_space<vmem>>) target(%dma_start3A_32 : memref<10240x8xf32, #tpu.memory_space<vmem_shared>>) offsets(%dma_start3A_29 : memref<128xi32, #tpu.memory_space<vmem>>) semaphore(%arg9 : memref<!tpu.dma_semaphore, #tpu.memory_space<semaphore_mem>>) {add = true}
      %dma_wait3A = arith.constant 0 : i32
      %dma_wait3A_33 = tpu.memref_slice %arg6[%add3A_19, %dma_wait3A] : memref<96x128xi32, #tpu.memory_space<vmem>> -> memref<1x128xi32, #tpu.memory_space<vmem>>
      %dma_wait3A_34 = tpu.memref_squeeze %dma_wait3A_33 : memref<1x128xi32, #tpu.memory_space<vmem>> -> memref<128xi32, #tpu.memory_space<vmem>>
      %dma_wait3A_35 = arith.constant 0 : i32
      %dma_wait3A_36 = arith.constant 0 : i32
      %dma_wait3A_37 = tpu.memref_slice %arg8[%dma_wait3A_35, %dma_wait3A_36] : memref<10240x8xf32, #tpu.memory_space<vmem_shared>> -> memref<10240x8xf32, #tpu.memory_space<vmem_shared>>
      tpu.wait_indirect_dma semaphore(%arg9 : memref<!tpu.dma_semaphore, #tpu.memory_space<semaphore_mem>>) src(%arg7 : memref<128x8xf32, #tpu.memory_space<vmem>>) dst(%dma_wait3A_37 : memref<10240x8xf32, #tpu.memory_space<vmem_shared>>)
      %dma_wait3A_38 = arith.constant 0 : i32
      %dma_wait3A_39 = tpu.memref_slice %arg6[%add3A_26, %dma_wait3A_38] : memref<96x128xi32, #tpu.memory_space<vmem>> -> memref<1x128xi32, #tpu.memory_space<vmem>>
      %dma_wait3A_40 = tpu.memref_squeeze %dma_wait3A_39 : memref<1x128xi32, #tpu.memory_space<vmem>> -> memref<128xi32, #tpu.memory_space<vmem>>
      %dma_wait3A_41 = arith.constant 0 : i32
      %dma_wait3A_42 = arith.constant 0 : i32
      %dma_wait3A_43 = tpu.memref_slice %arg8[%dma_wait3A_41, %dma_wait3A_42] : memref<10240x8xf32, #tpu.memory_space<vmem_shared>> -> memref<10240x8xf32, #tpu.memory_space<vmem_shared>>
      tpu.wait_indirect_dma semaphore(%arg9 : memref<!tpu.dma_semaphore, #tpu.memory_space<semaphore_mem>>) src(%arg7 : memref<128x8xf32, #tpu.memory_space<vmem>>) dst(%dma_wait3A_43 : memref<10240x8xf32, #tpu.memory_space<vmem_shared>>)
    }
    %barrier3A_14 = arith.constant 0 : index
    tpu.barrier barrier_id(%barrier3A_14)
    "tpu.region"() ({
      %run_scoped3A = tpu.sem_alloc : memref<!tpu.dma_semaphore, #tpu.memory_space<semaphore_mem>>
      %dma_start3A = arith.constant 0 : i32
      %dma_start3A_15 = tpu.memref_slice %arg5[%arg0, %mul3A_2, %dma_start3A] : memref<2x10240x8xf32, #tpu.memory_space<hbm>> -> memref<1x640x8xf32, #tpu.memory_space<hbm>>
      %dma_start3A_16 = tpu.memref_squeeze %dma_start3A_15 : memref<1x640x8xf32, #tpu.memory_space<hbm>> -> memref<640x8xf32, #tpu.memory_space<hbm>>
      %dma_start3A_17 = arith.constant 0 : i32
      %dma_start3A_18 = tpu.memref_slice %arg8[%mul3A_2, %dma_start3A_17] : memref<10240x8xf32, #tpu.memory_space<vmem_shared>> -> memref<640x8xf32, #tpu.memory_space<vmem_shared>>
      tpu.enqueue_dma source(%dma_start3A_18 : memref<640x8xf32, #tpu.memory_space<vmem_shared>>) target(%dma_start3A_16 : memref<640x8xf32, #tpu.memory_space<hbm>>) target_semaphore(%run_scoped3A : memref<!tpu.dma_semaphore, #tpu.memory_space<semaphore_mem>>)
      %dma_wait3A = arith.constant 0 : i32
      %dma_wait3A_19 = tpu.memref_slice %arg5[%arg0, %mul3A_2, %dma_wait3A] : memref<2x10240x8xf32, #tpu.memory_space<hbm>> -> memref<1x640x8xf32, #tpu.memory_space<hbm>>
      %dma_wait3A_20 = tpu.memref_squeeze %dma_wait3A_19 : memref<1x640x8xf32, #tpu.memory_space<hbm>> -> memref<640x8xf32, #tpu.memory_space<hbm>>
      %dma_wait3A_21 = arith.constant 0 : i32
      %dma_wait3A_22 = tpu.memref_slice %arg8[%mul3A_2, %dma_wait3A_21] : memref<10240x8xf32, #tpu.memory_space<vmem_shared>> -> memref<640x8xf32, #tpu.memory_space<vmem_shared>>
      tpu.wait_dma2 semaphore(%run_scoped3A : memref<!tpu.dma_semaphore, #tpu.memory_space<semaphore_mem>>) src(%dma_wait3A_22 : memref<640x8xf32, #tpu.memory_space<vmem_shared>>) dst(%dma_wait3A_20 : memref<640x8xf32, #tpu.memory_space<hbm>>)
      tpu.yield
    }) : () -> ()
    return
  }
}

#map = affine_map<(d0, d1) -> (0, 0)>
#map1 = affine_map<(d0, d1) -> (0, 0, 0)>
module attributes {stable_mosaic.version = 14 : i64} {
  func.func @agg(%arg0: i32, %arg1: i32, %arg2: memref<10240x16xf32, #tpu.memory_space<hbm>>, %arg3: memref<32x96x128xi32, #tpu.memory_space<hbm>>, %arg4: memref<32x96x128xi32, #tpu.memory_space<hbm>>, %arg5: memref<640x16xf32, #tpu.memory_space<hbm>>, %arg6: memref<2x10240x16xf32, #tpu.memory_space<hbm>>, %arg7: memref<96x128xi32, #tpu.memory_space<vmem>>, %arg8: memref<96x128xi32, #tpu.memory_space<vmem>>, %arg9: memref<128x16xf32, #tpu.memory_space<vmem>>, %arg10: memref<128x16xf32, #tpu.memory_space<vmem>>, %arg11: memref<!tpu.dma_semaphore, #tpu.memory_space<semaphore_mem>>, %arg12: memref<!tpu.dma_semaphore, #tpu.memory_space<semaphore_mem>>, %arg13: memref<!tpu.dma_semaphore, #tpu.memory_space<semaphore_mem>>, %arg14: memref<!tpu.dma_semaphore, #tpu.memory_space<semaphore_mem>>, %arg15: memref<10240x16xf32, #tpu.memory_space<vmem_shared>>) attributes {dimension_semantics = [#tpu.dimension_semantics<core_parallel>, #tpu.dimension_semantics<subcore_parallel>], iteration_bounds = array<i64: 2, 16>, scalar_prefetch = 0 : i64, scratch_operands = 9 : i64, tpu.core_type = #tpu.core_type<sc_vector_subcore>, window_params = [{transform_indices = #map}, {transform_indices = #map1}, {transform_indices = #map1}, {transform_indices = #map}, {transform_indices = #map1}]} {
    %mul3A = arith.constant 16 : i32
    %mul3A_0 = arith.muli %arg0, %mul3A : i32
    %add3A = arith.addi %mul3A_0, %arg1 : i32
    "tpu.region"() ({
      %run_scoped3A = tpu.sem_alloc : memref<!tpu.dma_semaphore, #tpu.memory_space<semaphore_mem>>
      %dma_start3A_27 = arith.constant 0 : i32
      %dma_start3A_28 = arith.constant 0 : i32
      %dma_start3A_29 = tpu.memref_slice %arg3[%add3A, %dma_start3A_27, %dma_start3A_28] : memref<32x96x128xi32, #tpu.memory_space<hbm>> -> memref<1x96x128xi32, #tpu.memory_space<hbm>>
      %dma_start3A_30 = tpu.memref_squeeze %dma_start3A_29 : memref<1x96x128xi32, #tpu.memory_space<hbm>> -> memref<96x128xi32, #tpu.memory_space<hbm>>
      %dma_start3A_31 = arith.constant 0 : i32
      %dma_start3A_32 = arith.constant 0 : i32
      %dma_start3A_33 = tpu.memref_slice %arg3[%add3A, %dma_start3A_31, %dma_start3A_32] : memref<32x96x128xi32, #tpu.memory_space<hbm>> -> memref<1x96x128xi32, #tpu.memory_space<hbm>>
      %dma_start3A_34 = tpu.memref_squeeze %dma_start3A_33 : memref<1x96x128xi32, #tpu.memory_space<hbm>> -> memref<96x128xi32, #tpu.memory_space<hbm>>
      tpu.enqueue_dma source(%dma_start3A_34 : memref<96x128xi32, #tpu.memory_space<hbm>>) target(%arg7 : memref<96x128xi32, #tpu.memory_space<vmem>>) target_semaphore(%run_scoped3A : memref<!tpu.dma_semaphore, #tpu.memory_space<semaphore_mem>>)
      %dma_wait3A_35 = arith.constant 0 : i32
      %dma_wait3A_36 = arith.constant 0 : i32
      %dma_wait3A_37 = tpu.memref_slice %arg3[%add3A, %dma_wait3A_35, %dma_wait3A_36] : memref<32x96x128xi32, #tpu.memory_space<hbm>> -> memref<1x96x128xi32, #tpu.memory_space<hbm>>
      %dma_wait3A_38 = tpu.memref_squeeze %dma_wait3A_37 : memref<1x96x128xi32, #tpu.memory_space<hbm>> -> memref<96x128xi32, #tpu.memory_space<hbm>>
      %dma_wait3A_39 = arith.constant 0 : i32
      %dma_wait3A_40 = arith.constant 0 : i32
      %dma_wait3A_41 = tpu.memref_slice %arg3[%add3A, %dma_wait3A_39, %dma_wait3A_40] : memref<32x96x128xi32, #tpu.memory_space<hbm>> -> memref<1x96x128xi32, #tpu.memory_space<hbm>>
      %dma_wait3A_42 = tpu.memref_squeeze %dma_wait3A_41 : memref<1x96x128xi32, #tpu.memory_space<hbm>> -> memref<96x128xi32, #tpu.memory_space<hbm>>
      tpu.wait_dma2 semaphore(%run_scoped3A : memref<!tpu.dma_semaphore, #tpu.memory_space<semaphore_mem>>) src(%dma_wait3A_42 : memref<96x128xi32, #tpu.memory_space<hbm>>) dst(%arg7 : memref<96x128xi32, #tpu.memory_space<vmem>>)
      tpu.yield
    }) : () -> ()
    "tpu.region"() ({
      %run_scoped3A = tpu.sem_alloc : memref<!tpu.dma_semaphore, #tpu.memory_space<semaphore_mem>>
      %dma_start3A_27 = arith.constant 0 : i32
      %dma_start3A_28 = arith.constant 0 : i32
      %dma_start3A_29 = tpu.memref_slice %arg4[%add3A, %dma_start3A_27, %dma_start3A_28] : memref<32x96x128xi32, #tpu.memory_space<hbm>> -> memref<1x96x128xi32, #tpu.memory_space<hbm>>
      %dma_start3A_30 = tpu.memref_squeeze %dma_start3A_29 : memref<1x96x128xi32, #tpu.memory_space<hbm>> -> memref<96x128xi32, #tpu.memory_space<hbm>>
      %dma_start3A_31 = arith.constant 0 : i32
      %dma_start3A_32 = arith.constant 0 : i32
      %dma_start3A_33 = tpu.memref_slice %arg4[%add3A, %dma_start3A_31, %dma_start3A_32] : memref<32x96x128xi32, #tpu.memory_space<hbm>> -> memref<1x96x128xi32, #tpu.memory_space<hbm>>
      %dma_start3A_34 = tpu.memref_squeeze %dma_start3A_33 : memref<1x96x128xi32, #tpu.memory_space<hbm>> -> memref<96x128xi32, #tpu.memory_space<hbm>>
      tpu.enqueue_dma source(%dma_start3A_34 : memref<96x128xi32, #tpu.memory_space<hbm>>) target(%arg8 : memref<96x128xi32, #tpu.memory_space<vmem>>) target_semaphore(%run_scoped3A : memref<!tpu.dma_semaphore, #tpu.memory_space<semaphore_mem>>)
      %dma_wait3A_35 = arith.constant 0 : i32
      %dma_wait3A_36 = arith.constant 0 : i32
      %dma_wait3A_37 = tpu.memref_slice %arg4[%add3A, %dma_wait3A_35, %dma_wait3A_36] : memref<32x96x128xi32, #tpu.memory_space<hbm>> -> memref<1x96x128xi32, #tpu.memory_space<hbm>>
      %dma_wait3A_38 = tpu.memref_squeeze %dma_wait3A_37 : memref<1x96x128xi32, #tpu.memory_space<hbm>> -> memref<96x128xi32, #tpu.memory_space<hbm>>
      %dma_wait3A_39 = arith.constant 0 : i32
      %dma_wait3A_40 = arith.constant 0 : i32
      %dma_wait3A_41 = tpu.memref_slice %arg4[%add3A, %dma_wait3A_39, %dma_wait3A_40] : memref<32x96x128xi32, #tpu.memory_space<hbm>> -> memref<1x96x128xi32, #tpu.memory_space<hbm>>
      %dma_wait3A_42 = tpu.memref_squeeze %dma_wait3A_41 : memref<1x96x128xi32, #tpu.memory_space<hbm>> -> memref<96x128xi32, #tpu.memory_space<hbm>>
      tpu.wait_dma2 semaphore(%run_scoped3A : memref<!tpu.dma_semaphore, #tpu.memory_space<semaphore_mem>>) src(%dma_wait3A_42 : memref<96x128xi32, #tpu.memory_space<hbm>>) dst(%arg8 : memref<96x128xi32, #tpu.memory_space<vmem>>)
      tpu.yield
    }) : () -> ()
    %mul3A_1 = arith.constant 640 : i32
    %mul3A_2 = arith.muli %arg1, %mul3A_1 : i32
    "tpu.region"() ({
      %run_scoped3A = tpu.sem_alloc : memref<!tpu.dma_semaphore, #tpu.memory_space<semaphore_mem>>
      %dma_start3A_27 = arith.constant 0 : i32
      %dma_start3A_28 = tpu.memref_slice %arg15[%mul3A_2, %dma_start3A_27] : memref<10240x16xf32, #tpu.memory_space<vmem_shared>> -> memref<640x16xf32, #tpu.memory_space<vmem_shared>>
      tpu.enqueue_dma source(%arg5 : memref<640x16xf32, #tpu.memory_space<hbm>>) target(%dma_start3A_28 : memref<640x16xf32, #tpu.memory_space<vmem_shared>>) target_semaphore(%run_scoped3A : memref<!tpu.dma_semaphore, #tpu.memory_space<semaphore_mem>>)
      %dma_wait3A_29 = arith.constant 0 : i32
      %dma_wait3A_30 = tpu.memref_slice %arg15[%mul3A_2, %dma_wait3A_29] : memref<10240x16xf32, #tpu.memory_space<vmem_shared>> -> memref<640x16xf32, #tpu.memory_space<vmem_shared>>
      tpu.wait_dma2 semaphore(%run_scoped3A : memref<!tpu.dma_semaphore, #tpu.memory_space<semaphore_mem>>) src(%arg5 : memref<640x16xf32, #tpu.memory_space<hbm>>) dst(%dma_wait3A_30 : memref<640x16xf32, #tpu.memory_space<vmem_shared>>)
      tpu.yield
    }) : () -> ()
    %barrier3A = arith.constant 0 : index
    tpu.barrier barrier_id(%barrier3A)
    %dma_start3A = arith.constant 0 : i32
    %dma_start3A_3 = arith.constant 0 : i32
    %dma_start3A_4 = tpu.memref_slice %arg7[%dma_start3A, %dma_start3A_3] : memref<96x128xi32, #tpu.memory_space<vmem>> -> memref<1x128xi32, #tpu.memory_space<vmem>>
    %dma_start3A_5 = tpu.memref_squeeze %dma_start3A_4 : memref<1x128xi32, #tpu.memory_space<vmem>> -> memref<128xi32, #tpu.memory_space<vmem>>
    %dma_start3A_6 = arith.constant 0 : i32
    %dma_start3A_7 = arith.constant 0 : i32
    %dma_start3A_8 = tpu.memref_slice %arg2[%dma_start3A_6, %dma_start3A_7] : memref<10240x16xf32, #tpu.memory_space<hbm>> -> memref<10240x16xf32, #tpu.memory_space<hbm>>
    tpu.enqueue_indirect_dma source(%dma_start3A_8 : memref<10240x16xf32, #tpu.memory_space<hbm>>) target(%arg9 : memref<128x16xf32, #tpu.memory_space<vmem>>) offsets(%dma_start3A_5 : memref<128xi32, #tpu.memory_space<vmem>>) semaphore(%arg11 : memref<!tpu.dma_semaphore, #tpu.memory_space<semaphore_mem>>)
    %dma_wait3A = arith.constant 0 : i32
    %dma_wait3A_9 = arith.constant 0 : i32
    %dma_wait3A_10 = tpu.memref_slice %arg7[%dma_wait3A, %dma_wait3A_9] : memref<96x128xi32, #tpu.memory_space<vmem>> -> memref<1x128xi32, #tpu.memory_space<vmem>>
    %dma_wait3A_11 = tpu.memref_squeeze %dma_wait3A_10 : memref<1x128xi32, #tpu.memory_space<vmem>> -> memref<128xi32, #tpu.memory_space<vmem>>
    %dma_wait3A_12 = arith.constant 0 : i32
    %dma_wait3A_13 = arith.constant 0 : i32
    %dma_wait3A_14 = tpu.memref_slice %arg2[%dma_wait3A_12, %dma_wait3A_13] : memref<10240x16xf32, #tpu.memory_space<hbm>> -> memref<10240x16xf32, #tpu.memory_space<hbm>>
    tpu.wait_indirect_dma semaphore(%arg11 : memref<!tpu.dma_semaphore, #tpu.memory_space<semaphore_mem>>) src(%dma_wait3A_14 : memref<10240x16xf32, #tpu.memory_space<hbm>>) dst(%arg9 : memref<128x16xf32, #tpu.memory_space<vmem>>)
    %eq3A = arith.constant 0 : i32
    %eq3A_15 = arith.cmpi eq, %arg0, %eq3A : i32
    %jit3A = arith.constant 32 : i32
    %jit3A_16 = arith.constant 47 : i32
    %select_n3A = arith.select %eq3A_15, %jit3A, %jit3A_16 : i32
    %while3A = arith.constant 0 : i32
    %while3A_17 = arith.constant 0 : i32
    %while3A_18 = arith.subi %select_n3A, %while3A_17 : i32
    %while3A_19 = arith.addi %while3A_17, %while3A_18 : i32
    %while3A_20 = arith.constant 1 : i32
    %while3A_21 = arith.divsi %while3A_18, %while3A_20 : i32
    %while3A_22 = arith.muli %while3A_21, %while3A_20 : i32
    %while3A_23 = arith.addi %while3A_17, %while3A_22 : i32
    %while3A_24 = arith.constant 1 : i32
    scf.for %while3A_27 = %while3A_17 to %while3A_23 step %while3A_24  : i32 {
      %mul3A_28 = arith.constant 2 : i32
      %mul3A_29 = arith.muli %while3A_27, %mul3A_28 : i32
      %add3A_30 = arith.constant 1 : i32
      %add3A_31 = arith.addi %mul3A_29, %add3A_30 : i32
      %dma_start3A_32 = arith.constant 0 : i32
      %dma_start3A_33 = tpu.memref_slice %arg7[%add3A_31, %dma_start3A_32] : memref<96x128xi32, #tpu.memory_space<vmem>> -> memref<1x128xi32, #tpu.memory_space<vmem>>
      %dma_start3A_34 = tpu.memref_squeeze %dma_start3A_33 : memref<1x128xi32, #tpu.memory_space<vmem>> -> memref<128xi32, #tpu.memory_space<vmem>>
      %dma_start3A_35 = arith.constant 0 : i32
      %dma_start3A_36 = arith.constant 0 : i32
      %dma_start3A_37 = tpu.memref_slice %arg2[%dma_start3A_35, %dma_start3A_36] : memref<10240x16xf32, #tpu.memory_space<hbm>> -> memref<10240x16xf32, #tpu.memory_space<hbm>>
      tpu.enqueue_indirect_dma source(%dma_start3A_37 : memref<10240x16xf32, #tpu.memory_space<hbm>>) target(%arg10 : memref<128x16xf32, #tpu.memory_space<vmem>>) offsets(%dma_start3A_34 : memref<128xi32, #tpu.memory_space<vmem>>) semaphore(%arg12 : memref<!tpu.dma_semaphore, #tpu.memory_space<semaphore_mem>>)
      "tpu.region"() ({
        %run_scoped3A = tpu.sem_alloc : memref<!tpu.dma_semaphore, #tpu.memory_space<semaphore_mem>>
        %dma_start3A_60 = arith.constant 0 : i32
        %dma_start3A_61 = tpu.memref_slice %arg8[%mul3A_29, %dma_start3A_60] : memref<96x128xi32, #tpu.memory_space<vmem>> -> memref<1x128xi32, #tpu.memory_space<vmem>>
        %dma_start3A_62 = tpu.memref_squeeze %dma_start3A_61 : memref<1x128xi32, #tpu.memory_space<vmem>> -> memref<128xi32, #tpu.memory_space<vmem>>
        %dma_start3A_63 = arith.constant 0 : i32
        %dma_start3A_64 = arith.constant 0 : i32
        %dma_start3A_65 = tpu.memref_slice %arg15[%dma_start3A_63, %dma_start3A_64] : memref<10240x16xf32, #tpu.memory_space<vmem_shared>> -> memref<10240x16xf32, #tpu.memory_space<vmem_shared>>
        tpu.enqueue_indirect_dma source(%arg9 : memref<128x16xf32, #tpu.memory_space<vmem>>) target(%dma_start3A_65 : memref<10240x16xf32, #tpu.memory_space<vmem_shared>>) offsets(%dma_start3A_62 : memref<128xi32, #tpu.memory_space<vmem>>) semaphore(%run_scoped3A : memref<!tpu.dma_semaphore, #tpu.memory_space<semaphore_mem>>) {add = true}
        %dma_wait3A_66 = arith.constant 0 : i32
        %dma_wait3A_67 = tpu.memref_slice %arg8[%mul3A_29, %dma_wait3A_66] : memref<96x128xi32, #tpu.memory_space<vmem>> -> memref<1x128xi32, #tpu.memory_space<vmem>>
        %dma_wait3A_68 = tpu.memref_squeeze %dma_wait3A_67 : memref<1x128xi32, #tpu.memory_space<vmem>> -> memref<128xi32, #tpu.memory_space<vmem>>
        %dma_wait3A_69 = arith.constant 0 : i32
        %dma_wait3A_70 = arith.constant 0 : i32
        %dma_wait3A_71 = tpu.memref_slice %arg15[%dma_wait3A_69, %dma_wait3A_70] : memref<10240x16xf32, #tpu.memory_space<vmem_shared>> -> memref<10240x16xf32, #tpu.memory_space<vmem_shared>>
        tpu.wait_indirect_dma semaphore(%run_scoped3A : memref<!tpu.dma_semaphore, #tpu.memory_space<semaphore_mem>>) src(%arg9 : memref<128x16xf32, #tpu.memory_space<vmem>>) dst(%dma_wait3A_71 : memref<10240x16xf32, #tpu.memory_space<vmem_shared>>)
        tpu.yield
      }) : () -> ()
      %dma_wait3A_38 = arith.constant 0 : i32
      %dma_wait3A_39 = tpu.memref_slice %arg7[%add3A_31, %dma_wait3A_38] : memref<96x128xi32, #tpu.memory_space<vmem>> -> memref<1x128xi32, #tpu.memory_space<vmem>>
      %dma_wait3A_40 = tpu.memref_squeeze %dma_wait3A_39 : memref<1x128xi32, #tpu.memory_space<vmem>> -> memref<128xi32, #tpu.memory_space<vmem>>
      %dma_wait3A_41 = arith.constant 0 : i32
      %dma_wait3A_42 = arith.constant 0 : i32
      %dma_wait3A_43 = tpu.memref_slice %arg2[%dma_wait3A_41, %dma_wait3A_42] : memref<10240x16xf32, #tpu.memory_space<hbm>> -> memref<10240x16xf32, #tpu.memory_space<hbm>>
      tpu.wait_indirect_dma semaphore(%arg12 : memref<!tpu.dma_semaphore, #tpu.memory_space<semaphore_mem>>) src(%dma_wait3A_43 : memref<10240x16xf32, #tpu.memory_space<hbm>>) dst(%arg10 : memref<128x16xf32, #tpu.memory_space<vmem>>)
      %add3A_44 = arith.constant 2 : i32
      %add3A_45 = arith.addi %mul3A_29, %add3A_44 : i32
      %dma_start3A_46 = arith.constant 0 : i32
      %dma_start3A_47 = tpu.memref_slice %arg7[%add3A_45, %dma_start3A_46] : memref<96x128xi32, #tpu.memory_space<vmem>> -> memref<1x128xi32, #tpu.memory_space<vmem>>
      %dma_start3A_48 = tpu.memref_squeeze %dma_start3A_47 : memref<1x128xi32, #tpu.memory_space<vmem>> -> memref<128xi32, #tpu.memory_space<vmem>>
      %dma_start3A_49 = arith.constant 0 : i32
      %dma_start3A_50 = arith.constant 0 : i32
      %dma_start3A_51 = tpu.memref_slice %arg2[%dma_start3A_49, %dma_start3A_50] : memref<10240x16xf32, #tpu.memory_space<hbm>> -> memref<10240x16xf32, #tpu.memory_space<hbm>>
      tpu.enqueue_indirect_dma source(%dma_start3A_51 : memref<10240x16xf32, #tpu.memory_space<hbm>>) target(%arg9 : memref<128x16xf32, #tpu.memory_space<vmem>>) offsets(%dma_start3A_48 : memref<128xi32, #tpu.memory_space<vmem>>) semaphore(%arg11 : memref<!tpu.dma_semaphore, #tpu.memory_space<semaphore_mem>>)
      %add3A_52 = arith.constant 1 : i32
      %add3A_53 = arith.addi %mul3A_29, %add3A_52 : i32
      "tpu.region"() ({
        %run_scoped3A = tpu.sem_alloc : memref<!tpu.dma_semaphore, #tpu.memory_space<semaphore_mem>>
        %dma_start3A_60 = arith.constant 0 : i32
        %dma_start3A_61 = tpu.memref_slice %arg8[%add3A_53, %dma_start3A_60] : memref<96x128xi32, #tpu.memory_space<vmem>> -> memref<1x128xi32, #tpu.memory_space<vmem>>
        %dma_start3A_62 = tpu.memref_squeeze %dma_start3A_61 : memref<1x128xi32, #tpu.memory_space<vmem>> -> memref<128xi32, #tpu.memory_space<vmem>>
        %dma_start3A_63 = arith.constant 0 : i32
        %dma_start3A_64 = arith.constant 0 : i32
        %dma_start3A_65 = tpu.memref_slice %arg15[%dma_start3A_63, %dma_start3A_64] : memref<10240x16xf32, #tpu.memory_space<vmem_shared>> -> memref<10240x16xf32, #tpu.memory_space<vmem_shared>>
        tpu.enqueue_indirect_dma source(%arg10 : memref<128x16xf32, #tpu.memory_space<vmem>>) target(%dma_start3A_65 : memref<10240x16xf32, #tpu.memory_space<vmem_shared>>) offsets(%dma_start3A_62 : memref<128xi32, #tpu.memory_space<vmem>>) semaphore(%run_scoped3A : memref<!tpu.dma_semaphore, #tpu.memory_space<semaphore_mem>>) {add = true}
        %dma_wait3A_66 = arith.constant 0 : i32
        %dma_wait3A_67 = tpu.memref_slice %arg8[%add3A_53, %dma_wait3A_66] : memref<96x128xi32, #tpu.memory_space<vmem>> -> memref<1x128xi32, #tpu.memory_space<vmem>>
        %dma_wait3A_68 = tpu.memref_squeeze %dma_wait3A_67 : memref<1x128xi32, #tpu.memory_space<vmem>> -> memref<128xi32, #tpu.memory_space<vmem>>
        %dma_wait3A_69 = arith.constant 0 : i32
        %dma_wait3A_70 = arith.constant 0 : i32
        %dma_wait3A_71 = tpu.memref_slice %arg15[%dma_wait3A_69, %dma_wait3A_70] : memref<10240x16xf32, #tpu.memory_space<vmem_shared>> -> memref<10240x16xf32, #tpu.memory_space<vmem_shared>>
        tpu.wait_indirect_dma semaphore(%run_scoped3A : memref<!tpu.dma_semaphore, #tpu.memory_space<semaphore_mem>>) src(%arg10 : memref<128x16xf32, #tpu.memory_space<vmem>>) dst(%dma_wait3A_71 : memref<10240x16xf32, #tpu.memory_space<vmem_shared>>)
        tpu.yield
      }) : () -> ()
      %dma_wait3A_54 = arith.constant 0 : i32
      %dma_wait3A_55 = tpu.memref_slice %arg7[%add3A_45, %dma_wait3A_54] : memref<96x128xi32, #tpu.memory_space<vmem>> -> memref<1x128xi32, #tpu.memory_space<vmem>>
      %dma_wait3A_56 = tpu.memref_squeeze %dma_wait3A_55 : memref<1x128xi32, #tpu.memory_space<vmem>> -> memref<128xi32, #tpu.memory_space<vmem>>
      %dma_wait3A_57 = arith.constant 0 : i32
      %dma_wait3A_58 = arith.constant 0 : i32
      %dma_wait3A_59 = tpu.memref_slice %arg2[%dma_wait3A_57, %dma_wait3A_58] : memref<10240x16xf32, #tpu.memory_space<hbm>> -> memref<10240x16xf32, #tpu.memory_space<hbm>>
      tpu.wait_indirect_dma semaphore(%arg11 : memref<!tpu.dma_semaphore, #tpu.memory_space<semaphore_mem>>) src(%dma_wait3A_59 : memref<10240x16xf32, #tpu.memory_space<hbm>>) dst(%arg9 : memref<128x16xf32, #tpu.memory_space<vmem>>)
    }
    %while3A_25 = arith.constant 1 : i32
    scf.for %while3A_27 = %while3A_23 to %while3A_19 step %while3A_25  : i32 {
      %mul3A_28 = arith.constant 2 : i32
      %mul3A_29 = arith.muli %while3A_27, %mul3A_28 : i32
      %add3A_30 = arith.constant 1 : i32
      %add3A_31 = arith.addi %mul3A_29, %add3A_30 : i32
      %dma_start3A_32 = arith.constant 0 : i32
      %dma_start3A_33 = tpu.memref_slice %arg7[%add3A_31, %dma_start3A_32] : memref<96x128xi32, #tpu.memory_space<vmem>> -> memref<1x128xi32, #tpu.memory_space<vmem>>
      %dma_start3A_34 = tpu.memref_squeeze %dma_start3A_33 : memref<1x128xi32, #tpu.memory_space<vmem>> -> memref<128xi32, #tpu.memory_space<vmem>>
      %dma_start3A_35 = arith.constant 0 : i32
      %dma_start3A_36 = arith.constant 0 : i32
      %dma_start3A_37 = tpu.memref_slice %arg2[%dma_start3A_35, %dma_start3A_36] : memref<10240x16xf32, #tpu.memory_space<hbm>> -> memref<10240x16xf32, #tpu.memory_space<hbm>>
      tpu.enqueue_indirect_dma source(%dma_start3A_37 : memref<10240x16xf32, #tpu.memory_space<hbm>>) target(%arg10 : memref<128x16xf32, #tpu.memory_space<vmem>>) offsets(%dma_start3A_34 : memref<128xi32, #tpu.memory_space<vmem>>) semaphore(%arg12 : memref<!tpu.dma_semaphore, #tpu.memory_space<semaphore_mem>>)
      "tpu.region"() ({
        %run_scoped3A = tpu.sem_alloc : memref<!tpu.dma_semaphore, #tpu.memory_space<semaphore_mem>>
        %dma_start3A_60 = arith.constant 0 : i32
        %dma_start3A_61 = tpu.memref_slice %arg8[%mul3A_29, %dma_start3A_60] : memref<96x128xi32, #tpu.memory_space<vmem>> -> memref<1x128xi32, #tpu.memory_space<vmem>>
        %dma_start3A_62 = tpu.memref_squeeze %dma_start3A_61 : memref<1x128xi32, #tpu.memory_space<vmem>> -> memref<128xi32, #tpu.memory_space<vmem>>
        %dma_start3A_63 = arith.constant 0 : i32
        %dma_start3A_64 = arith.constant 0 : i32
        %dma_start3A_65 = tpu.memref_slice %arg15[%dma_start3A_63, %dma_start3A_64] : memref<10240x16xf32, #tpu.memory_space<vmem_shared>> -> memref<10240x16xf32, #tpu.memory_space<vmem_shared>>
        tpu.enqueue_indirect_dma source(%arg9 : memref<128x16xf32, #tpu.memory_space<vmem>>) target(%dma_start3A_65 : memref<10240x16xf32, #tpu.memory_space<vmem_shared>>) offsets(%dma_start3A_62 : memref<128xi32, #tpu.memory_space<vmem>>) semaphore(%run_scoped3A : memref<!tpu.dma_semaphore, #tpu.memory_space<semaphore_mem>>) {add = true}
        %dma_wait3A_66 = arith.constant 0 : i32
        %dma_wait3A_67 = tpu.memref_slice %arg8[%mul3A_29, %dma_wait3A_66] : memref<96x128xi32, #tpu.memory_space<vmem>> -> memref<1x128xi32, #tpu.memory_space<vmem>>
        %dma_wait3A_68 = tpu.memref_squeeze %dma_wait3A_67 : memref<1x128xi32, #tpu.memory_space<vmem>> -> memref<128xi32, #tpu.memory_space<vmem>>
        %dma_wait3A_69 = arith.constant 0 : i32
        %dma_wait3A_70 = arith.constant 0 : i32
        %dma_wait3A_71 = tpu.memref_slice %arg15[%dma_wait3A_69, %dma_wait3A_70] : memref<10240x16xf32, #tpu.memory_space<vmem_shared>> -> memref<10240x16xf32, #tpu.memory_space<vmem_shared>>
        tpu.wait_indirect_dma semaphore(%run_scoped3A : memref<!tpu.dma_semaphore, #tpu.memory_space<semaphore_mem>>) src(%arg9 : memref<128x16xf32, #tpu.memory_space<vmem>>) dst(%dma_wait3A_71 : memref<10240x16xf32, #tpu.memory_space<vmem_shared>>)
        tpu.yield
      }) : () -> ()
      %dma_wait3A_38 = arith.constant 0 : i32
      %dma_wait3A_39 = tpu.memref_slice %arg7[%add3A_31, %dma_wait3A_38] : memref<96x128xi32, #tpu.memory_space<vmem>> -> memref<1x128xi32, #tpu.memory_space<vmem>>
      %dma_wait3A_40 = tpu.memref_squeeze %dma_wait3A_39 : memref<1x128xi32, #tpu.memory_space<vmem>> -> memref<128xi32, #tpu.memory_space<vmem>>
      %dma_wait3A_41 = arith.constant 0 : i32
      %dma_wait3A_42 = arith.constant 0 : i32
      %dma_wait3A_43 = tpu.memref_slice %arg2[%dma_wait3A_41, %dma_wait3A_42] : memref<10240x16xf32, #tpu.memory_space<hbm>> -> memref<10240x16xf32, #tpu.memory_space<hbm>>
      tpu.wait_indirect_dma semaphore(%arg12 : memref<!tpu.dma_semaphore, #tpu.memory_space<semaphore_mem>>) src(%dma_wait3A_43 : memref<10240x16xf32, #tpu.memory_space<hbm>>) dst(%arg10 : memref<128x16xf32, #tpu.memory_space<vmem>>)
      %add3A_44 = arith.constant 2 : i32
      %add3A_45 = arith.addi %mul3A_29, %add3A_44 : i32
      %dma_start3A_46 = arith.constant 0 : i32
      %dma_start3A_47 = tpu.memref_slice %arg7[%add3A_45, %dma_start3A_46] : memref<96x128xi32, #tpu.memory_space<vmem>> -> memref<1x128xi32, #tpu.memory_space<vmem>>
      %dma_start3A_48 = tpu.memref_squeeze %dma_start3A_47 : memref<1x128xi32, #tpu.memory_space<vmem>> -> memref<128xi32, #tpu.memory_space<vmem>>
      %dma_start3A_49 = arith.constant 0 : i32
      %dma_start3A_50 = arith.constant 0 : i32
      %dma_start3A_51 = tpu.memref_slice %arg2[%dma_start3A_49, %dma_start3A_50] : memref<10240x16xf32, #tpu.memory_space<hbm>> -> memref<10240x16xf32, #tpu.memory_space<hbm>>
      tpu.enqueue_indirect_dma source(%dma_start3A_51 : memref<10240x16xf32, #tpu.memory_space<hbm>>) target(%arg9 : memref<128x16xf32, #tpu.memory_space<vmem>>) offsets(%dma_start3A_48 : memref<128xi32, #tpu.memory_space<vmem>>) semaphore(%arg11 : memref<!tpu.dma_semaphore, #tpu.memory_space<semaphore_mem>>)
      %add3A_52 = arith.constant 1 : i32
      %add3A_53 = arith.addi %mul3A_29, %add3A_52 : i32
      "tpu.region"() ({
        %run_scoped3A = tpu.sem_alloc : memref<!tpu.dma_semaphore, #tpu.memory_space<semaphore_mem>>
        %dma_start3A_60 = arith.constant 0 : i32
        %dma_start3A_61 = tpu.memref_slice %arg8[%add3A_53, %dma_start3A_60] : memref<96x128xi32, #tpu.memory_space<vmem>> -> memref<1x128xi32, #tpu.memory_space<vmem>>
        %dma_start3A_62 = tpu.memref_squeeze %dma_start3A_61 : memref<1x128xi32, #tpu.memory_space<vmem>> -> memref<128xi32, #tpu.memory_space<vmem>>
        %dma_start3A_63 = arith.constant 0 : i32
        %dma_start3A_64 = arith.constant 0 : i32
        %dma_start3A_65 = tpu.memref_slice %arg15[%dma_start3A_63, %dma_start3A_64] : memref<10240x16xf32, #tpu.memory_space<vmem_shared>> -> memref<10240x16xf32, #tpu.memory_space<vmem_shared>>
        tpu.enqueue_indirect_dma source(%arg10 : memref<128x16xf32, #tpu.memory_space<vmem>>) target(%dma_start3A_65 : memref<10240x16xf32, #tpu.memory_space<vmem_shared>>) offsets(%dma_start3A_62 : memref<128xi32, #tpu.memory_space<vmem>>) semaphore(%run_scoped3A : memref<!tpu.dma_semaphore, #tpu.memory_space<semaphore_mem>>) {add = true}
        %dma_wait3A_66 = arith.constant 0 : i32
        %dma_wait3A_67 = tpu.memref_slice %arg8[%add3A_53, %dma_wait3A_66] : memref<96x128xi32, #tpu.memory_space<vmem>> -> memref<1x128xi32, #tpu.memory_space<vmem>>
        %dma_wait3A_68 = tpu.memref_squeeze %dma_wait3A_67 : memref<1x128xi32, #tpu.memory_space<vmem>> -> memref<128xi32, #tpu.memory_space<vmem>>
        %dma_wait3A_69 = arith.constant 0 : i32
        %dma_wait3A_70 = arith.constant 0 : i32
        %dma_wait3A_71 = tpu.memref_slice %arg15[%dma_wait3A_69, %dma_wait3A_70] : memref<10240x16xf32, #tpu.memory_space<vmem_shared>> -> memref<10240x16xf32, #tpu.memory_space<vmem_shared>>
        tpu.wait_indirect_dma semaphore(%run_scoped3A : memref<!tpu.dma_semaphore, #tpu.memory_space<semaphore_mem>>) src(%arg10 : memref<128x16xf32, #tpu.memory_space<vmem>>) dst(%dma_wait3A_71 : memref<10240x16xf32, #tpu.memory_space<vmem_shared>>)
        tpu.yield
      }) : () -> ()
      %dma_wait3A_54 = arith.constant 0 : i32
      %dma_wait3A_55 = tpu.memref_slice %arg7[%add3A_45, %dma_wait3A_54] : memref<96x128xi32, #tpu.memory_space<vmem>> -> memref<1x128xi32, #tpu.memory_space<vmem>>
      %dma_wait3A_56 = tpu.memref_squeeze %dma_wait3A_55 : memref<1x128xi32, #tpu.memory_space<vmem>> -> memref<128xi32, #tpu.memory_space<vmem>>
      %dma_wait3A_57 = arith.constant 0 : i32
      %dma_wait3A_58 = arith.constant 0 : i32
      %dma_wait3A_59 = tpu.memref_slice %arg2[%dma_wait3A_57, %dma_wait3A_58] : memref<10240x16xf32, #tpu.memory_space<hbm>> -> memref<10240x16xf32, #tpu.memory_space<hbm>>
      tpu.wait_indirect_dma semaphore(%arg11 : memref<!tpu.dma_semaphore, #tpu.memory_space<semaphore_mem>>) src(%dma_wait3A_59 : memref<10240x16xf32, #tpu.memory_space<hbm>>) dst(%arg9 : memref<128x16xf32, #tpu.memory_space<vmem>>)
    }
    %barrier3A_26 = arith.constant 0 : index
    tpu.barrier barrier_id(%barrier3A_26)
    "tpu.region"() ({
      %run_scoped3A = tpu.sem_alloc : memref<!tpu.dma_semaphore, #tpu.memory_space<semaphore_mem>>
      %dma_start3A_27 = arith.constant 0 : i32
      %dma_start3A_28 = tpu.memref_slice %arg6[%arg0, %mul3A_2, %dma_start3A_27] : memref<2x10240x16xf32, #tpu.memory_space<hbm>> -> memref<1x640x16xf32, #tpu.memory_space<hbm>>
      %dma_start3A_29 = tpu.memref_squeeze %dma_start3A_28 : memref<1x640x16xf32, #tpu.memory_space<hbm>> -> memref<640x16xf32, #tpu.memory_space<hbm>>
      %dma_start3A_30 = arith.constant 0 : i32
      %dma_start3A_31 = tpu.memref_slice %arg15[%mul3A_2, %dma_start3A_30] : memref<10240x16xf32, #tpu.memory_space<vmem_shared>> -> memref<640x16xf32, #tpu.memory_space<vmem_shared>>
      tpu.enqueue_dma source(%dma_start3A_31 : memref<640x16xf32, #tpu.memory_space<vmem_shared>>) target(%dma_start3A_29 : memref<640x16xf32, #tpu.memory_space<hbm>>) target_semaphore(%run_scoped3A : memref<!tpu.dma_semaphore, #tpu.memory_space<semaphore_mem>>)
      %dma_wait3A_32 = arith.constant 0 : i32
      %dma_wait3A_33 = tpu.memref_slice %arg6[%arg0, %mul3A_2, %dma_wait3A_32] : memref<2x10240x16xf32, #tpu.memory_space<hbm>> -> memref<1x640x16xf32, #tpu.memory_space<hbm>>
      %dma_wait3A_34 = tpu.memref_squeeze %dma_wait3A_33 : memref<1x640x16xf32, #tpu.memory_space<hbm>> -> memref<640x16xf32, #tpu.memory_space<hbm>>
      %dma_wait3A_35 = arith.constant 0 : i32
      %dma_wait3A_36 = tpu.memref_slice %arg15[%mul3A_2, %dma_wait3A_35] : memref<10240x16xf32, #tpu.memory_space<vmem_shared>> -> memref<640x16xf32, #tpu.memory_space<vmem_shared>>
      tpu.wait_dma2 semaphore(%run_scoped3A : memref<!tpu.dma_semaphore, #tpu.memory_space<semaphore_mem>>) src(%dma_wait3A_36 : memref<640x16xf32, #tpu.memory_space<vmem_shared>>) dst(%dma_wait3A_34 : memref<640x16xf32, #tpu.memory_space<hbm>>)
      tpu.yield
    }) : () -> ()
    return
  }
}

#map = affine_map<(d0, d1) -> (0, 0)>
#map1 = affine_map<(d0, d1) -> (0, 0, 0)>
module attributes {stable_mosaic.version = 14 : i64} {
  func.func @agg(%arg0: i32, %arg1: i32, %arg2: memref<10240x64xf32, #tpu.memory_space<hbm>>, %arg3: memref<32x96x128xi32, #tpu.memory_space<hbm>>, %arg4: memref<32x96x128xi32, #tpu.memory_space<hbm>>, %arg5: memref<640x64xf32, #tpu.memory_space<hbm>>, %arg6: memref<2x10240x64xf32, #tpu.memory_space<hbm>>, %arg7: memref<96x128xi32, #tpu.memory_space<vmem>>, %arg8: memref<96x128xi32, #tpu.memory_space<vmem>>, %arg9: memref<128x64xf32, #tpu.memory_space<vmem>>, %arg10: memref<128x64xf32, #tpu.memory_space<vmem>>, %arg11: memref<!tpu.dma_semaphore, #tpu.memory_space<semaphore_mem>>, %arg12: memref<!tpu.dma_semaphore, #tpu.memory_space<semaphore_mem>>, %arg13: memref<!tpu.dma_semaphore, #tpu.memory_space<semaphore_mem>>, %arg14: memref<!tpu.dma_semaphore, #tpu.memory_space<semaphore_mem>>, %arg15: memref<10240x64xf32, #tpu.memory_space<vmem_shared>>) attributes {dimension_semantics = [#tpu.dimension_semantics<core_parallel>, #tpu.dimension_semantics<subcore_parallel>], iteration_bounds = array<i64: 2, 16>, scalar_prefetch = 0 : i64, scratch_operands = 9 : i64, tpu.core_type = #tpu.core_type<sc_vector_subcore>, window_params = [{transform_indices = #map}, {transform_indices = #map1}, {transform_indices = #map1}, {transform_indices = #map}, {transform_indices = #map1}]} {
    %mul3A = arith.constant 16 : i32
    %mul3A_0 = arith.muli %arg0, %mul3A : i32
    %add3A = arith.addi %mul3A_0, %arg1 : i32
    "tpu.region"() ({
      %run_scoped3A = tpu.sem_alloc : memref<!tpu.dma_semaphore, #tpu.memory_space<semaphore_mem>>
      %dma_start3A_27 = arith.constant 0 : i32
      %dma_start3A_28 = arith.constant 0 : i32
      %dma_start3A_29 = tpu.memref_slice %arg3[%add3A, %dma_start3A_27, %dma_start3A_28] : memref<32x96x128xi32, #tpu.memory_space<hbm>> -> memref<1x96x128xi32, #tpu.memory_space<hbm>>
      %dma_start3A_30 = tpu.memref_squeeze %dma_start3A_29 : memref<1x96x128xi32, #tpu.memory_space<hbm>> -> memref<96x128xi32, #tpu.memory_space<hbm>>
      %dma_start3A_31 = arith.constant 0 : i32
      %dma_start3A_32 = arith.constant 0 : i32
      %dma_start3A_33 = tpu.memref_slice %arg3[%add3A, %dma_start3A_31, %dma_start3A_32] : memref<32x96x128xi32, #tpu.memory_space<hbm>> -> memref<1x96x128xi32, #tpu.memory_space<hbm>>
      %dma_start3A_34 = tpu.memref_squeeze %dma_start3A_33 : memref<1x96x128xi32, #tpu.memory_space<hbm>> -> memref<96x128xi32, #tpu.memory_space<hbm>>
      tpu.enqueue_dma source(%dma_start3A_34 : memref<96x128xi32, #tpu.memory_space<hbm>>) target(%arg7 : memref<96x128xi32, #tpu.memory_space<vmem>>) target_semaphore(%run_scoped3A : memref<!tpu.dma_semaphore, #tpu.memory_space<semaphore_mem>>)
      %dma_wait3A_35 = arith.constant 0 : i32
      %dma_wait3A_36 = arith.constant 0 : i32
      %dma_wait3A_37 = tpu.memref_slice %arg3[%add3A, %dma_wait3A_35, %dma_wait3A_36] : memref<32x96x128xi32, #tpu.memory_space<hbm>> -> memref<1x96x128xi32, #tpu.memory_space<hbm>>
      %dma_wait3A_38 = tpu.memref_squeeze %dma_wait3A_37 : memref<1x96x128xi32, #tpu.memory_space<hbm>> -> memref<96x128xi32, #tpu.memory_space<hbm>>
      %dma_wait3A_39 = arith.constant 0 : i32
      %dma_wait3A_40 = arith.constant 0 : i32
      %dma_wait3A_41 = tpu.memref_slice %arg3[%add3A, %dma_wait3A_39, %dma_wait3A_40] : memref<32x96x128xi32, #tpu.memory_space<hbm>> -> memref<1x96x128xi32, #tpu.memory_space<hbm>>
      %dma_wait3A_42 = tpu.memref_squeeze %dma_wait3A_41 : memref<1x96x128xi32, #tpu.memory_space<hbm>> -> memref<96x128xi32, #tpu.memory_space<hbm>>
      tpu.wait_dma2 semaphore(%run_scoped3A : memref<!tpu.dma_semaphore, #tpu.memory_space<semaphore_mem>>) src(%dma_wait3A_42 : memref<96x128xi32, #tpu.memory_space<hbm>>) dst(%arg7 : memref<96x128xi32, #tpu.memory_space<vmem>>)
      tpu.yield
    }) : () -> ()
    "tpu.region"() ({
      %run_scoped3A = tpu.sem_alloc : memref<!tpu.dma_semaphore, #tpu.memory_space<semaphore_mem>>
      %dma_start3A_27 = arith.constant 0 : i32
      %dma_start3A_28 = arith.constant 0 : i32
      %dma_start3A_29 = tpu.memref_slice %arg4[%add3A, %dma_start3A_27, %dma_start3A_28] : memref<32x96x128xi32, #tpu.memory_space<hbm>> -> memref<1x96x128xi32, #tpu.memory_space<hbm>>
      %dma_start3A_30 = tpu.memref_squeeze %dma_start3A_29 : memref<1x96x128xi32, #tpu.memory_space<hbm>> -> memref<96x128xi32, #tpu.memory_space<hbm>>
      %dma_start3A_31 = arith.constant 0 : i32
      %dma_start3A_32 = arith.constant 0 : i32
      %dma_start3A_33 = tpu.memref_slice %arg4[%add3A, %dma_start3A_31, %dma_start3A_32] : memref<32x96x128xi32, #tpu.memory_space<hbm>> -> memref<1x96x128xi32, #tpu.memory_space<hbm>>
      %dma_start3A_34 = tpu.memref_squeeze %dma_start3A_33 : memref<1x96x128xi32, #tpu.memory_space<hbm>> -> memref<96x128xi32, #tpu.memory_space<hbm>>
      tpu.enqueue_dma source(%dma_start3A_34 : memref<96x128xi32, #tpu.memory_space<hbm>>) target(%arg8 : memref<96x128xi32, #tpu.memory_space<vmem>>) target_semaphore(%run_scoped3A : memref<!tpu.dma_semaphore, #tpu.memory_space<semaphore_mem>>)
      %dma_wait3A_35 = arith.constant 0 : i32
      %dma_wait3A_36 = arith.constant 0 : i32
      %dma_wait3A_37 = tpu.memref_slice %arg4[%add3A, %dma_wait3A_35, %dma_wait3A_36] : memref<32x96x128xi32, #tpu.memory_space<hbm>> -> memref<1x96x128xi32, #tpu.memory_space<hbm>>
      %dma_wait3A_38 = tpu.memref_squeeze %dma_wait3A_37 : memref<1x96x128xi32, #tpu.memory_space<hbm>> -> memref<96x128xi32, #tpu.memory_space<hbm>>
      %dma_wait3A_39 = arith.constant 0 : i32
      %dma_wait3A_40 = arith.constant 0 : i32
      %dma_wait3A_41 = tpu.memref_slice %arg4[%add3A, %dma_wait3A_39, %dma_wait3A_40] : memref<32x96x128xi32, #tpu.memory_space<hbm>> -> memref<1x96x128xi32, #tpu.memory_space<hbm>>
      %dma_wait3A_42 = tpu.memref_squeeze %dma_wait3A_41 : memref<1x96x128xi32, #tpu.memory_space<hbm>> -> memref<96x128xi32, #tpu.memory_space<hbm>>
      tpu.wait_dma2 semaphore(%run_scoped3A : memref<!tpu.dma_semaphore, #tpu.memory_space<semaphore_mem>>) src(%dma_wait3A_42 : memref<96x128xi32, #tpu.memory_space<hbm>>) dst(%arg8 : memref<96x128xi32, #tpu.memory_space<vmem>>)
      tpu.yield
    }) : () -> ()
    %mul3A_1 = arith.constant 640 : i32
    %mul3A_2 = arith.muli %arg1, %mul3A_1 : i32
    "tpu.region"() ({
      %run_scoped3A = tpu.sem_alloc : memref<!tpu.dma_semaphore, #tpu.memory_space<semaphore_mem>>
      %dma_start3A_27 = arith.constant 0 : i32
      %dma_start3A_28 = tpu.memref_slice %arg15[%mul3A_2, %dma_start3A_27] : memref<10240x64xf32, #tpu.memory_space<vmem_shared>> -> memref<640x64xf32, #tpu.memory_space<vmem_shared>>
      tpu.enqueue_dma source(%arg5 : memref<640x64xf32, #tpu.memory_space<hbm>>) target(%dma_start3A_28 : memref<640x64xf32, #tpu.memory_space<vmem_shared>>) target_semaphore(%run_scoped3A : memref<!tpu.dma_semaphore, #tpu.memory_space<semaphore_mem>>)
      %dma_wait3A_29 = arith.constant 0 : i32
      %dma_wait3A_30 = tpu.memref_slice %arg15[%mul3A_2, %dma_wait3A_29] : memref<10240x64xf32, #tpu.memory_space<vmem_shared>> -> memref<640x64xf32, #tpu.memory_space<vmem_shared>>
      tpu.wait_dma2 semaphore(%run_scoped3A : memref<!tpu.dma_semaphore, #tpu.memory_space<semaphore_mem>>) src(%arg5 : memref<640x64xf32, #tpu.memory_space<hbm>>) dst(%dma_wait3A_30 : memref<640x64xf32, #tpu.memory_space<vmem_shared>>)
      tpu.yield
    }) : () -> ()
    %barrier3A = arith.constant 0 : index
    tpu.barrier barrier_id(%barrier3A)
    %dma_start3A = arith.constant 0 : i32
    %dma_start3A_3 = arith.constant 0 : i32
    %dma_start3A_4 = tpu.memref_slice %arg7[%dma_start3A, %dma_start3A_3] : memref<96x128xi32, #tpu.memory_space<vmem>> -> memref<1x128xi32, #tpu.memory_space<vmem>>
    %dma_start3A_5 = tpu.memref_squeeze %dma_start3A_4 : memref<1x128xi32, #tpu.memory_space<vmem>> -> memref<128xi32, #tpu.memory_space<vmem>>
    %dma_start3A_6 = arith.constant 0 : i32
    %dma_start3A_7 = arith.constant 0 : i32
    %dma_start3A_8 = tpu.memref_slice %arg2[%dma_start3A_6, %dma_start3A_7] : memref<10240x64xf32, #tpu.memory_space<hbm>> -> memref<10240x64xf32, #tpu.memory_space<hbm>>
    tpu.enqueue_indirect_dma source(%dma_start3A_8 : memref<10240x64xf32, #tpu.memory_space<hbm>>) target(%arg9 : memref<128x64xf32, #tpu.memory_space<vmem>>) offsets(%dma_start3A_5 : memref<128xi32, #tpu.memory_space<vmem>>) semaphore(%arg11 : memref<!tpu.dma_semaphore, #tpu.memory_space<semaphore_mem>>)
    %dma_wait3A = arith.constant 0 : i32
    %dma_wait3A_9 = arith.constant 0 : i32
    %dma_wait3A_10 = tpu.memref_slice %arg7[%dma_wait3A, %dma_wait3A_9] : memref<96x128xi32, #tpu.memory_space<vmem>> -> memref<1x128xi32, #tpu.memory_space<vmem>>
    %dma_wait3A_11 = tpu.memref_squeeze %dma_wait3A_10 : memref<1x128xi32, #tpu.memory_space<vmem>> -> memref<128xi32, #tpu.memory_space<vmem>>
    %dma_wait3A_12 = arith.constant 0 : i32
    %dma_wait3A_13 = arith.constant 0 : i32
    %dma_wait3A_14 = tpu.memref_slice %arg2[%dma_wait3A_12, %dma_wait3A_13] : memref<10240x64xf32, #tpu.memory_space<hbm>> -> memref<10240x64xf32, #tpu.memory_space<hbm>>
    tpu.wait_indirect_dma semaphore(%arg11 : memref<!tpu.dma_semaphore, #tpu.memory_space<semaphore_mem>>) src(%dma_wait3A_14 : memref<10240x64xf32, #tpu.memory_space<hbm>>) dst(%arg9 : memref<128x64xf32, #tpu.memory_space<vmem>>)
    %eq3A = arith.constant 0 : i32
    %eq3A_15 = arith.cmpi eq, %arg0, %eq3A : i32
    %jit3A = arith.constant 32 : i32
    %jit3A_16 = arith.constant 47 : i32
    %select_n3A = arith.select %eq3A_15, %jit3A, %jit3A_16 : i32
    %while3A = arith.constant 0 : i32
    %while3A_17 = arith.constant 0 : i32
    %while3A_18 = arith.subi %select_n3A, %while3A_17 : i32
    %while3A_19 = arith.addi %while3A_17, %while3A_18 : i32
    %while3A_20 = arith.constant 1 : i32
    %while3A_21 = arith.divsi %while3A_18, %while3A_20 : i32
    %while3A_22 = arith.muli %while3A_21, %while3A_20 : i32
    %while3A_23 = arith.addi %while3A_17, %while3A_22 : i32
    %while3A_24 = arith.constant 1 : i32
    scf.for %while3A_27 = %while3A_17 to %while3A_23 step %while3A_24  : i32 {
      %mul3A_28 = arith.constant 2 : i32
      %mul3A_29 = arith.muli %while3A_27, %mul3A_28 : i32
      %add3A_30 = arith.constant 1 : i32
      %add3A_31 = arith.addi %mul3A_29, %add3A_30 : i32
      %dma_start3A_32 = arith.constant 0 : i32
      %dma_start3A_33 = tpu.memref_slice %arg7[%add3A_31, %dma_start3A_32] : memref<96x128xi32, #tpu.memory_space<vmem>> -> memref<1x128xi32, #tpu.memory_space<vmem>>
      %dma_start3A_34 = tpu.memref_squeeze %dma_start3A_33 : memref<1x128xi32, #tpu.memory_space<vmem>> -> memref<128xi32, #tpu.memory_space<vmem>>
      %dma_start3A_35 = arith.constant 0 : i32
      %dma_start3A_36 = arith.constant 0 : i32
      %dma_start3A_37 = tpu.memref_slice %arg2[%dma_start3A_35, %dma_start3A_36] : memref<10240x64xf32, #tpu.memory_space<hbm>> -> memref<10240x64xf32, #tpu.memory_space<hbm>>
      tpu.enqueue_indirect_dma source(%dma_start3A_37 : memref<10240x64xf32, #tpu.memory_space<hbm>>) target(%arg10 : memref<128x64xf32, #tpu.memory_space<vmem>>) offsets(%dma_start3A_34 : memref<128xi32, #tpu.memory_space<vmem>>) semaphore(%arg12 : memref<!tpu.dma_semaphore, #tpu.memory_space<semaphore_mem>>)
      "tpu.region"() ({
        %run_scoped3A = tpu.sem_alloc : memref<!tpu.dma_semaphore, #tpu.memory_space<semaphore_mem>>
        %dma_start3A_60 = arith.constant 0 : i32
        %dma_start3A_61 = tpu.memref_slice %arg8[%mul3A_29, %dma_start3A_60] : memref<96x128xi32, #tpu.memory_space<vmem>> -> memref<1x128xi32, #tpu.memory_space<vmem>>
        %dma_start3A_62 = tpu.memref_squeeze %dma_start3A_61 : memref<1x128xi32, #tpu.memory_space<vmem>> -> memref<128xi32, #tpu.memory_space<vmem>>
        %dma_start3A_63 = arith.constant 0 : i32
        %dma_start3A_64 = arith.constant 0 : i32
        %dma_start3A_65 = tpu.memref_slice %arg15[%dma_start3A_63, %dma_start3A_64] : memref<10240x64xf32, #tpu.memory_space<vmem_shared>> -> memref<10240x64xf32, #tpu.memory_space<vmem_shared>>
        tpu.enqueue_indirect_dma source(%arg9 : memref<128x64xf32, #tpu.memory_space<vmem>>) target(%dma_start3A_65 : memref<10240x64xf32, #tpu.memory_space<vmem_shared>>) offsets(%dma_start3A_62 : memref<128xi32, #tpu.memory_space<vmem>>) semaphore(%run_scoped3A : memref<!tpu.dma_semaphore, #tpu.memory_space<semaphore_mem>>) {add = true}
        %dma_wait3A_66 = arith.constant 0 : i32
        %dma_wait3A_67 = tpu.memref_slice %arg8[%mul3A_29, %dma_wait3A_66] : memref<96x128xi32, #tpu.memory_space<vmem>> -> memref<1x128xi32, #tpu.memory_space<vmem>>
        %dma_wait3A_68 = tpu.memref_squeeze %dma_wait3A_67 : memref<1x128xi32, #tpu.memory_space<vmem>> -> memref<128xi32, #tpu.memory_space<vmem>>
        %dma_wait3A_69 = arith.constant 0 : i32
        %dma_wait3A_70 = arith.constant 0 : i32
        %dma_wait3A_71 = tpu.memref_slice %arg15[%dma_wait3A_69, %dma_wait3A_70] : memref<10240x64xf32, #tpu.memory_space<vmem_shared>> -> memref<10240x64xf32, #tpu.memory_space<vmem_shared>>
        tpu.wait_indirect_dma semaphore(%run_scoped3A : memref<!tpu.dma_semaphore, #tpu.memory_space<semaphore_mem>>) src(%arg9 : memref<128x64xf32, #tpu.memory_space<vmem>>) dst(%dma_wait3A_71 : memref<10240x64xf32, #tpu.memory_space<vmem_shared>>)
        tpu.yield
      }) : () -> ()
      %dma_wait3A_38 = arith.constant 0 : i32
      %dma_wait3A_39 = tpu.memref_slice %arg7[%add3A_31, %dma_wait3A_38] : memref<96x128xi32, #tpu.memory_space<vmem>> -> memref<1x128xi32, #tpu.memory_space<vmem>>
      %dma_wait3A_40 = tpu.memref_squeeze %dma_wait3A_39 : memref<1x128xi32, #tpu.memory_space<vmem>> -> memref<128xi32, #tpu.memory_space<vmem>>
      %dma_wait3A_41 = arith.constant 0 : i32
      %dma_wait3A_42 = arith.constant 0 : i32
      %dma_wait3A_43 = tpu.memref_slice %arg2[%dma_wait3A_41, %dma_wait3A_42] : memref<10240x64xf32, #tpu.memory_space<hbm>> -> memref<10240x64xf32, #tpu.memory_space<hbm>>
      tpu.wait_indirect_dma semaphore(%arg12 : memref<!tpu.dma_semaphore, #tpu.memory_space<semaphore_mem>>) src(%dma_wait3A_43 : memref<10240x64xf32, #tpu.memory_space<hbm>>) dst(%arg10 : memref<128x64xf32, #tpu.memory_space<vmem>>)
      %add3A_44 = arith.constant 2 : i32
      %add3A_45 = arith.addi %mul3A_29, %add3A_44 : i32
      %dma_start3A_46 = arith.constant 0 : i32
      %dma_start3A_47 = tpu.memref_slice %arg7[%add3A_45, %dma_start3A_46] : memref<96x128xi32, #tpu.memory_space<vmem>> -> memref<1x128xi32, #tpu.memory_space<vmem>>
      %dma_start3A_48 = tpu.memref_squeeze %dma_start3A_47 : memref<1x128xi32, #tpu.memory_space<vmem>> -> memref<128xi32, #tpu.memory_space<vmem>>
      %dma_start3A_49 = arith.constant 0 : i32
      %dma_start3A_50 = arith.constant 0 : i32
      %dma_start3A_51 = tpu.memref_slice %arg2[%dma_start3A_49, %dma_start3A_50] : memref<10240x64xf32, #tpu.memory_space<hbm>> -> memref<10240x64xf32, #tpu.memory_space<hbm>>
      tpu.enqueue_indirect_dma source(%dma_start3A_51 : memref<10240x64xf32, #tpu.memory_space<hbm>>) target(%arg9 : memref<128x64xf32, #tpu.memory_space<vmem>>) offsets(%dma_start3A_48 : memref<128xi32, #tpu.memory_space<vmem>>) semaphore(%arg11 : memref<!tpu.dma_semaphore, #tpu.memory_space<semaphore_mem>>)
      %add3A_52 = arith.constant 1 : i32
      %add3A_53 = arith.addi %mul3A_29, %add3A_52 : i32
      "tpu.region"() ({
        %run_scoped3A = tpu.sem_alloc : memref<!tpu.dma_semaphore, #tpu.memory_space<semaphore_mem>>
        %dma_start3A_60 = arith.constant 0 : i32
        %dma_start3A_61 = tpu.memref_slice %arg8[%add3A_53, %dma_start3A_60] : memref<96x128xi32, #tpu.memory_space<vmem>> -> memref<1x128xi32, #tpu.memory_space<vmem>>
        %dma_start3A_62 = tpu.memref_squeeze %dma_start3A_61 : memref<1x128xi32, #tpu.memory_space<vmem>> -> memref<128xi32, #tpu.memory_space<vmem>>
        %dma_start3A_63 = arith.constant 0 : i32
        %dma_start3A_64 = arith.constant 0 : i32
        %dma_start3A_65 = tpu.memref_slice %arg15[%dma_start3A_63, %dma_start3A_64] : memref<10240x64xf32, #tpu.memory_space<vmem_shared>> -> memref<10240x64xf32, #tpu.memory_space<vmem_shared>>
        tpu.enqueue_indirect_dma source(%arg10 : memref<128x64xf32, #tpu.memory_space<vmem>>) target(%dma_start3A_65 : memref<10240x64xf32, #tpu.memory_space<vmem_shared>>) offsets(%dma_start3A_62 : memref<128xi32, #tpu.memory_space<vmem>>) semaphore(%run_scoped3A : memref<!tpu.dma_semaphore, #tpu.memory_space<semaphore_mem>>) {add = true}
        %dma_wait3A_66 = arith.constant 0 : i32
        %dma_wait3A_67 = tpu.memref_slice %arg8[%add3A_53, %dma_wait3A_66] : memref<96x128xi32, #tpu.memory_space<vmem>> -> memref<1x128xi32, #tpu.memory_space<vmem>>
        %dma_wait3A_68 = tpu.memref_squeeze %dma_wait3A_67 : memref<1x128xi32, #tpu.memory_space<vmem>> -> memref<128xi32, #tpu.memory_space<vmem>>
        %dma_wait3A_69 = arith.constant 0 : i32
        %dma_wait3A_70 = arith.constant 0 : i32
        %dma_wait3A_71 = tpu.memref_slice %arg15[%dma_wait3A_69, %dma_wait3A_70] : memref<10240x64xf32, #tpu.memory_space<vmem_shared>> -> memref<10240x64xf32, #tpu.memory_space<vmem_shared>>
        tpu.wait_indirect_dma semaphore(%run_scoped3A : memref<!tpu.dma_semaphore, #tpu.memory_space<semaphore_mem>>) src(%arg10 : memref<128x64xf32, #tpu.memory_space<vmem>>) dst(%dma_wait3A_71 : memref<10240x64xf32, #tpu.memory_space<vmem_shared>>)
        tpu.yield
      }) : () -> ()
      %dma_wait3A_54 = arith.constant 0 : i32
      %dma_wait3A_55 = tpu.memref_slice %arg7[%add3A_45, %dma_wait3A_54] : memref<96x128xi32, #tpu.memory_space<vmem>> -> memref<1x128xi32, #tpu.memory_space<vmem>>
      %dma_wait3A_56 = tpu.memref_squeeze %dma_wait3A_55 : memref<1x128xi32, #tpu.memory_space<vmem>> -> memref<128xi32, #tpu.memory_space<vmem>>
      %dma_wait3A_57 = arith.constant 0 : i32
      %dma_wait3A_58 = arith.constant 0 : i32
      %dma_wait3A_59 = tpu.memref_slice %arg2[%dma_wait3A_57, %dma_wait3A_58] : memref<10240x64xf32, #tpu.memory_space<hbm>> -> memref<10240x64xf32, #tpu.memory_space<hbm>>
      tpu.wait_indirect_dma semaphore(%arg11 : memref<!tpu.dma_semaphore, #tpu.memory_space<semaphore_mem>>) src(%dma_wait3A_59 : memref<10240x64xf32, #tpu.memory_space<hbm>>) dst(%arg9 : memref<128x64xf32, #tpu.memory_space<vmem>>)
    }
    %while3A_25 = arith.constant 1 : i32
    scf.for %while3A_27 = %while3A_23 to %while3A_19 step %while3A_25  : i32 {
      %mul3A_28 = arith.constant 2 : i32
      %mul3A_29 = arith.muli %while3A_27, %mul3A_28 : i32
      %add3A_30 = arith.constant 1 : i32
      %add3A_31 = arith.addi %mul3A_29, %add3A_30 : i32
      %dma_start3A_32 = arith.constant 0 : i32
      %dma_start3A_33 = tpu.memref_slice %arg7[%add3A_31, %dma_start3A_32] : memref<96x128xi32, #tpu.memory_space<vmem>> -> memref<1x128xi32, #tpu.memory_space<vmem>>
      %dma_start3A_34 = tpu.memref_squeeze %dma_start3A_33 : memref<1x128xi32, #tpu.memory_space<vmem>> -> memref<128xi32, #tpu.memory_space<vmem>>
      %dma_start3A_35 = arith.constant 0 : i32
      %dma_start3A_36 = arith.constant 0 : i32
      %dma_start3A_37 = tpu.memref_slice %arg2[%dma_start3A_35, %dma_start3A_36] : memref<10240x64xf32, #tpu.memory_space<hbm>> -> memref<10240x64xf32, #tpu.memory_space<hbm>>
      tpu.enqueue_indirect_dma source(%dma_start3A_37 : memref<10240x64xf32, #tpu.memory_space<hbm>>) target(%arg10 : memref<128x64xf32, #tpu.memory_space<vmem>>) offsets(%dma_start3A_34 : memref<128xi32, #tpu.memory_space<vmem>>) semaphore(%arg12 : memref<!tpu.dma_semaphore, #tpu.memory_space<semaphore_mem>>)
      "tpu.region"() ({
        %run_scoped3A = tpu.sem_alloc : memref<!tpu.dma_semaphore, #tpu.memory_space<semaphore_mem>>
        %dma_start3A_60 = arith.constant 0 : i32
        %dma_start3A_61 = tpu.memref_slice %arg8[%mul3A_29, %dma_start3A_60] : memref<96x128xi32, #tpu.memory_space<vmem>> -> memref<1x128xi32, #tpu.memory_space<vmem>>
        %dma_start3A_62 = tpu.memref_squeeze %dma_start3A_61 : memref<1x128xi32, #tpu.memory_space<vmem>> -> memref<128xi32, #tpu.memory_space<vmem>>
        %dma_start3A_63 = arith.constant 0 : i32
        %dma_start3A_64 = arith.constant 0 : i32
        %dma_start3A_65 = tpu.memref_slice %arg15[%dma_start3A_63, %dma_start3A_64] : memref<10240x64xf32, #tpu.memory_space<vmem_shared>> -> memref<10240x64xf32, #tpu.memory_space<vmem_shared>>
        tpu.enqueue_indirect_dma source(%arg9 : memref<128x64xf32, #tpu.memory_space<vmem>>) target(%dma_start3A_65 : memref<10240x64xf32, #tpu.memory_space<vmem_shared>>) offsets(%dma_start3A_62 : memref<128xi32, #tpu.memory_space<vmem>>) semaphore(%run_scoped3A : memref<!tpu.dma_semaphore, #tpu.memory_space<semaphore_mem>>) {add = true}
        %dma_wait3A_66 = arith.constant 0 : i32
        %dma_wait3A_67 = tpu.memref_slice %arg8[%mul3A_29, %dma_wait3A_66] : memref<96x128xi32, #tpu.memory_space<vmem>> -> memref<1x128xi32, #tpu.memory_space<vmem>>
        %dma_wait3A_68 = tpu.memref_squeeze %dma_wait3A_67 : memref<1x128xi32, #tpu.memory_space<vmem>> -> memref<128xi32, #tpu.memory_space<vmem>>
        %dma_wait3A_69 = arith.constant 0 : i32
        %dma_wait3A_70 = arith.constant 0 : i32
        %dma_wait3A_71 = tpu.memref_slice %arg15[%dma_wait3A_69, %dma_wait3A_70] : memref<10240x64xf32, #tpu.memory_space<vmem_shared>> -> memref<10240x64xf32, #tpu.memory_space<vmem_shared>>
        tpu.wait_indirect_dma semaphore(%run_scoped3A : memref<!tpu.dma_semaphore, #tpu.memory_space<semaphore_mem>>) src(%arg9 : memref<128x64xf32, #tpu.memory_space<vmem>>) dst(%dma_wait3A_71 : memref<10240x64xf32, #tpu.memory_space<vmem_shared>>)
        tpu.yield
      }) : () -> ()
      %dma_wait3A_38 = arith.constant 0 : i32
      %dma_wait3A_39 = tpu.memref_slice %arg7[%add3A_31, %dma_wait3A_38] : memref<96x128xi32, #tpu.memory_space<vmem>> -> memref<1x128xi32, #tpu.memory_space<vmem>>
      %dma_wait3A_40 = tpu.memref_squeeze %dma_wait3A_39 : memref<1x128xi32, #tpu.memory_space<vmem>> -> memref<128xi32, #tpu.memory_space<vmem>>
      %dma_wait3A_41 = arith.constant 0 : i32
      %dma_wait3A_42 = arith.constant 0 : i32
      %dma_wait3A_43 = tpu.memref_slice %arg2[%dma_wait3A_41, %dma_wait3A_42] : memref<10240x64xf32, #tpu.memory_space<hbm>> -> memref<10240x64xf32, #tpu.memory_space<hbm>>
      tpu.wait_indirect_dma semaphore(%arg12 : memref<!tpu.dma_semaphore, #tpu.memory_space<semaphore_mem>>) src(%dma_wait3A_43 : memref<10240x64xf32, #tpu.memory_space<hbm>>) dst(%arg10 : memref<128x64xf32, #tpu.memory_space<vmem>>)
      %add3A_44 = arith.constant 2 : i32
      %add3A_45 = arith.addi %mul3A_29, %add3A_44 : i32
      %dma_start3A_46 = arith.constant 0 : i32
      %dma_start3A_47 = tpu.memref_slice %arg7[%add3A_45, %dma_start3A_46] : memref<96x128xi32, #tpu.memory_space<vmem>> -> memref<1x128xi32, #tpu.memory_space<vmem>>
      %dma_start3A_48 = tpu.memref_squeeze %dma_start3A_47 : memref<1x128xi32, #tpu.memory_space<vmem>> -> memref<128xi32, #tpu.memory_space<vmem>>
      %dma_start3A_49 = arith.constant 0 : i32
      %dma_start3A_50 = arith.constant 0 : i32
      %dma_start3A_51 = tpu.memref_slice %arg2[%dma_start3A_49, %dma_start3A_50] : memref<10240x64xf32, #tpu.memory_space<hbm>> -> memref<10240x64xf32, #tpu.memory_space<hbm>>
      tpu.enqueue_indirect_dma source(%dma_start3A_51 : memref<10240x64xf32, #tpu.memory_space<hbm>>) target(%arg9 : memref<128x64xf32, #tpu.memory_space<vmem>>) offsets(%dma_start3A_48 : memref<128xi32, #tpu.memory_space<vmem>>) semaphore(%arg11 : memref<!tpu.dma_semaphore, #tpu.memory_space<semaphore_mem>>)
      %add3A_52 = arith.constant 1 : i32
      %add3A_53 = arith.addi %mul3A_29, %add3A_52 : i32
      "tpu.region"() ({
        %run_scoped3A = tpu.sem_alloc : memref<!tpu.dma_semaphore, #tpu.memory_space<semaphore_mem>>
        %dma_start3A_60 = arith.constant 0 : i32
        %dma_start3A_61 = tpu.memref_slice %arg8[%add3A_53, %dma_start3A_60] : memref<96x128xi32, #tpu.memory_space<vmem>> -> memref<1x128xi32, #tpu.memory_space<vmem>>
        %dma_start3A_62 = tpu.memref_squeeze %dma_start3A_61 : memref<1x128xi32, #tpu.memory_space<vmem>> -> memref<128xi32, #tpu.memory_space<vmem>>
        %dma_start3A_63 = arith.constant 0 : i32
        %dma_start3A_64 = arith.constant 0 : i32
        %dma_start3A_65 = tpu.memref_slice %arg15[%dma_start3A_63, %dma_start3A_64] : memref<10240x64xf32, #tpu.memory_space<vmem_shared>> -> memref<10240x64xf32, #tpu.memory_space<vmem_shared>>
        tpu.enqueue_indirect_dma source(%arg10 : memref<128x64xf32, #tpu.memory_space<vmem>>) target(%dma_start3A_65 : memref<10240x64xf32, #tpu.memory_space<vmem_shared>>) offsets(%dma_start3A_62 : memref<128xi32, #tpu.memory_space<vmem>>) semaphore(%run_scoped3A : memref<!tpu.dma_semaphore, #tpu.memory_space<semaphore_mem>>) {add = true}
        %dma_wait3A_66 = arith.constant 0 : i32
        %dma_wait3A_67 = tpu.memref_slice %arg8[%add3A_53, %dma_wait3A_66] : memref<96x128xi32, #tpu.memory_space<vmem>> -> memref<1x128xi32, #tpu.memory_space<vmem>>
        %dma_wait3A_68 = tpu.memref_squeeze %dma_wait3A_67 : memref<1x128xi32, #tpu.memory_space<vmem>> -> memref<128xi32, #tpu.memory_space<vmem>>
        %dma_wait3A_69 = arith.constant 0 : i32
        %dma_wait3A_70 = arith.constant 0 : i32
        %dma_wait3A_71 = tpu.memref_slice %arg15[%dma_wait3A_69, %dma_wait3A_70] : memref<10240x64xf32, #tpu.memory_space<vmem_shared>> -> memref<10240x64xf32, #tpu.memory_space<vmem_shared>>
        tpu.wait_indirect_dma semaphore(%run_scoped3A : memref<!tpu.dma_semaphore, #tpu.memory_space<semaphore_mem>>) src(%arg10 : memref<128x64xf32, #tpu.memory_space<vmem>>) dst(%dma_wait3A_71 : memref<10240x64xf32, #tpu.memory_space<vmem_shared>>)
        tpu.yield
      }) : () -> ()
      %dma_wait3A_54 = arith.constant 0 : i32
      %dma_wait3A_55 = tpu.memref_slice %arg7[%add3A_45, %dma_wait3A_54] : memref<96x128xi32, #tpu.memory_space<vmem>> -> memref<1x128xi32, #tpu.memory_space<vmem>>
      %dma_wait3A_56 = tpu.memref_squeeze %dma_wait3A_55 : memref<1x128xi32, #tpu.memory_space<vmem>> -> memref<128xi32, #tpu.memory_space<vmem>>
      %dma_wait3A_57 = arith.constant 0 : i32
      %dma_wait3A_58 = arith.constant 0 : i32
      %dma_wait3A_59 = tpu.memref_slice %arg2[%dma_wait3A_57, %dma_wait3A_58] : memref<10240x64xf32, #tpu.memory_space<hbm>> -> memref<10240x64xf32, #tpu.memory_space<hbm>>
      tpu.wait_indirect_dma semaphore(%arg11 : memref<!tpu.dma_semaphore, #tpu.memory_space<semaphore_mem>>) src(%dma_wait3A_59 : memref<10240x64xf32, #tpu.memory_space<hbm>>) dst(%arg9 : memref<128x64xf32, #tpu.memory_space<vmem>>)
    }
    %barrier3A_26 = arith.constant 0 : index
    tpu.barrier barrier_id(%barrier3A_26)
    "tpu.region"() ({
      %run_scoped3A = tpu.sem_alloc : memref<!tpu.dma_semaphore, #tpu.memory_space<semaphore_mem>>
      %dma_start3A_27 = arith.constant 0 : i32
      %dma_start3A_28 = tpu.memref_slice %arg6[%arg0, %mul3A_2, %dma_start3A_27] : memref<2x10240x64xf32, #tpu.memory_space<hbm>> -> memref<1x640x64xf32, #tpu.memory_space<hbm>>
      %dma_start3A_29 = tpu.memref_squeeze %dma_start3A_28 : memref<1x640x64xf32, #tpu.memory_space<hbm>> -> memref<640x64xf32, #tpu.memory_space<hbm>>
      %dma_start3A_30 = arith.constant 0 : i32
      %dma_start3A_31 = tpu.memref_slice %arg15[%mul3A_2, %dma_start3A_30] : memref<10240x64xf32, #tpu.memory_space<vmem_shared>> -> memref<640x64xf32, #tpu.memory_space<vmem_shared>>
      tpu.enqueue_dma source(%dma_start3A_31 : memref<640x64xf32, #tpu.memory_space<vmem_shared>>) target(%dma_start3A_29 : memref<640x64xf32, #tpu.memory_space<hbm>>) target_semaphore(%run_scoped3A : memref<!tpu.dma_semaphore, #tpu.memory_space<semaphore_mem>>)
      %dma_wait3A_32 = arith.constant 0 : i32
      %dma_wait3A_33 = tpu.memref_slice %arg6[%arg0, %mul3A_2, %dma_wait3A_32] : memref<2x10240x64xf32, #tpu.memory_space<hbm>> -> memref<1x640x64xf32, #tpu.memory_space<hbm>>
      %dma_wait3A_34 = tpu.memref_squeeze %dma_wait3A_33 : memref<1x640x64xf32, #tpu.memory_space<hbm>> -> memref<640x64xf32, #tpu.memory_space<hbm>>
      %dma_wait3A_35 = arith.constant 0 : i32
      %dma_wait3A_36 = tpu.memref_slice %arg15[%mul3A_2, %dma_wait3A_35] : memref<10240x64xf32, #tpu.memory_space<vmem_shared>> -> memref<640x64xf32, #tpu.memory_space<vmem_shared>>
      tpu.wait_dma2 semaphore(%run_scoped3A : memref<!tpu.dma_semaphore, #tpu.memory_space<semaphore_mem>>) src(%dma_wait3A_36 : memref<640x64xf32, #tpu.memory_space<vmem_shared>>) dst(%dma_wait3A_34 : memref<640x64xf32, #tpu.memory_space<hbm>>)
      tpu.yield
    }) : () -> ()
    return
  }
}

#map = affine_map<(d0, d1) -> (0, 0)>
#map1 = affine_map<(d0, d1) -> (0, 0, 0)>
module attributes {stable_mosaic.version = 14 : i64} {
  func.func @agg(%arg0: i32, %arg1: i32, %arg2: memref<10240x32xf32, #tpu.memory_space<hbm>>, %arg3: memref<32x96x128xi32, #tpu.memory_space<hbm>>, %arg4: memref<32x96x128xi32, #tpu.memory_space<hbm>>, %arg5: memref<640x32xf32, #tpu.memory_space<hbm>>, %arg6: memref<2x10240x32xf32, #tpu.memory_space<hbm>>, %arg7: memref<96x128xi32, #tpu.memory_space<vmem>>, %arg8: memref<96x128xi32, #tpu.memory_space<vmem>>, %arg9: memref<128x32xf32, #tpu.memory_space<vmem>>, %arg10: memref<128x32xf32, #tpu.memory_space<vmem>>, %arg11: memref<!tpu.dma_semaphore, #tpu.memory_space<semaphore_mem>>, %arg12: memref<!tpu.dma_semaphore, #tpu.memory_space<semaphore_mem>>, %arg13: memref<!tpu.dma_semaphore, #tpu.memory_space<semaphore_mem>>, %arg14: memref<!tpu.dma_semaphore, #tpu.memory_space<semaphore_mem>>, %arg15: memref<10240x32xf32, #tpu.memory_space<vmem_shared>>) attributes {dimension_semantics = [#tpu.dimension_semantics<core_parallel>, #tpu.dimension_semantics<subcore_parallel>], iteration_bounds = array<i64: 2, 16>, scalar_prefetch = 0 : i64, scratch_operands = 9 : i64, tpu.core_type = #tpu.core_type<sc_vector_subcore>, window_params = [{transform_indices = #map}, {transform_indices = #map1}, {transform_indices = #map1}, {transform_indices = #map}, {transform_indices = #map1}]} {
    %mul3A = arith.constant 16 : i32
    %mul3A_0 = arith.muli %arg0, %mul3A : i32
    %add3A = arith.addi %mul3A_0, %arg1 : i32
    "tpu.region"() ({
      %run_scoped3A = tpu.sem_alloc : memref<!tpu.dma_semaphore, #tpu.memory_space<semaphore_mem>>
      %dma_start3A_27 = arith.constant 0 : i32
      %dma_start3A_28 = arith.constant 0 : i32
      %dma_start3A_29 = tpu.memref_slice %arg3[%add3A, %dma_start3A_27, %dma_start3A_28] : memref<32x96x128xi32, #tpu.memory_space<hbm>> -> memref<1x96x128xi32, #tpu.memory_space<hbm>>
      %dma_start3A_30 = tpu.memref_squeeze %dma_start3A_29 : memref<1x96x128xi32, #tpu.memory_space<hbm>> -> memref<96x128xi32, #tpu.memory_space<hbm>>
      %dma_start3A_31 = arith.constant 0 : i32
      %dma_start3A_32 = arith.constant 0 : i32
      %dma_start3A_33 = tpu.memref_slice %arg3[%add3A, %dma_start3A_31, %dma_start3A_32] : memref<32x96x128xi32, #tpu.memory_space<hbm>> -> memref<1x96x128xi32, #tpu.memory_space<hbm>>
      %dma_start3A_34 = tpu.memref_squeeze %dma_start3A_33 : memref<1x96x128xi32, #tpu.memory_space<hbm>> -> memref<96x128xi32, #tpu.memory_space<hbm>>
      tpu.enqueue_dma source(%dma_start3A_34 : memref<96x128xi32, #tpu.memory_space<hbm>>) target(%arg7 : memref<96x128xi32, #tpu.memory_space<vmem>>) target_semaphore(%run_scoped3A : memref<!tpu.dma_semaphore, #tpu.memory_space<semaphore_mem>>)
      %dma_wait3A_35 = arith.constant 0 : i32
      %dma_wait3A_36 = arith.constant 0 : i32
      %dma_wait3A_37 = tpu.memref_slice %arg3[%add3A, %dma_wait3A_35, %dma_wait3A_36] : memref<32x96x128xi32, #tpu.memory_space<hbm>> -> memref<1x96x128xi32, #tpu.memory_space<hbm>>
      %dma_wait3A_38 = tpu.memref_squeeze %dma_wait3A_37 : memref<1x96x128xi32, #tpu.memory_space<hbm>> -> memref<96x128xi32, #tpu.memory_space<hbm>>
      %dma_wait3A_39 = arith.constant 0 : i32
      %dma_wait3A_40 = arith.constant 0 : i32
      %dma_wait3A_41 = tpu.memref_slice %arg3[%add3A, %dma_wait3A_39, %dma_wait3A_40] : memref<32x96x128xi32, #tpu.memory_space<hbm>> -> memref<1x96x128xi32, #tpu.memory_space<hbm>>
      %dma_wait3A_42 = tpu.memref_squeeze %dma_wait3A_41 : memref<1x96x128xi32, #tpu.memory_space<hbm>> -> memref<96x128xi32, #tpu.memory_space<hbm>>
      tpu.wait_dma2 semaphore(%run_scoped3A : memref<!tpu.dma_semaphore, #tpu.memory_space<semaphore_mem>>) src(%dma_wait3A_42 : memref<96x128xi32, #tpu.memory_space<hbm>>) dst(%arg7 : memref<96x128xi32, #tpu.memory_space<vmem>>)
      tpu.yield
    }) : () -> ()
    "tpu.region"() ({
      %run_scoped3A = tpu.sem_alloc : memref<!tpu.dma_semaphore, #tpu.memory_space<semaphore_mem>>
      %dma_start3A_27 = arith.constant 0 : i32
      %dma_start3A_28 = arith.constant 0 : i32
      %dma_start3A_29 = tpu.memref_slice %arg4[%add3A, %dma_start3A_27, %dma_start3A_28] : memref<32x96x128xi32, #tpu.memory_space<hbm>> -> memref<1x96x128xi32, #tpu.memory_space<hbm>>
      %dma_start3A_30 = tpu.memref_squeeze %dma_start3A_29 : memref<1x96x128xi32, #tpu.memory_space<hbm>> -> memref<96x128xi32, #tpu.memory_space<hbm>>
      %dma_start3A_31 = arith.constant 0 : i32
      %dma_start3A_32 = arith.constant 0 : i32
      %dma_start3A_33 = tpu.memref_slice %arg4[%add3A, %dma_start3A_31, %dma_start3A_32] : memref<32x96x128xi32, #tpu.memory_space<hbm>> -> memref<1x96x128xi32, #tpu.memory_space<hbm>>
      %dma_start3A_34 = tpu.memref_squeeze %dma_start3A_33 : memref<1x96x128xi32, #tpu.memory_space<hbm>> -> memref<96x128xi32, #tpu.memory_space<hbm>>
      tpu.enqueue_dma source(%dma_start3A_34 : memref<96x128xi32, #tpu.memory_space<hbm>>) target(%arg8 : memref<96x128xi32, #tpu.memory_space<vmem>>) target_semaphore(%run_scoped3A : memref<!tpu.dma_semaphore, #tpu.memory_space<semaphore_mem>>)
      %dma_wait3A_35 = arith.constant 0 : i32
      %dma_wait3A_36 = arith.constant 0 : i32
      %dma_wait3A_37 = tpu.memref_slice %arg4[%add3A, %dma_wait3A_35, %dma_wait3A_36] : memref<32x96x128xi32, #tpu.memory_space<hbm>> -> memref<1x96x128xi32, #tpu.memory_space<hbm>>
      %dma_wait3A_38 = tpu.memref_squeeze %dma_wait3A_37 : memref<1x96x128xi32, #tpu.memory_space<hbm>> -> memref<96x128xi32, #tpu.memory_space<hbm>>
      %dma_wait3A_39 = arith.constant 0 : i32
      %dma_wait3A_40 = arith.constant 0 : i32
      %dma_wait3A_41 = tpu.memref_slice %arg4[%add3A, %dma_wait3A_39, %dma_wait3A_40] : memref<32x96x128xi32, #tpu.memory_space<hbm>> -> memref<1x96x128xi32, #tpu.memory_space<hbm>>
      %dma_wait3A_42 = tpu.memref_squeeze %dma_wait3A_41 : memref<1x96x128xi32, #tpu.memory_space<hbm>> -> memref<96x128xi32, #tpu.memory_space<hbm>>
      tpu.wait_dma2 semaphore(%run_scoped3A : memref<!tpu.dma_semaphore, #tpu.memory_space<semaphore_mem>>) src(%dma_wait3A_42 : memref<96x128xi32, #tpu.memory_space<hbm>>) dst(%arg8 : memref<96x128xi32, #tpu.memory_space<vmem>>)
      tpu.yield
    }) : () -> ()
    %mul3A_1 = arith.constant 640 : i32
    %mul3A_2 = arith.muli %arg1, %mul3A_1 : i32
    "tpu.region"() ({
      %run_scoped3A = tpu.sem_alloc : memref<!tpu.dma_semaphore, #tpu.memory_space<semaphore_mem>>
      %dma_start3A_27 = arith.constant 0 : i32
      %dma_start3A_28 = tpu.memref_slice %arg15[%mul3A_2, %dma_start3A_27] : memref<10240x32xf32, #tpu.memory_space<vmem_shared>> -> memref<640x32xf32, #tpu.memory_space<vmem_shared>>
      tpu.enqueue_dma source(%arg5 : memref<640x32xf32, #tpu.memory_space<hbm>>) target(%dma_start3A_28 : memref<640x32xf32, #tpu.memory_space<vmem_shared>>) target_semaphore(%run_scoped3A : memref<!tpu.dma_semaphore, #tpu.memory_space<semaphore_mem>>)
      %dma_wait3A_29 = arith.constant 0 : i32
      %dma_wait3A_30 = tpu.memref_slice %arg15[%mul3A_2, %dma_wait3A_29] : memref<10240x32xf32, #tpu.memory_space<vmem_shared>> -> memref<640x32xf32, #tpu.memory_space<vmem_shared>>
      tpu.wait_dma2 semaphore(%run_scoped3A : memref<!tpu.dma_semaphore, #tpu.memory_space<semaphore_mem>>) src(%arg5 : memref<640x32xf32, #tpu.memory_space<hbm>>) dst(%dma_wait3A_30 : memref<640x32xf32, #tpu.memory_space<vmem_shared>>)
      tpu.yield
    }) : () -> ()
    %barrier3A = arith.constant 0 : index
    tpu.barrier barrier_id(%barrier3A)
    %dma_start3A = arith.constant 0 : i32
    %dma_start3A_3 = arith.constant 0 : i32
    %dma_start3A_4 = tpu.memref_slice %arg7[%dma_start3A, %dma_start3A_3] : memref<96x128xi32, #tpu.memory_space<vmem>> -> memref<1x128xi32, #tpu.memory_space<vmem>>
    %dma_start3A_5 = tpu.memref_squeeze %dma_start3A_4 : memref<1x128xi32, #tpu.memory_space<vmem>> -> memref<128xi32, #tpu.memory_space<vmem>>
    %dma_start3A_6 = arith.constant 0 : i32
    %dma_start3A_7 = arith.constant 0 : i32
    %dma_start3A_8 = tpu.memref_slice %arg2[%dma_start3A_6, %dma_start3A_7] : memref<10240x32xf32, #tpu.memory_space<hbm>> -> memref<10240x32xf32, #tpu.memory_space<hbm>>
    tpu.enqueue_indirect_dma source(%dma_start3A_8 : memref<10240x32xf32, #tpu.memory_space<hbm>>) target(%arg9 : memref<128x32xf32, #tpu.memory_space<vmem>>) offsets(%dma_start3A_5 : memref<128xi32, #tpu.memory_space<vmem>>) semaphore(%arg11 : memref<!tpu.dma_semaphore, #tpu.memory_space<semaphore_mem>>)
    %dma_wait3A = arith.constant 0 : i32
    %dma_wait3A_9 = arith.constant 0 : i32
    %dma_wait3A_10 = tpu.memref_slice %arg7[%dma_wait3A, %dma_wait3A_9] : memref<96x128xi32, #tpu.memory_space<vmem>> -> memref<1x128xi32, #tpu.memory_space<vmem>>
    %dma_wait3A_11 = tpu.memref_squeeze %dma_wait3A_10 : memref<1x128xi32, #tpu.memory_space<vmem>> -> memref<128xi32, #tpu.memory_space<vmem>>
    %dma_wait3A_12 = arith.constant 0 : i32
    %dma_wait3A_13 = arith.constant 0 : i32
    %dma_wait3A_14 = tpu.memref_slice %arg2[%dma_wait3A_12, %dma_wait3A_13] : memref<10240x32xf32, #tpu.memory_space<hbm>> -> memref<10240x32xf32, #tpu.memory_space<hbm>>
    tpu.wait_indirect_dma semaphore(%arg11 : memref<!tpu.dma_semaphore, #tpu.memory_space<semaphore_mem>>) src(%dma_wait3A_14 : memref<10240x32xf32, #tpu.memory_space<hbm>>) dst(%arg9 : memref<128x32xf32, #tpu.memory_space<vmem>>)
    %eq3A = arith.constant 0 : i32
    %eq3A_15 = arith.cmpi eq, %arg0, %eq3A : i32
    %jit3A = arith.constant 32 : i32
    %jit3A_16 = arith.constant 47 : i32
    %select_n3A = arith.select %eq3A_15, %jit3A, %jit3A_16 : i32
    %while3A = arith.constant 0 : i32
    %while3A_17 = arith.constant 0 : i32
    %while3A_18 = arith.subi %select_n3A, %while3A_17 : i32
    %while3A_19 = arith.addi %while3A_17, %while3A_18 : i32
    %while3A_20 = arith.constant 1 : i32
    %while3A_21 = arith.divsi %while3A_18, %while3A_20 : i32
    %while3A_22 = arith.muli %while3A_21, %while3A_20 : i32
    %while3A_23 = arith.addi %while3A_17, %while3A_22 : i32
    %while3A_24 = arith.constant 1 : i32
    scf.for %while3A_27 = %while3A_17 to %while3A_23 step %while3A_24  : i32 {
      %mul3A_28 = arith.constant 2 : i32
      %mul3A_29 = arith.muli %while3A_27, %mul3A_28 : i32
      %add3A_30 = arith.constant 1 : i32
      %add3A_31 = arith.addi %mul3A_29, %add3A_30 : i32
      %dma_start3A_32 = arith.constant 0 : i32
      %dma_start3A_33 = tpu.memref_slice %arg7[%add3A_31, %dma_start3A_32] : memref<96x128xi32, #tpu.memory_space<vmem>> -> memref<1x128xi32, #tpu.memory_space<vmem>>
      %dma_start3A_34 = tpu.memref_squeeze %dma_start3A_33 : memref<1x128xi32, #tpu.memory_space<vmem>> -> memref<128xi32, #tpu.memory_space<vmem>>
      %dma_start3A_35 = arith.constant 0 : i32
      %dma_start3A_36 = arith.constant 0 : i32
      %dma_start3A_37 = tpu.memref_slice %arg2[%dma_start3A_35, %dma_start3A_36] : memref<10240x32xf32, #tpu.memory_space<hbm>> -> memref<10240x32xf32, #tpu.memory_space<hbm>>
      tpu.enqueue_indirect_dma source(%dma_start3A_37 : memref<10240x32xf32, #tpu.memory_space<hbm>>) target(%arg10 : memref<128x32xf32, #tpu.memory_space<vmem>>) offsets(%dma_start3A_34 : memref<128xi32, #tpu.memory_space<vmem>>) semaphore(%arg12 : memref<!tpu.dma_semaphore, #tpu.memory_space<semaphore_mem>>)
      "tpu.region"() ({
        %run_scoped3A = tpu.sem_alloc : memref<!tpu.dma_semaphore, #tpu.memory_space<semaphore_mem>>
        %dma_start3A_60 = arith.constant 0 : i32
        %dma_start3A_61 = tpu.memref_slice %arg8[%mul3A_29, %dma_start3A_60] : memref<96x128xi32, #tpu.memory_space<vmem>> -> memref<1x128xi32, #tpu.memory_space<vmem>>
        %dma_start3A_62 = tpu.memref_squeeze %dma_start3A_61 : memref<1x128xi32, #tpu.memory_space<vmem>> -> memref<128xi32, #tpu.memory_space<vmem>>
        %dma_start3A_63 = arith.constant 0 : i32
        %dma_start3A_64 = arith.constant 0 : i32
        %dma_start3A_65 = tpu.memref_slice %arg15[%dma_start3A_63, %dma_start3A_64] : memref<10240x32xf32, #tpu.memory_space<vmem_shared>> -> memref<10240x32xf32, #tpu.memory_space<vmem_shared>>
        tpu.enqueue_indirect_dma source(%arg9 : memref<128x32xf32, #tpu.memory_space<vmem>>) target(%dma_start3A_65 : memref<10240x32xf32, #tpu.memory_space<vmem_shared>>) offsets(%dma_start3A_62 : memref<128xi32, #tpu.memory_space<vmem>>) semaphore(%run_scoped3A : memref<!tpu.dma_semaphore, #tpu.memory_space<semaphore_mem>>) {add = true}
        %dma_wait3A_66 = arith.constant 0 : i32
        %dma_wait3A_67 = tpu.memref_slice %arg8[%mul3A_29, %dma_wait3A_66] : memref<96x128xi32, #tpu.memory_space<vmem>> -> memref<1x128xi32, #tpu.memory_space<vmem>>
        %dma_wait3A_68 = tpu.memref_squeeze %dma_wait3A_67 : memref<1x128xi32, #tpu.memory_space<vmem>> -> memref<128xi32, #tpu.memory_space<vmem>>
        %dma_wait3A_69 = arith.constant 0 : i32
        %dma_wait3A_70 = arith.constant 0 : i32
        %dma_wait3A_71 = tpu.memref_slice %arg15[%dma_wait3A_69, %dma_wait3A_70] : memref<10240x32xf32, #tpu.memory_space<vmem_shared>> -> memref<10240x32xf32, #tpu.memory_space<vmem_shared>>
        tpu.wait_indirect_dma semaphore(%run_scoped3A : memref<!tpu.dma_semaphore, #tpu.memory_space<semaphore_mem>>) src(%arg9 : memref<128x32xf32, #tpu.memory_space<vmem>>) dst(%dma_wait3A_71 : memref<10240x32xf32, #tpu.memory_space<vmem_shared>>)
        tpu.yield
      }) : () -> ()
      %dma_wait3A_38 = arith.constant 0 : i32
      %dma_wait3A_39 = tpu.memref_slice %arg7[%add3A_31, %dma_wait3A_38] : memref<96x128xi32, #tpu.memory_space<vmem>> -> memref<1x128xi32, #tpu.memory_space<vmem>>
      %dma_wait3A_40 = tpu.memref_squeeze %dma_wait3A_39 : memref<1x128xi32, #tpu.memory_space<vmem>> -> memref<128xi32, #tpu.memory_space<vmem>>
      %dma_wait3A_41 = arith.constant 0 : i32
      %dma_wait3A_42 = arith.constant 0 : i32
      %dma_wait3A_43 = tpu.memref_slice %arg2[%dma_wait3A_41, %dma_wait3A_42] : memref<10240x32xf32, #tpu.memory_space<hbm>> -> memref<10240x32xf32, #tpu.memory_space<hbm>>
      tpu.wait_indirect_dma semaphore(%arg12 : memref<!tpu.dma_semaphore, #tpu.memory_space<semaphore_mem>>) src(%dma_wait3A_43 : memref<10240x32xf32, #tpu.memory_space<hbm>>) dst(%arg10 : memref<128x32xf32, #tpu.memory_space<vmem>>)
      %add3A_44 = arith.constant 2 : i32
      %add3A_45 = arith.addi %mul3A_29, %add3A_44 : i32
      %dma_start3A_46 = arith.constant 0 : i32
      %dma_start3A_47 = tpu.memref_slice %arg7[%add3A_45, %dma_start3A_46] : memref<96x128xi32, #tpu.memory_space<vmem>> -> memref<1x128xi32, #tpu.memory_space<vmem>>
      %dma_start3A_48 = tpu.memref_squeeze %dma_start3A_47 : memref<1x128xi32, #tpu.memory_space<vmem>> -> memref<128xi32, #tpu.memory_space<vmem>>
      %dma_start3A_49 = arith.constant 0 : i32
      %dma_start3A_50 = arith.constant 0 : i32
      %dma_start3A_51 = tpu.memref_slice %arg2[%dma_start3A_49, %dma_start3A_50] : memref<10240x32xf32, #tpu.memory_space<hbm>> -> memref<10240x32xf32, #tpu.memory_space<hbm>>
      tpu.enqueue_indirect_dma source(%dma_start3A_51 : memref<10240x32xf32, #tpu.memory_space<hbm>>) target(%arg9 : memref<128x32xf32, #tpu.memory_space<vmem>>) offsets(%dma_start3A_48 : memref<128xi32, #tpu.memory_space<vmem>>) semaphore(%arg11 : memref<!tpu.dma_semaphore, #tpu.memory_space<semaphore_mem>>)
      %add3A_52 = arith.constant 1 : i32
      %add3A_53 = arith.addi %mul3A_29, %add3A_52 : i32
      "tpu.region"() ({
        %run_scoped3A = tpu.sem_alloc : memref<!tpu.dma_semaphore, #tpu.memory_space<semaphore_mem>>
        %dma_start3A_60 = arith.constant 0 : i32
        %dma_start3A_61 = tpu.memref_slice %arg8[%add3A_53, %dma_start3A_60] : memref<96x128xi32, #tpu.memory_space<vmem>> -> memref<1x128xi32, #tpu.memory_space<vmem>>
        %dma_start3A_62 = tpu.memref_squeeze %dma_start3A_61 : memref<1x128xi32, #tpu.memory_space<vmem>> -> memref<128xi32, #tpu.memory_space<vmem>>
        %dma_start3A_63 = arith.constant 0 : i32
        %dma_start3A_64 = arith.constant 0 : i32
        %dma_start3A_65 = tpu.memref_slice %arg15[%dma_start3A_63, %dma_start3A_64] : memref<10240x32xf32, #tpu.memory_space<vmem_shared>> -> memref<10240x32xf32, #tpu.memory_space<vmem_shared>>
        tpu.enqueue_indirect_dma source(%arg10 : memref<128x32xf32, #tpu.memory_space<vmem>>) target(%dma_start3A_65 : memref<10240x32xf32, #tpu.memory_space<vmem_shared>>) offsets(%dma_start3A_62 : memref<128xi32, #tpu.memory_space<vmem>>) semaphore(%run_scoped3A : memref<!tpu.dma_semaphore, #tpu.memory_space<semaphore_mem>>) {add = true}
        %dma_wait3A_66 = arith.constant 0 : i32
        %dma_wait3A_67 = tpu.memref_slice %arg8[%add3A_53, %dma_wait3A_66] : memref<96x128xi32, #tpu.memory_space<vmem>> -> memref<1x128xi32, #tpu.memory_space<vmem>>
        %dma_wait3A_68 = tpu.memref_squeeze %dma_wait3A_67 : memref<1x128xi32, #tpu.memory_space<vmem>> -> memref<128xi32, #tpu.memory_space<vmem>>
        %dma_wait3A_69 = arith.constant 0 : i32
        %dma_wait3A_70 = arith.constant 0 : i32
        %dma_wait3A_71 = tpu.memref_slice %arg15[%dma_wait3A_69, %dma_wait3A_70] : memref<10240x32xf32, #tpu.memory_space<vmem_shared>> -> memref<10240x32xf32, #tpu.memory_space<vmem_shared>>
        tpu.wait_indirect_dma semaphore(%run_scoped3A : memref<!tpu.dma_semaphore, #tpu.memory_space<semaphore_mem>>) src(%arg10 : memref<128x32xf32, #tpu.memory_space<vmem>>) dst(%dma_wait3A_71 : memref<10240x32xf32, #tpu.memory_space<vmem_shared>>)
        tpu.yield
      }) : () -> ()
      %dma_wait3A_54 = arith.constant 0 : i32
      %dma_wait3A_55 = tpu.memref_slice %arg7[%add3A_45, %dma_wait3A_54] : memref<96x128xi32, #tpu.memory_space<vmem>> -> memref<1x128xi32, #tpu.memory_space<vmem>>
      %dma_wait3A_56 = tpu.memref_squeeze %dma_wait3A_55 : memref<1x128xi32, #tpu.memory_space<vmem>> -> memref<128xi32, #tpu.memory_space<vmem>>
      %dma_wait3A_57 = arith.constant 0 : i32
      %dma_wait3A_58 = arith.constant 0 : i32
      %dma_wait3A_59 = tpu.memref_slice %arg2[%dma_wait3A_57, %dma_wait3A_58] : memref<10240x32xf32, #tpu.memory_space<hbm>> -> memref<10240x32xf32, #tpu.memory_space<hbm>>
      tpu.wait_indirect_dma semaphore(%arg11 : memref<!tpu.dma_semaphore, #tpu.memory_space<semaphore_mem>>) src(%dma_wait3A_59 : memref<10240x32xf32, #tpu.memory_space<hbm>>) dst(%arg9 : memref<128x32xf32, #tpu.memory_space<vmem>>)
    }
    %while3A_25 = arith.constant 1 : i32
    scf.for %while3A_27 = %while3A_23 to %while3A_19 step %while3A_25  : i32 {
      %mul3A_28 = arith.constant 2 : i32
      %mul3A_29 = arith.muli %while3A_27, %mul3A_28 : i32
      %add3A_30 = arith.constant 1 : i32
      %add3A_31 = arith.addi %mul3A_29, %add3A_30 : i32
      %dma_start3A_32 = arith.constant 0 : i32
      %dma_start3A_33 = tpu.memref_slice %arg7[%add3A_31, %dma_start3A_32] : memref<96x128xi32, #tpu.memory_space<vmem>> -> memref<1x128xi32, #tpu.memory_space<vmem>>
      %dma_start3A_34 = tpu.memref_squeeze %dma_start3A_33 : memref<1x128xi32, #tpu.memory_space<vmem>> -> memref<128xi32, #tpu.memory_space<vmem>>
      %dma_start3A_35 = arith.constant 0 : i32
      %dma_start3A_36 = arith.constant 0 : i32
      %dma_start3A_37 = tpu.memref_slice %arg2[%dma_start3A_35, %dma_start3A_36] : memref<10240x32xf32, #tpu.memory_space<hbm>> -> memref<10240x32xf32, #tpu.memory_space<hbm>>
      tpu.enqueue_indirect_dma source(%dma_start3A_37 : memref<10240x32xf32, #tpu.memory_space<hbm>>) target(%arg10 : memref<128x32xf32, #tpu.memory_space<vmem>>) offsets(%dma_start3A_34 : memref<128xi32, #tpu.memory_space<vmem>>) semaphore(%arg12 : memref<!tpu.dma_semaphore, #tpu.memory_space<semaphore_mem>>)
      "tpu.region"() ({
        %run_scoped3A = tpu.sem_alloc : memref<!tpu.dma_semaphore, #tpu.memory_space<semaphore_mem>>
        %dma_start3A_60 = arith.constant 0 : i32
        %dma_start3A_61 = tpu.memref_slice %arg8[%mul3A_29, %dma_start3A_60] : memref<96x128xi32, #tpu.memory_space<vmem>> -> memref<1x128xi32, #tpu.memory_space<vmem>>
        %dma_start3A_62 = tpu.memref_squeeze %dma_start3A_61 : memref<1x128xi32, #tpu.memory_space<vmem>> -> memref<128xi32, #tpu.memory_space<vmem>>
        %dma_start3A_63 = arith.constant 0 : i32
        %dma_start3A_64 = arith.constant 0 : i32
        %dma_start3A_65 = tpu.memref_slice %arg15[%dma_start3A_63, %dma_start3A_64] : memref<10240x32xf32, #tpu.memory_space<vmem_shared>> -> memref<10240x32xf32, #tpu.memory_space<vmem_shared>>
        tpu.enqueue_indirect_dma source(%arg9 : memref<128x32xf32, #tpu.memory_space<vmem>>) target(%dma_start3A_65 : memref<10240x32xf32, #tpu.memory_space<vmem_shared>>) offsets(%dma_start3A_62 : memref<128xi32, #tpu.memory_space<vmem>>) semaphore(%run_scoped3A : memref<!tpu.dma_semaphore, #tpu.memory_space<semaphore_mem>>) {add = true}
        %dma_wait3A_66 = arith.constant 0 : i32
        %dma_wait3A_67 = tpu.memref_slice %arg8[%mul3A_29, %dma_wait3A_66] : memref<96x128xi32, #tpu.memory_space<vmem>> -> memref<1x128xi32, #tpu.memory_space<vmem>>
        %dma_wait3A_68 = tpu.memref_squeeze %dma_wait3A_67 : memref<1x128xi32, #tpu.memory_space<vmem>> -> memref<128xi32, #tpu.memory_space<vmem>>
        %dma_wait3A_69 = arith.constant 0 : i32
        %dma_wait3A_70 = arith.constant 0 : i32
        %dma_wait3A_71 = tpu.memref_slice %arg15[%dma_wait3A_69, %dma_wait3A_70] : memref<10240x32xf32, #tpu.memory_space<vmem_shared>> -> memref<10240x32xf32, #tpu.memory_space<vmem_shared>>
        tpu.wait_indirect_dma semaphore(%run_scoped3A : memref<!tpu.dma_semaphore, #tpu.memory_space<semaphore_mem>>) src(%arg9 : memref<128x32xf32, #tpu.memory_space<vmem>>) dst(%dma_wait3A_71 : memref<10240x32xf32, #tpu.memory_space<vmem_shared>>)
        tpu.yield
      }) : () -> ()
      %dma_wait3A_38 = arith.constant 0 : i32
      %dma_wait3A_39 = tpu.memref_slice %arg7[%add3A_31, %dma_wait3A_38] : memref<96x128xi32, #tpu.memory_space<vmem>> -> memref<1x128xi32, #tpu.memory_space<vmem>>
      %dma_wait3A_40 = tpu.memref_squeeze %dma_wait3A_39 : memref<1x128xi32, #tpu.memory_space<vmem>> -> memref<128xi32, #tpu.memory_space<vmem>>
      %dma_wait3A_41 = arith.constant 0 : i32
      %dma_wait3A_42 = arith.constant 0 : i32
      %dma_wait3A_43 = tpu.memref_slice %arg2[%dma_wait3A_41, %dma_wait3A_42] : memref<10240x32xf32, #tpu.memory_space<hbm>> -> memref<10240x32xf32, #tpu.memory_space<hbm>>
      tpu.wait_indirect_dma semaphore(%arg12 : memref<!tpu.dma_semaphore, #tpu.memory_space<semaphore_mem>>) src(%dma_wait3A_43 : memref<10240x32xf32, #tpu.memory_space<hbm>>) dst(%arg10 : memref<128x32xf32, #tpu.memory_space<vmem>>)
      %add3A_44 = arith.constant 2 : i32
      %add3A_45 = arith.addi %mul3A_29, %add3A_44 : i32
      %dma_start3A_46 = arith.constant 0 : i32
      %dma_start3A_47 = tpu.memref_slice %arg7[%add3A_45, %dma_start3A_46] : memref<96x128xi32, #tpu.memory_space<vmem>> -> memref<1x128xi32, #tpu.memory_space<vmem>>
      %dma_start3A_48 = tpu.memref_squeeze %dma_start3A_47 : memref<1x128xi32, #tpu.memory_space<vmem>> -> memref<128xi32, #tpu.memory_space<vmem>>
      %dma_start3A_49 = arith.constant 0 : i32
      %dma_start3A_50 = arith.constant 0 : i32
      %dma_start3A_51 = tpu.memref_slice %arg2[%dma_start3A_49, %dma_start3A_50] : memref<10240x32xf32, #tpu.memory_space<hbm>> -> memref<10240x32xf32, #tpu.memory_space<hbm>>
      tpu.enqueue_indirect_dma source(%dma_start3A_51 : memref<10240x32xf32, #tpu.memory_space<hbm>>) target(%arg9 : memref<128x32xf32, #tpu.memory_space<vmem>>) offsets(%dma_start3A_48 : memref<128xi32, #tpu.memory_space<vmem>>) semaphore(%arg11 : memref<!tpu.dma_semaphore, #tpu.memory_space<semaphore_mem>>)
      %add3A_52 = arith.constant 1 : i32
      %add3A_53 = arith.addi %mul3A_29, %add3A_52 : i32
      "tpu.region"() ({
        %run_scoped3A = tpu.sem_alloc : memref<!tpu.dma_semaphore, #tpu.memory_space<semaphore_mem>>
        %dma_start3A_60 = arith.constant 0 : i32
        %dma_start3A_61 = tpu.memref_slice %arg8[%add3A_53, %dma_start3A_60] : memref<96x128xi32, #tpu.memory_space<vmem>> -> memref<1x128xi32, #tpu.memory_space<vmem>>
        %dma_start3A_62 = tpu.memref_squeeze %dma_start3A_61 : memref<1x128xi32, #tpu.memory_space<vmem>> -> memref<128xi32, #tpu.memory_space<vmem>>
        %dma_start3A_63 = arith.constant 0 : i32
        %dma_start3A_64 = arith.constant 0 : i32
        %dma_start3A_65 = tpu.memref_slice %arg15[%dma_start3A_63, %dma_start3A_64] : memref<10240x32xf32, #tpu.memory_space<vmem_shared>> -> memref<10240x32xf32, #tpu.memory_space<vmem_shared>>
        tpu.enqueue_indirect_dma source(%arg10 : memref<128x32xf32, #tpu.memory_space<vmem>>) target(%dma_start3A_65 : memref<10240x32xf32, #tpu.memory_space<vmem_shared>>) offsets(%dma_start3A_62 : memref<128xi32, #tpu.memory_space<vmem>>) semaphore(%run_scoped3A : memref<!tpu.dma_semaphore, #tpu.memory_space<semaphore_mem>>) {add = true}
        %dma_wait3A_66 = arith.constant 0 : i32
        %dma_wait3A_67 = tpu.memref_slice %arg8[%add3A_53, %dma_wait3A_66] : memref<96x128xi32, #tpu.memory_space<vmem>> -> memref<1x128xi32, #tpu.memory_space<vmem>>
        %dma_wait3A_68 = tpu.memref_squeeze %dma_wait3A_67 : memref<1x128xi32, #tpu.memory_space<vmem>> -> memref<128xi32, #tpu.memory_space<vmem>>
        %dma_wait3A_69 = arith.constant 0 : i32
        %dma_wait3A_70 = arith.constant 0 : i32
        %dma_wait3A_71 = tpu.memref_slice %arg15[%dma_wait3A_69, %dma_wait3A_70] : memref<10240x32xf32, #tpu.memory_space<vmem_shared>> -> memref<10240x32xf32, #tpu.memory_space<vmem_shared>>
        tpu.wait_indirect_dma semaphore(%run_scoped3A : memref<!tpu.dma_semaphore, #tpu.memory_space<semaphore_mem>>) src(%arg10 : memref<128x32xf32, #tpu.memory_space<vmem>>) dst(%dma_wait3A_71 : memref<10240x32xf32, #tpu.memory_space<vmem_shared>>)
        tpu.yield
      }) : () -> ()
      %dma_wait3A_54 = arith.constant 0 : i32
      %dma_wait3A_55 = tpu.memref_slice %arg7[%add3A_45, %dma_wait3A_54] : memref<96x128xi32, #tpu.memory_space<vmem>> -> memref<1x128xi32, #tpu.memory_space<vmem>>
      %dma_wait3A_56 = tpu.memref_squeeze %dma_wait3A_55 : memref<1x128xi32, #tpu.memory_space<vmem>> -> memref<128xi32, #tpu.memory_space<vmem>>
      %dma_wait3A_57 = arith.constant 0 : i32
      %dma_wait3A_58 = arith.constant 0 : i32
      %dma_wait3A_59 = tpu.memref_slice %arg2[%dma_wait3A_57, %dma_wait3A_58] : memref<10240x32xf32, #tpu.memory_space<hbm>> -> memref<10240x32xf32, #tpu.memory_space<hbm>>
      tpu.wait_indirect_dma semaphore(%arg11 : memref<!tpu.dma_semaphore, #tpu.memory_space<semaphore_mem>>) src(%dma_wait3A_59 : memref<10240x32xf32, #tpu.memory_space<hbm>>) dst(%arg9 : memref<128x32xf32, #tpu.memory_space<vmem>>)
    }
    %barrier3A_26 = arith.constant 0 : index
    tpu.barrier barrier_id(%barrier3A_26)
    "tpu.region"() ({
      %run_scoped3A = tpu.sem_alloc : memref<!tpu.dma_semaphore, #tpu.memory_space<semaphore_mem>>
      %dma_start3A_27 = arith.constant 0 : i32
      %dma_start3A_28 = tpu.memref_slice %arg6[%arg0, %mul3A_2, %dma_start3A_27] : memref<2x10240x32xf32, #tpu.memory_space<hbm>> -> memref<1x640x32xf32, #tpu.memory_space<hbm>>
      %dma_start3A_29 = tpu.memref_squeeze %dma_start3A_28 : memref<1x640x32xf32, #tpu.memory_space<hbm>> -> memref<640x32xf32, #tpu.memory_space<hbm>>
      %dma_start3A_30 = arith.constant 0 : i32
      %dma_start3A_31 = tpu.memref_slice %arg15[%mul3A_2, %dma_start3A_30] : memref<10240x32xf32, #tpu.memory_space<vmem_shared>> -> memref<640x32xf32, #tpu.memory_space<vmem_shared>>
      tpu.enqueue_dma source(%dma_start3A_31 : memref<640x32xf32, #tpu.memory_space<vmem_shared>>) target(%dma_start3A_29 : memref<640x32xf32, #tpu.memory_space<hbm>>) target_semaphore(%run_scoped3A : memref<!tpu.dma_semaphore, #tpu.memory_space<semaphore_mem>>)
      %dma_wait3A_32 = arith.constant 0 : i32
      %dma_wait3A_33 = tpu.memref_slice %arg6[%arg0, %mul3A_2, %dma_wait3A_32] : memref<2x10240x32xf32, #tpu.memory_space<hbm>> -> memref<1x640x32xf32, #tpu.memory_space<hbm>>
      %dma_wait3A_34 = tpu.memref_squeeze %dma_wait3A_33 : memref<1x640x32xf32, #tpu.memory_space<hbm>> -> memref<640x32xf32, #tpu.memory_space<hbm>>
      %dma_wait3A_35 = arith.constant 0 : i32
      %dma_wait3A_36 = tpu.memref_slice %arg15[%mul3A_2, %dma_wait3A_35] : memref<10240x32xf32, #tpu.memory_space<vmem_shared>> -> memref<640x32xf32, #tpu.memory_space<vmem_shared>>
      tpu.wait_dma2 semaphore(%run_scoped3A : memref<!tpu.dma_semaphore, #tpu.memory_space<semaphore_mem>>) src(%dma_wait3A_36 : memref<640x32xf32, #tpu.memory_space<vmem_shared>>) dst(%dma_wait3A_34 : memref<640x32xf32, #tpu.memory_space<hbm>>)
      tpu.yield
    }) : () -> ()
    return
  }
}

#map = affine_map<(d0, d1) -> (0, 0)>
#map1 = affine_map<(d0, d1) -> (0, 0, 0)>
module attributes {stable_mosaic.version = 14 : i64} {
  func.func @agg(%arg0: i32, %arg1: i32, %arg2: memref<10240x8xf32, #tpu.memory_space<hbm>>, %arg3: memref<32x96x128xi32, #tpu.memory_space<hbm>>, %arg4: memref<32x96x128xi32, #tpu.memory_space<hbm>>, %arg5: memref<640x8xf32, #tpu.memory_space<hbm>>, %arg6: memref<2x10240x8xf32, #tpu.memory_space<hbm>>, %arg7: memref<96x128xi32, #tpu.memory_space<vmem>>, %arg8: memref<96x128xi32, #tpu.memory_space<vmem>>, %arg9: memref<128x8xf32, #tpu.memory_space<vmem>>, %arg10: memref<128x8xf32, #tpu.memory_space<vmem>>, %arg11: memref<!tpu.dma_semaphore, #tpu.memory_space<semaphore_mem>>, %arg12: memref<!tpu.dma_semaphore, #tpu.memory_space<semaphore_mem>>, %arg13: memref<!tpu.dma_semaphore, #tpu.memory_space<semaphore_mem>>, %arg14: memref<!tpu.dma_semaphore, #tpu.memory_space<semaphore_mem>>, %arg15: memref<10240x8xf32, #tpu.memory_space<vmem_shared>>) attributes {dimension_semantics = [#tpu.dimension_semantics<core_parallel>, #tpu.dimension_semantics<subcore_parallel>], iteration_bounds = array<i64: 2, 16>, scalar_prefetch = 0 : i64, scratch_operands = 9 : i64, tpu.core_type = #tpu.core_type<sc_vector_subcore>, window_params = [{transform_indices = #map}, {transform_indices = #map1}, {transform_indices = #map1}, {transform_indices = #map}, {transform_indices = #map1}]} {
    %mul3A = arith.constant 16 : i32
    %mul3A_0 = arith.muli %arg0, %mul3A : i32
    %add3A = arith.addi %mul3A_0, %arg1 : i32
    "tpu.region"() ({
      %run_scoped3A = tpu.sem_alloc : memref<!tpu.dma_semaphore, #tpu.memory_space<semaphore_mem>>
      %dma_start3A_27 = arith.constant 0 : i32
      %dma_start3A_28 = arith.constant 0 : i32
      %dma_start3A_29 = tpu.memref_slice %arg3[%add3A, %dma_start3A_27, %dma_start3A_28] : memref<32x96x128xi32, #tpu.memory_space<hbm>> -> memref<1x96x128xi32, #tpu.memory_space<hbm>>
      %dma_start3A_30 = tpu.memref_squeeze %dma_start3A_29 : memref<1x96x128xi32, #tpu.memory_space<hbm>> -> memref<96x128xi32, #tpu.memory_space<hbm>>
      %dma_start3A_31 = arith.constant 0 : i32
      %dma_start3A_32 = arith.constant 0 : i32
      %dma_start3A_33 = tpu.memref_slice %arg3[%add3A, %dma_start3A_31, %dma_start3A_32] : memref<32x96x128xi32, #tpu.memory_space<hbm>> -> memref<1x96x128xi32, #tpu.memory_space<hbm>>
      %dma_start3A_34 = tpu.memref_squeeze %dma_start3A_33 : memref<1x96x128xi32, #tpu.memory_space<hbm>> -> memref<96x128xi32, #tpu.memory_space<hbm>>
      tpu.enqueue_dma source(%dma_start3A_34 : memref<96x128xi32, #tpu.memory_space<hbm>>) target(%arg7 : memref<96x128xi32, #tpu.memory_space<vmem>>) target_semaphore(%run_scoped3A : memref<!tpu.dma_semaphore, #tpu.memory_space<semaphore_mem>>)
      %dma_wait3A_35 = arith.constant 0 : i32
      %dma_wait3A_36 = arith.constant 0 : i32
      %dma_wait3A_37 = tpu.memref_slice %arg3[%add3A, %dma_wait3A_35, %dma_wait3A_36] : memref<32x96x128xi32, #tpu.memory_space<hbm>> -> memref<1x96x128xi32, #tpu.memory_space<hbm>>
      %dma_wait3A_38 = tpu.memref_squeeze %dma_wait3A_37 : memref<1x96x128xi32, #tpu.memory_space<hbm>> -> memref<96x128xi32, #tpu.memory_space<hbm>>
      %dma_wait3A_39 = arith.constant 0 : i32
      %dma_wait3A_40 = arith.constant 0 : i32
      %dma_wait3A_41 = tpu.memref_slice %arg3[%add3A, %dma_wait3A_39, %dma_wait3A_40] : memref<32x96x128xi32, #tpu.memory_space<hbm>> -> memref<1x96x128xi32, #tpu.memory_space<hbm>>
      %dma_wait3A_42 = tpu.memref_squeeze %dma_wait3A_41 : memref<1x96x128xi32, #tpu.memory_space<hbm>> -> memref<96x128xi32, #tpu.memory_space<hbm>>
      tpu.wait_dma2 semaphore(%run_scoped3A : memref<!tpu.dma_semaphore, #tpu.memory_space<semaphore_mem>>) src(%dma_wait3A_42 : memref<96x128xi32, #tpu.memory_space<hbm>>) dst(%arg7 : memref<96x128xi32, #tpu.memory_space<vmem>>)
      tpu.yield
    }) : () -> ()
    "tpu.region"() ({
      %run_scoped3A = tpu.sem_alloc : memref<!tpu.dma_semaphore, #tpu.memory_space<semaphore_mem>>
      %dma_start3A_27 = arith.constant 0 : i32
      %dma_start3A_28 = arith.constant 0 : i32
      %dma_start3A_29 = tpu.memref_slice %arg4[%add3A, %dma_start3A_27, %dma_start3A_28] : memref<32x96x128xi32, #tpu.memory_space<hbm>> -> memref<1x96x128xi32, #tpu.memory_space<hbm>>
      %dma_start3A_30 = tpu.memref_squeeze %dma_start3A_29 : memref<1x96x128xi32, #tpu.memory_space<hbm>> -> memref<96x128xi32, #tpu.memory_space<hbm>>
      %dma_start3A_31 = arith.constant 0 : i32
      %dma_start3A_32 = arith.constant 0 : i32
      %dma_start3A_33 = tpu.memref_slice %arg4[%add3A, %dma_start3A_31, %dma_start3A_32] : memref<32x96x128xi32, #tpu.memory_space<hbm>> -> memref<1x96x128xi32, #tpu.memory_space<hbm>>
      %dma_start3A_34 = tpu.memref_squeeze %dma_start3A_33 : memref<1x96x128xi32, #tpu.memory_space<hbm>> -> memref<96x128xi32, #tpu.memory_space<hbm>>
      tpu.enqueue_dma source(%dma_start3A_34 : memref<96x128xi32, #tpu.memory_space<hbm>>) target(%arg8 : memref<96x128xi32, #tpu.memory_space<vmem>>) target_semaphore(%run_scoped3A : memref<!tpu.dma_semaphore, #tpu.memory_space<semaphore_mem>>)
      %dma_wait3A_35 = arith.constant 0 : i32
      %dma_wait3A_36 = arith.constant 0 : i32
      %dma_wait3A_37 = tpu.memref_slice %arg4[%add3A, %dma_wait3A_35, %dma_wait3A_36] : memref<32x96x128xi32, #tpu.memory_space<hbm>> -> memref<1x96x128xi32, #tpu.memory_space<hbm>>
      %dma_wait3A_38 = tpu.memref_squeeze %dma_wait3A_37 : memref<1x96x128xi32, #tpu.memory_space<hbm>> -> memref<96x128xi32, #tpu.memory_space<hbm>>
      %dma_wait3A_39 = arith.constant 0 : i32
      %dma_wait3A_40 = arith.constant 0 : i32
      %dma_wait3A_41 = tpu.memref_slice %arg4[%add3A, %dma_wait3A_39, %dma_wait3A_40] : memref<32x96x128xi32, #tpu.memory_space<hbm>> -> memref<1x96x128xi32, #tpu.memory_space<hbm>>
      %dma_wait3A_42 = tpu.memref_squeeze %dma_wait3A_41 : memref<1x96x128xi32, #tpu.memory_space<hbm>> -> memref<96x128xi32, #tpu.memory_space<hbm>>
      tpu.wait_dma2 semaphore(%run_scoped3A : memref<!tpu.dma_semaphore, #tpu.memory_space<semaphore_mem>>) src(%dma_wait3A_42 : memref<96x128xi32, #tpu.memory_space<hbm>>) dst(%arg8 : memref<96x128xi32, #tpu.memory_space<vmem>>)
      tpu.yield
    }) : () -> ()
    %mul3A_1 = arith.constant 640 : i32
    %mul3A_2 = arith.muli %arg1, %mul3A_1 : i32
    "tpu.region"() ({
      %run_scoped3A = tpu.sem_alloc : memref<!tpu.dma_semaphore, #tpu.memory_space<semaphore_mem>>
      %dma_start3A_27 = arith.constant 0 : i32
      %dma_start3A_28 = tpu.memref_slice %arg15[%mul3A_2, %dma_start3A_27] : memref<10240x8xf32, #tpu.memory_space<vmem_shared>> -> memref<640x8xf32, #tpu.memory_space<vmem_shared>>
      tpu.enqueue_dma source(%arg5 : memref<640x8xf32, #tpu.memory_space<hbm>>) target(%dma_start3A_28 : memref<640x8xf32, #tpu.memory_space<vmem_shared>>) target_semaphore(%run_scoped3A : memref<!tpu.dma_semaphore, #tpu.memory_space<semaphore_mem>>)
      %dma_wait3A_29 = arith.constant 0 : i32
      %dma_wait3A_30 = tpu.memref_slice %arg15[%mul3A_2, %dma_wait3A_29] : memref<10240x8xf32, #tpu.memory_space<vmem_shared>> -> memref<640x8xf32, #tpu.memory_space<vmem_shared>>
      tpu.wait_dma2 semaphore(%run_scoped3A : memref<!tpu.dma_semaphore, #tpu.memory_space<semaphore_mem>>) src(%arg5 : memref<640x8xf32, #tpu.memory_space<hbm>>) dst(%dma_wait3A_30 : memref<640x8xf32, #tpu.memory_space<vmem_shared>>)
      tpu.yield
    }) : () -> ()
    %barrier3A = arith.constant 0 : index
    tpu.barrier barrier_id(%barrier3A)
    %dma_start3A = arith.constant 0 : i32
    %dma_start3A_3 = arith.constant 0 : i32
    %dma_start3A_4 = tpu.memref_slice %arg7[%dma_start3A, %dma_start3A_3] : memref<96x128xi32, #tpu.memory_space<vmem>> -> memref<1x128xi32, #tpu.memory_space<vmem>>
    %dma_start3A_5 = tpu.memref_squeeze %dma_start3A_4 : memref<1x128xi32, #tpu.memory_space<vmem>> -> memref<128xi32, #tpu.memory_space<vmem>>
    %dma_start3A_6 = arith.constant 0 : i32
    %dma_start3A_7 = arith.constant 0 : i32
    %dma_start3A_8 = tpu.memref_slice %arg2[%dma_start3A_6, %dma_start3A_7] : memref<10240x8xf32, #tpu.memory_space<hbm>> -> memref<10240x8xf32, #tpu.memory_space<hbm>>
    tpu.enqueue_indirect_dma source(%dma_start3A_8 : memref<10240x8xf32, #tpu.memory_space<hbm>>) target(%arg9 : memref<128x8xf32, #tpu.memory_space<vmem>>) offsets(%dma_start3A_5 : memref<128xi32, #tpu.memory_space<vmem>>) semaphore(%arg11 : memref<!tpu.dma_semaphore, #tpu.memory_space<semaphore_mem>>)
    %dma_wait3A = arith.constant 0 : i32
    %dma_wait3A_9 = arith.constant 0 : i32
    %dma_wait3A_10 = tpu.memref_slice %arg7[%dma_wait3A, %dma_wait3A_9] : memref<96x128xi32, #tpu.memory_space<vmem>> -> memref<1x128xi32, #tpu.memory_space<vmem>>
    %dma_wait3A_11 = tpu.memref_squeeze %dma_wait3A_10 : memref<1x128xi32, #tpu.memory_space<vmem>> -> memref<128xi32, #tpu.memory_space<vmem>>
    %dma_wait3A_12 = arith.constant 0 : i32
    %dma_wait3A_13 = arith.constant 0 : i32
    %dma_wait3A_14 = tpu.memref_slice %arg2[%dma_wait3A_12, %dma_wait3A_13] : memref<10240x8xf32, #tpu.memory_space<hbm>> -> memref<10240x8xf32, #tpu.memory_space<hbm>>
    tpu.wait_indirect_dma semaphore(%arg11 : memref<!tpu.dma_semaphore, #tpu.memory_space<semaphore_mem>>) src(%dma_wait3A_14 : memref<10240x8xf32, #tpu.memory_space<hbm>>) dst(%arg9 : memref<128x8xf32, #tpu.memory_space<vmem>>)
    %eq3A = arith.constant 0 : i32
    %eq3A_15 = arith.cmpi eq, %arg0, %eq3A : i32
    %jit3A = arith.constant 32 : i32
    %jit3A_16 = arith.constant 47 : i32
    %select_n3A = arith.select %eq3A_15, %jit3A, %jit3A_16 : i32
    %while3A = arith.constant 0 : i32
    %while3A_17 = arith.constant 0 : i32
    %while3A_18 = arith.subi %select_n3A, %while3A_17 : i32
    %while3A_19 = arith.addi %while3A_17, %while3A_18 : i32
    %while3A_20 = arith.constant 1 : i32
    %while3A_21 = arith.divsi %while3A_18, %while3A_20 : i32
    %while3A_22 = arith.muli %while3A_21, %while3A_20 : i32
    %while3A_23 = arith.addi %while3A_17, %while3A_22 : i32
    %while3A_24 = arith.constant 1 : i32
    scf.for %while3A_27 = %while3A_17 to %while3A_23 step %while3A_24  : i32 {
      %mul3A_28 = arith.constant 2 : i32
      %mul3A_29 = arith.muli %while3A_27, %mul3A_28 : i32
      %add3A_30 = arith.constant 1 : i32
      %add3A_31 = arith.addi %mul3A_29, %add3A_30 : i32
      %dma_start3A_32 = arith.constant 0 : i32
      %dma_start3A_33 = tpu.memref_slice %arg7[%add3A_31, %dma_start3A_32] : memref<96x128xi32, #tpu.memory_space<vmem>> -> memref<1x128xi32, #tpu.memory_space<vmem>>
      %dma_start3A_34 = tpu.memref_squeeze %dma_start3A_33 : memref<1x128xi32, #tpu.memory_space<vmem>> -> memref<128xi32, #tpu.memory_space<vmem>>
      %dma_start3A_35 = arith.constant 0 : i32
      %dma_start3A_36 = arith.constant 0 : i32
      %dma_start3A_37 = tpu.memref_slice %arg2[%dma_start3A_35, %dma_start3A_36] : memref<10240x8xf32, #tpu.memory_space<hbm>> -> memref<10240x8xf32, #tpu.memory_space<hbm>>
      tpu.enqueue_indirect_dma source(%dma_start3A_37 : memref<10240x8xf32, #tpu.memory_space<hbm>>) target(%arg10 : memref<128x8xf32, #tpu.memory_space<vmem>>) offsets(%dma_start3A_34 : memref<128xi32, #tpu.memory_space<vmem>>) semaphore(%arg12 : memref<!tpu.dma_semaphore, #tpu.memory_space<semaphore_mem>>)
      "tpu.region"() ({
        %run_scoped3A = tpu.sem_alloc : memref<!tpu.dma_semaphore, #tpu.memory_space<semaphore_mem>>
        %dma_start3A_60 = arith.constant 0 : i32
        %dma_start3A_61 = tpu.memref_slice %arg8[%mul3A_29, %dma_start3A_60] : memref<96x128xi32, #tpu.memory_space<vmem>> -> memref<1x128xi32, #tpu.memory_space<vmem>>
        %dma_start3A_62 = tpu.memref_squeeze %dma_start3A_61 : memref<1x128xi32, #tpu.memory_space<vmem>> -> memref<128xi32, #tpu.memory_space<vmem>>
        %dma_start3A_63 = arith.constant 0 : i32
        %dma_start3A_64 = arith.constant 0 : i32
        %dma_start3A_65 = tpu.memref_slice %arg15[%dma_start3A_63, %dma_start3A_64] : memref<10240x8xf32, #tpu.memory_space<vmem_shared>> -> memref<10240x8xf32, #tpu.memory_space<vmem_shared>>
        tpu.enqueue_indirect_dma source(%arg9 : memref<128x8xf32, #tpu.memory_space<vmem>>) target(%dma_start3A_65 : memref<10240x8xf32, #tpu.memory_space<vmem_shared>>) offsets(%dma_start3A_62 : memref<128xi32, #tpu.memory_space<vmem>>) semaphore(%run_scoped3A : memref<!tpu.dma_semaphore, #tpu.memory_space<semaphore_mem>>) {add = true}
        %dma_wait3A_66 = arith.constant 0 : i32
        %dma_wait3A_67 = tpu.memref_slice %arg8[%mul3A_29, %dma_wait3A_66] : memref<96x128xi32, #tpu.memory_space<vmem>> -> memref<1x128xi32, #tpu.memory_space<vmem>>
        %dma_wait3A_68 = tpu.memref_squeeze %dma_wait3A_67 : memref<1x128xi32, #tpu.memory_space<vmem>> -> memref<128xi32, #tpu.memory_space<vmem>>
        %dma_wait3A_69 = arith.constant 0 : i32
        %dma_wait3A_70 = arith.constant 0 : i32
        %dma_wait3A_71 = tpu.memref_slice %arg15[%dma_wait3A_69, %dma_wait3A_70] : memref<10240x8xf32, #tpu.memory_space<vmem_shared>> -> memref<10240x8xf32, #tpu.memory_space<vmem_shared>>
        tpu.wait_indirect_dma semaphore(%run_scoped3A : memref<!tpu.dma_semaphore, #tpu.memory_space<semaphore_mem>>) src(%arg9 : memref<128x8xf32, #tpu.memory_space<vmem>>) dst(%dma_wait3A_71 : memref<10240x8xf32, #tpu.memory_space<vmem_shared>>)
        tpu.yield
      }) : () -> ()
      %dma_wait3A_38 = arith.constant 0 : i32
      %dma_wait3A_39 = tpu.memref_slice %arg7[%add3A_31, %dma_wait3A_38] : memref<96x128xi32, #tpu.memory_space<vmem>> -> memref<1x128xi32, #tpu.memory_space<vmem>>
      %dma_wait3A_40 = tpu.memref_squeeze %dma_wait3A_39 : memref<1x128xi32, #tpu.memory_space<vmem>> -> memref<128xi32, #tpu.memory_space<vmem>>
      %dma_wait3A_41 = arith.constant 0 : i32
      %dma_wait3A_42 = arith.constant 0 : i32
      %dma_wait3A_43 = tpu.memref_slice %arg2[%dma_wait3A_41, %dma_wait3A_42] : memref<10240x8xf32, #tpu.memory_space<hbm>> -> memref<10240x8xf32, #tpu.memory_space<hbm>>
      tpu.wait_indirect_dma semaphore(%arg12 : memref<!tpu.dma_semaphore, #tpu.memory_space<semaphore_mem>>) src(%dma_wait3A_43 : memref<10240x8xf32, #tpu.memory_space<hbm>>) dst(%arg10 : memref<128x8xf32, #tpu.memory_space<vmem>>)
      %add3A_44 = arith.constant 2 : i32
      %add3A_45 = arith.addi %mul3A_29, %add3A_44 : i32
      %dma_start3A_46 = arith.constant 0 : i32
      %dma_start3A_47 = tpu.memref_slice %arg7[%add3A_45, %dma_start3A_46] : memref<96x128xi32, #tpu.memory_space<vmem>> -> memref<1x128xi32, #tpu.memory_space<vmem>>
      %dma_start3A_48 = tpu.memref_squeeze %dma_start3A_47 : memref<1x128xi32, #tpu.memory_space<vmem>> -> memref<128xi32, #tpu.memory_space<vmem>>
      %dma_start3A_49 = arith.constant 0 : i32
      %dma_start3A_50 = arith.constant 0 : i32
      %dma_start3A_51 = tpu.memref_slice %arg2[%dma_start3A_49, %dma_start3A_50] : memref<10240x8xf32, #tpu.memory_space<hbm>> -> memref<10240x8xf32, #tpu.memory_space<hbm>>
      tpu.enqueue_indirect_dma source(%dma_start3A_51 : memref<10240x8xf32, #tpu.memory_space<hbm>>) target(%arg9 : memref<128x8xf32, #tpu.memory_space<vmem>>) offsets(%dma_start3A_48 : memref<128xi32, #tpu.memory_space<vmem>>) semaphore(%arg11 : memref<!tpu.dma_semaphore, #tpu.memory_space<semaphore_mem>>)
      %add3A_52 = arith.constant 1 : i32
      %add3A_53 = arith.addi %mul3A_29, %add3A_52 : i32
      "tpu.region"() ({
        %run_scoped3A = tpu.sem_alloc : memref<!tpu.dma_semaphore, #tpu.memory_space<semaphore_mem>>
        %dma_start3A_60 = arith.constant 0 : i32
        %dma_start3A_61 = tpu.memref_slice %arg8[%add3A_53, %dma_start3A_60] : memref<96x128xi32, #tpu.memory_space<vmem>> -> memref<1x128xi32, #tpu.memory_space<vmem>>
        %dma_start3A_62 = tpu.memref_squeeze %dma_start3A_61 : memref<1x128xi32, #tpu.memory_space<vmem>> -> memref<128xi32, #tpu.memory_space<vmem>>
        %dma_start3A_63 = arith.constant 0 : i32
        %dma_start3A_64 = arith.constant 0 : i32
        %dma_start3A_65 = tpu.memref_slice %arg15[%dma_start3A_63, %dma_start3A_64] : memref<10240x8xf32, #tpu.memory_space<vmem_shared>> -> memref<10240x8xf32, #tpu.memory_space<vmem_shared>>
        tpu.enqueue_indirect_dma source(%arg10 : memref<128x8xf32, #tpu.memory_space<vmem>>) target(%dma_start3A_65 : memref<10240x8xf32, #tpu.memory_space<vmem_shared>>) offsets(%dma_start3A_62 : memref<128xi32, #tpu.memory_space<vmem>>) semaphore(%run_scoped3A : memref<!tpu.dma_semaphore, #tpu.memory_space<semaphore_mem>>) {add = true}
        %dma_wait3A_66 = arith.constant 0 : i32
        %dma_wait3A_67 = tpu.memref_slice %arg8[%add3A_53, %dma_wait3A_66] : memref<96x128xi32, #tpu.memory_space<vmem>> -> memref<1x128xi32, #tpu.memory_space<vmem>>
        %dma_wait3A_68 = tpu.memref_squeeze %dma_wait3A_67 : memref<1x128xi32, #tpu.memory_space<vmem>> -> memref<128xi32, #tpu.memory_space<vmem>>
        %dma_wait3A_69 = arith.constant 0 : i32
        %dma_wait3A_70 = arith.constant 0 : i32
        %dma_wait3A_71 = tpu.memref_slice %arg15[%dma_wait3A_69, %dma_wait3A_70] : memref<10240x8xf32, #tpu.memory_space<vmem_shared>> -> memref<10240x8xf32, #tpu.memory_space<vmem_shared>>
        tpu.wait_indirect_dma semaphore(%run_scoped3A : memref<!tpu.dma_semaphore, #tpu.memory_space<semaphore_mem>>) src(%arg10 : memref<128x8xf32, #tpu.memory_space<vmem>>) dst(%dma_wait3A_71 : memref<10240x8xf32, #tpu.memory_space<vmem_shared>>)
        tpu.yield
      }) : () -> ()
      %dma_wait3A_54 = arith.constant 0 : i32
      %dma_wait3A_55 = tpu.memref_slice %arg7[%add3A_45, %dma_wait3A_54] : memref<96x128xi32, #tpu.memory_space<vmem>> -> memref<1x128xi32, #tpu.memory_space<vmem>>
      %dma_wait3A_56 = tpu.memref_squeeze %dma_wait3A_55 : memref<1x128xi32, #tpu.memory_space<vmem>> -> memref<128xi32, #tpu.memory_space<vmem>>
      %dma_wait3A_57 = arith.constant 0 : i32
      %dma_wait3A_58 = arith.constant 0 : i32
      %dma_wait3A_59 = tpu.memref_slice %arg2[%dma_wait3A_57, %dma_wait3A_58] : memref<10240x8xf32, #tpu.memory_space<hbm>> -> memref<10240x8xf32, #tpu.memory_space<hbm>>
      tpu.wait_indirect_dma semaphore(%arg11 : memref<!tpu.dma_semaphore, #tpu.memory_space<semaphore_mem>>) src(%dma_wait3A_59 : memref<10240x8xf32, #tpu.memory_space<hbm>>) dst(%arg9 : memref<128x8xf32, #tpu.memory_space<vmem>>)
    }
    %while3A_25 = arith.constant 1 : i32
    scf.for %while3A_27 = %while3A_23 to %while3A_19 step %while3A_25  : i32 {
      %mul3A_28 = arith.constant 2 : i32
      %mul3A_29 = arith.muli %while3A_27, %mul3A_28 : i32
      %add3A_30 = arith.constant 1 : i32
      %add3A_31 = arith.addi %mul3A_29, %add3A_30 : i32
      %dma_start3A_32 = arith.constant 0 : i32
      %dma_start3A_33 = tpu.memref_slice %arg7[%add3A_31, %dma_start3A_32] : memref<96x128xi32, #tpu.memory_space<vmem>> -> memref<1x128xi32, #tpu.memory_space<vmem>>
      %dma_start3A_34 = tpu.memref_squeeze %dma_start3A_33 : memref<1x128xi32, #tpu.memory_space<vmem>> -> memref<128xi32, #tpu.memory_space<vmem>>
      %dma_start3A_35 = arith.constant 0 : i32
      %dma_start3A_36 = arith.constant 0 : i32
      %dma_start3A_37 = tpu.memref_slice %arg2[%dma_start3A_35, %dma_start3A_36] : memref<10240x8xf32, #tpu.memory_space<hbm>> -> memref<10240x8xf32, #tpu.memory_space<hbm>>
      tpu.enqueue_indirect_dma source(%dma_start3A_37 : memref<10240x8xf32, #tpu.memory_space<hbm>>) target(%arg10 : memref<128x8xf32, #tpu.memory_space<vmem>>) offsets(%dma_start3A_34 : memref<128xi32, #tpu.memory_space<vmem>>) semaphore(%arg12 : memref<!tpu.dma_semaphore, #tpu.memory_space<semaphore_mem>>)
      "tpu.region"() ({
        %run_scoped3A = tpu.sem_alloc : memref<!tpu.dma_semaphore, #tpu.memory_space<semaphore_mem>>
        %dma_start3A_60 = arith.constant 0 : i32
        %dma_start3A_61 = tpu.memref_slice %arg8[%mul3A_29, %dma_start3A_60] : memref<96x128xi32, #tpu.memory_space<vmem>> -> memref<1x128xi32, #tpu.memory_space<vmem>>
        %dma_start3A_62 = tpu.memref_squeeze %dma_start3A_61 : memref<1x128xi32, #tpu.memory_space<vmem>> -> memref<128xi32, #tpu.memory_space<vmem>>
        %dma_start3A_63 = arith.constant 0 : i32
        %dma_start3A_64 = arith.constant 0 : i32
        %dma_start3A_65 = tpu.memref_slice %arg15[%dma_start3A_63, %dma_start3A_64] : memref<10240x8xf32, #tpu.memory_space<vmem_shared>> -> memref<10240x8xf32, #tpu.memory_space<vmem_shared>>
        tpu.enqueue_indirect_dma source(%arg9 : memref<128x8xf32, #tpu.memory_space<vmem>>) target(%dma_start3A_65 : memref<10240x8xf32, #tpu.memory_space<vmem_shared>>) offsets(%dma_start3A_62 : memref<128xi32, #tpu.memory_space<vmem>>) semaphore(%run_scoped3A : memref<!tpu.dma_semaphore, #tpu.memory_space<semaphore_mem>>) {add = true}
        %dma_wait3A_66 = arith.constant 0 : i32
        %dma_wait3A_67 = tpu.memref_slice %arg8[%mul3A_29, %dma_wait3A_66] : memref<96x128xi32, #tpu.memory_space<vmem>> -> memref<1x128xi32, #tpu.memory_space<vmem>>
        %dma_wait3A_68 = tpu.memref_squeeze %dma_wait3A_67 : memref<1x128xi32, #tpu.memory_space<vmem>> -> memref<128xi32, #tpu.memory_space<vmem>>
        %dma_wait3A_69 = arith.constant 0 : i32
        %dma_wait3A_70 = arith.constant 0 : i32
        %dma_wait3A_71 = tpu.memref_slice %arg15[%dma_wait3A_69, %dma_wait3A_70] : memref<10240x8xf32, #tpu.memory_space<vmem_shared>> -> memref<10240x8xf32, #tpu.memory_space<vmem_shared>>
        tpu.wait_indirect_dma semaphore(%run_scoped3A : memref<!tpu.dma_semaphore, #tpu.memory_space<semaphore_mem>>) src(%arg9 : memref<128x8xf32, #tpu.memory_space<vmem>>) dst(%dma_wait3A_71 : memref<10240x8xf32, #tpu.memory_space<vmem_shared>>)
        tpu.yield
      }) : () -> ()
      %dma_wait3A_38 = arith.constant 0 : i32
      %dma_wait3A_39 = tpu.memref_slice %arg7[%add3A_31, %dma_wait3A_38] : memref<96x128xi32, #tpu.memory_space<vmem>> -> memref<1x128xi32, #tpu.memory_space<vmem>>
      %dma_wait3A_40 = tpu.memref_squeeze %dma_wait3A_39 : memref<1x128xi32, #tpu.memory_space<vmem>> -> memref<128xi32, #tpu.memory_space<vmem>>
      %dma_wait3A_41 = arith.constant 0 : i32
      %dma_wait3A_42 = arith.constant 0 : i32
      %dma_wait3A_43 = tpu.memref_slice %arg2[%dma_wait3A_41, %dma_wait3A_42] : memref<10240x8xf32, #tpu.memory_space<hbm>> -> memref<10240x8xf32, #tpu.memory_space<hbm>>
      tpu.wait_indirect_dma semaphore(%arg12 : memref<!tpu.dma_semaphore, #tpu.memory_space<semaphore_mem>>) src(%dma_wait3A_43 : memref<10240x8xf32, #tpu.memory_space<hbm>>) dst(%arg10 : memref<128x8xf32, #tpu.memory_space<vmem>>)
      %add3A_44 = arith.constant 2 : i32
      %add3A_45 = arith.addi %mul3A_29, %add3A_44 : i32
      %dma_start3A_46 = arith.constant 0 : i32
      %dma_start3A_47 = tpu.memref_slice %arg7[%add3A_45, %dma_start3A_46] : memref<96x128xi32, #tpu.memory_space<vmem>> -> memref<1x128xi32, #tpu.memory_space<vmem>>
      %dma_start3A_48 = tpu.memref_squeeze %dma_start3A_47 : memref<1x128xi32, #tpu.memory_space<vmem>> -> memref<128xi32, #tpu.memory_space<vmem>>
      %dma_start3A_49 = arith.constant 0 : i32
      %dma_start3A_50 = arith.constant 0 : i32
      %dma_start3A_51 = tpu.memref_slice %arg2[%dma_start3A_49, %dma_start3A_50] : memref<10240x8xf32, #tpu.memory_space<hbm>> -> memref<10240x8xf32, #tpu.memory_space<hbm>>
      tpu.enqueue_indirect_dma source(%dma_start3A_51 : memref<10240x8xf32, #tpu.memory_space<hbm>>) target(%arg9 : memref<128x8xf32, #tpu.memory_space<vmem>>) offsets(%dma_start3A_48 : memref<128xi32, #tpu.memory_space<vmem>>) semaphore(%arg11 : memref<!tpu.dma_semaphore, #tpu.memory_space<semaphore_mem>>)
      %add3A_52 = arith.constant 1 : i32
      %add3A_53 = arith.addi %mul3A_29, %add3A_52 : i32
      "tpu.region"() ({
        %run_scoped3A = tpu.sem_alloc : memref<!tpu.dma_semaphore, #tpu.memory_space<semaphore_mem>>
        %dma_start3A_60 = arith.constant 0 : i32
        %dma_start3A_61 = tpu.memref_slice %arg8[%add3A_53, %dma_start3A_60] : memref<96x128xi32, #tpu.memory_space<vmem>> -> memref<1x128xi32, #tpu.memory_space<vmem>>
        %dma_start3A_62 = tpu.memref_squeeze %dma_start3A_61 : memref<1x128xi32, #tpu.memory_space<vmem>> -> memref<128xi32, #tpu.memory_space<vmem>>
        %dma_start3A_63 = arith.constant 0 : i32
        %dma_start3A_64 = arith.constant 0 : i32
        %dma_start3A_65 = tpu.memref_slice %arg15[%dma_start3A_63, %dma_start3A_64] : memref<10240x8xf32, #tpu.memory_space<vmem_shared>> -> memref<10240x8xf32, #tpu.memory_space<vmem_shared>>
        tpu.enqueue_indirect_dma source(%arg10 : memref<128x8xf32, #tpu.memory_space<vmem>>) target(%dma_start3A_65 : memref<10240x8xf32, #tpu.memory_space<vmem_shared>>) offsets(%dma_start3A_62 : memref<128xi32, #tpu.memory_space<vmem>>) semaphore(%run_scoped3A : memref<!tpu.dma_semaphore, #tpu.memory_space<semaphore_mem>>) {add = true}
        %dma_wait3A_66 = arith.constant 0 : i32
        %dma_wait3A_67 = tpu.memref_slice %arg8[%add3A_53, %dma_wait3A_66] : memref<96x128xi32, #tpu.memory_space<vmem>> -> memref<1x128xi32, #tpu.memory_space<vmem>>
        %dma_wait3A_68 = tpu.memref_squeeze %dma_wait3A_67 : memref<1x128xi32, #tpu.memory_space<vmem>> -> memref<128xi32, #tpu.memory_space<vmem>>
        %dma_wait3A_69 = arith.constant 0 : i32
        %dma_wait3A_70 = arith.constant 0 : i32
        %dma_wait3A_71 = tpu.memref_slice %arg15[%dma_wait3A_69, %dma_wait3A_70] : memref<10240x8xf32, #tpu.memory_space<vmem_shared>> -> memref<10240x8xf32, #tpu.memory_space<vmem_shared>>
        tpu.wait_indirect_dma semaphore(%run_scoped3A : memref<!tpu.dma_semaphore, #tpu.memory_space<semaphore_mem>>) src(%arg10 : memref<128x8xf32, #tpu.memory_space<vmem>>) dst(%dma_wait3A_71 : memref<10240x8xf32, #tpu.memory_space<vmem_shared>>)
        tpu.yield
      }) : () -> ()
      %dma_wait3A_54 = arith.constant 0 : i32
      %dma_wait3A_55 = tpu.memref_slice %arg7[%add3A_45, %dma_wait3A_54] : memref<96x128xi32, #tpu.memory_space<vmem>> -> memref<1x128xi32, #tpu.memory_space<vmem>>
      %dma_wait3A_56 = tpu.memref_squeeze %dma_wait3A_55 : memref<1x128xi32, #tpu.memory_space<vmem>> -> memref<128xi32, #tpu.memory_space<vmem>>
      %dma_wait3A_57 = arith.constant 0 : i32
      %dma_wait3A_58 = arith.constant 0 : i32
      %dma_wait3A_59 = tpu.memref_slice %arg2[%dma_wait3A_57, %dma_wait3A_58] : memref<10240x8xf32, #tpu.memory_space<hbm>> -> memref<10240x8xf32, #tpu.memory_space<hbm>>
      tpu.wait_indirect_dma semaphore(%arg11 : memref<!tpu.dma_semaphore, #tpu.memory_space<semaphore_mem>>) src(%dma_wait3A_59 : memref<10240x8xf32, #tpu.memory_space<hbm>>) dst(%arg9 : memref<128x8xf32, #tpu.memory_space<vmem>>)
    }
    %barrier3A_26 = arith.constant 0 : index
    tpu.barrier barrier_id(%barrier3A_26)
    "tpu.region"() ({
      %run_scoped3A = tpu.sem_alloc : memref<!tpu.dma_semaphore, #tpu.memory_space<semaphore_mem>>
      %dma_start3A_27 = arith.constant 0 : i32
      %dma_start3A_28 = tpu.memref_slice %arg6[%arg0, %mul3A_2, %dma_start3A_27] : memref<2x10240x8xf32, #tpu.memory_space<hbm>> -> memref<1x640x8xf32, #tpu.memory_space<hbm>>
      %dma_start3A_29 = tpu.memref_squeeze %dma_start3A_28 : memref<1x640x8xf32, #tpu.memory_space<hbm>> -> memref<640x8xf32, #tpu.memory_space<hbm>>
      %dma_start3A_30 = arith.constant 0 : i32
      %dma_start3A_31 = tpu.memref_slice %arg15[%mul3A_2, %dma_start3A_30] : memref<10240x8xf32, #tpu.memory_space<vmem_shared>> -> memref<640x8xf32, #tpu.memory_space<vmem_shared>>
      tpu.enqueue_dma source(%dma_start3A_31 : memref<640x8xf32, #tpu.memory_space<vmem_shared>>) target(%dma_start3A_29 : memref<640x8xf32, #tpu.memory_space<hbm>>) target_semaphore(%run_scoped3A : memref<!tpu.dma_semaphore, #tpu.memory_space<semaphore_mem>>)
      %dma_wait3A_32 = arith.constant 0 : i32
      %dma_wait3A_33 = tpu.memref_slice %arg6[%arg0, %mul3A_2, %dma_wait3A_32] : memref<2x10240x8xf32, #tpu.memory_space<hbm>> -> memref<1x640x8xf32, #tpu.memory_space<hbm>>
      %dma_wait3A_34 = tpu.memref_squeeze %dma_wait3A_33 : memref<1x640x8xf32, #tpu.memory_space<hbm>> -> memref<640x8xf32, #tpu.memory_space<hbm>>
      %dma_wait3A_35 = arith.constant 0 : i32
      %dma_wait3A_36 = tpu.memref_slice %arg15[%mul3A_2, %dma_wait3A_35] : memref<10240x8xf32, #tpu.memory_space<vmem_shared>> -> memref<640x8xf32, #tpu.memory_space<vmem_shared>>
      tpu.wait_dma2 semaphore(%run_scoped3A : memref<!tpu.dma_semaphore, #tpu.memory_space<semaphore_mem>>) src(%dma_wait3A_36 : memref<640x8xf32, #tpu.memory_space<vmem_shared>>) dst(%dma_wait3A_34 : memref<640x8xf32, #tpu.memory_space<hbm>>)
      tpu.yield
    }) : () -> ()
    return
  }
}

#map = affine_map<(d0, d1) -> (0, 0)>
#map1 = affine_map<(d0, d1) -> (0, 0, 0)>
module attributes {stable_mosaic.version = 14 : i64} {
  func.func @agg(%arg0: i32, %arg1: i32, %arg2: memref<10240x8xf32, #tpu.memory_space<hbm>>, %arg3: memref<32x96x128xi32, #tpu.memory_space<hbm>>, %arg4: memref<32x96x128xi32, #tpu.memory_space<hbm>>, %arg5: memref<640x8xf32, #tpu.memory_space<hbm>>, %arg6: memref<2x10240x8xf32, #tpu.memory_space<hbm>>, %arg7: memref<96x128xi32, #tpu.memory_space<vmem>>, %arg8: memref<96x128xi32, #tpu.memory_space<vmem>>, %arg9: memref<128x8xf32, #tpu.memory_space<vmem>>, %arg10: memref<128x8xf32, #tpu.memory_space<vmem>>, %arg11: memref<!tpu.dma_semaphore, #tpu.memory_space<semaphore_mem>>, %arg12: memref<!tpu.dma_semaphore, #tpu.memory_space<semaphore_mem>>, %arg13: memref<!tpu.dma_semaphore, #tpu.memory_space<semaphore_mem>>, %arg14: memref<!tpu.dma_semaphore, #tpu.memory_space<semaphore_mem>>, %arg15: memref<10240x8xf32, #tpu.memory_space<vmem_shared>>) attributes {dimension_semantics = [#tpu.dimension_semantics<core_parallel>, #tpu.dimension_semantics<subcore_parallel>], iteration_bounds = array<i64: 2, 16>, scalar_prefetch = 0 : i64, scratch_operands = 9 : i64, tpu.core_type = #tpu.core_type<sc_vector_subcore>, window_params = [{transform_indices = #map}, {transform_indices = #map1}, {transform_indices = #map1}, {transform_indices = #map}, {transform_indices = #map1}]} {
    %mul3A = arith.constant 16 : i32
    %mul3A_0 = arith.muli %arg0, %mul3A : i32
    %add3A = arith.addi %mul3A_0, %arg1 : i32
    "tpu.region"() ({
      %run_scoped3A = tpu.sem_alloc : memref<!tpu.dma_semaphore, #tpu.memory_space<semaphore_mem>>
      %dma_start3A_27 = arith.constant 0 : i32
      %dma_start3A_28 = arith.constant 0 : i32
      %dma_start3A_29 = tpu.memref_slice %arg3[%add3A, %dma_start3A_27, %dma_start3A_28] : memref<32x96x128xi32, #tpu.memory_space<hbm>> -> memref<1x96x128xi32, #tpu.memory_space<hbm>>
      %dma_start3A_30 = tpu.memref_squeeze %dma_start3A_29 : memref<1x96x128xi32, #tpu.memory_space<hbm>> -> memref<96x128xi32, #tpu.memory_space<hbm>>
      %dma_start3A_31 = arith.constant 0 : i32
      %dma_start3A_32 = arith.constant 0 : i32
      %dma_start3A_33 = tpu.memref_slice %arg3[%add3A, %dma_start3A_31, %dma_start3A_32] : memref<32x96x128xi32, #tpu.memory_space<hbm>> -> memref<1x96x128xi32, #tpu.memory_space<hbm>>
      %dma_start3A_34 = tpu.memref_squeeze %dma_start3A_33 : memref<1x96x128xi32, #tpu.memory_space<hbm>> -> memref<96x128xi32, #tpu.memory_space<hbm>>
      tpu.enqueue_dma source(%dma_start3A_34 : memref<96x128xi32, #tpu.memory_space<hbm>>) target(%arg7 : memref<96x128xi32, #tpu.memory_space<vmem>>) target_semaphore(%run_scoped3A : memref<!tpu.dma_semaphore, #tpu.memory_space<semaphore_mem>>)
      %dma_wait3A_35 = arith.constant 0 : i32
      %dma_wait3A_36 = arith.constant 0 : i32
      %dma_wait3A_37 = tpu.memref_slice %arg3[%add3A, %dma_wait3A_35, %dma_wait3A_36] : memref<32x96x128xi32, #tpu.memory_space<hbm>> -> memref<1x96x128xi32, #tpu.memory_space<hbm>>
      %dma_wait3A_38 = tpu.memref_squeeze %dma_wait3A_37 : memref<1x96x128xi32, #tpu.memory_space<hbm>> -> memref<96x128xi32, #tpu.memory_space<hbm>>
      %dma_wait3A_39 = arith.constant 0 : i32
      %dma_wait3A_40 = arith.constant 0 : i32
      %dma_wait3A_41 = tpu.memref_slice %arg3[%add3A, %dma_wait3A_39, %dma_wait3A_40] : memref<32x96x128xi32, #tpu.memory_space<hbm>> -> memref<1x96x128xi32, #tpu.memory_space<hbm>>
      %dma_wait3A_42 = tpu.memref_squeeze %dma_wait3A_41 : memref<1x96x128xi32, #tpu.memory_space<hbm>> -> memref<96x128xi32, #tpu.memory_space<hbm>>
      tpu.wait_dma2 semaphore(%run_scoped3A : memref<!tpu.dma_semaphore, #tpu.memory_space<semaphore_mem>>) src(%dma_wait3A_42 : memref<96x128xi32, #tpu.memory_space<hbm>>) dst(%arg7 : memref<96x128xi32, #tpu.memory_space<vmem>>)
      tpu.yield
    }) : () -> ()
    "tpu.region"() ({
      %run_scoped3A = tpu.sem_alloc : memref<!tpu.dma_semaphore, #tpu.memory_space<semaphore_mem>>
      %dma_start3A_27 = arith.constant 0 : i32
      %dma_start3A_28 = arith.constant 0 : i32
      %dma_start3A_29 = tpu.memref_slice %arg4[%add3A, %dma_start3A_27, %dma_start3A_28] : memref<32x96x128xi32, #tpu.memory_space<hbm>> -> memref<1x96x128xi32, #tpu.memory_space<hbm>>
      %dma_start3A_30 = tpu.memref_squeeze %dma_start3A_29 : memref<1x96x128xi32, #tpu.memory_space<hbm>> -> memref<96x128xi32, #tpu.memory_space<hbm>>
      %dma_start3A_31 = arith.constant 0 : i32
      %dma_start3A_32 = arith.constant 0 : i32
      %dma_start3A_33 = tpu.memref_slice %arg4[%add3A, %dma_start3A_31, %dma_start3A_32] : memref<32x96x128xi32, #tpu.memory_space<hbm>> -> memref<1x96x128xi32, #tpu.memory_space<hbm>>
      %dma_start3A_34 = tpu.memref_squeeze %dma_start3A_33 : memref<1x96x128xi32, #tpu.memory_space<hbm>> -> memref<96x128xi32, #tpu.memory_space<hbm>>
      tpu.enqueue_dma source(%dma_start3A_34 : memref<96x128xi32, #tpu.memory_space<hbm>>) target(%arg8 : memref<96x128xi32, #tpu.memory_space<vmem>>) target_semaphore(%run_scoped3A : memref<!tpu.dma_semaphore, #tpu.memory_space<semaphore_mem>>)
      %dma_wait3A_35 = arith.constant 0 : i32
      %dma_wait3A_36 = arith.constant 0 : i32
      %dma_wait3A_37 = tpu.memref_slice %arg4[%add3A, %dma_wait3A_35, %dma_wait3A_36] : memref<32x96x128xi32, #tpu.memory_space<hbm>> -> memref<1x96x128xi32, #tpu.memory_space<hbm>>
      %dma_wait3A_38 = tpu.memref_squeeze %dma_wait3A_37 : memref<1x96x128xi32, #tpu.memory_space<hbm>> -> memref<96x128xi32, #tpu.memory_space<hbm>>
      %dma_wait3A_39 = arith.constant 0 : i32
      %dma_wait3A_40 = arith.constant 0 : i32
      %dma_wait3A_41 = tpu.memref_slice %arg4[%add3A, %dma_wait3A_39, %dma_wait3A_40] : memref<32x96x128xi32, #tpu.memory_space<hbm>> -> memref<1x96x128xi32, #tpu.memory_space<hbm>>
      %dma_wait3A_42 = tpu.memref_squeeze %dma_wait3A_41 : memref<1x96x128xi32, #tpu.memory_space<hbm>> -> memref<96x128xi32, #tpu.memory_space<hbm>>
      tpu.wait_dma2 semaphore(%run_scoped3A : memref<!tpu.dma_semaphore, #tpu.memory_space<semaphore_mem>>) src(%dma_wait3A_42 : memref<96x128xi32, #tpu.memory_space<hbm>>) dst(%arg8 : memref<96x128xi32, #tpu.memory_space<vmem>>)
      tpu.yield
    }) : () -> ()
    %mul3A_1 = arith.constant 640 : i32
    %mul3A_2 = arith.muli %arg1, %mul3A_1 : i32
    "tpu.region"() ({
      %run_scoped3A = tpu.sem_alloc : memref<!tpu.dma_semaphore, #tpu.memory_space<semaphore_mem>>
      %dma_start3A_27 = arith.constant 0 : i32
      %dma_start3A_28 = tpu.memref_slice %arg15[%mul3A_2, %dma_start3A_27] : memref<10240x8xf32, #tpu.memory_space<vmem_shared>> -> memref<640x8xf32, #tpu.memory_space<vmem_shared>>
      tpu.enqueue_dma source(%arg5 : memref<640x8xf32, #tpu.memory_space<hbm>>) target(%dma_start3A_28 : memref<640x8xf32, #tpu.memory_space<vmem_shared>>) target_semaphore(%run_scoped3A : memref<!tpu.dma_semaphore, #tpu.memory_space<semaphore_mem>>)
      %dma_wait3A_29 = arith.constant 0 : i32
      %dma_wait3A_30 = tpu.memref_slice %arg15[%mul3A_2, %dma_wait3A_29] : memref<10240x8xf32, #tpu.memory_space<vmem_shared>> -> memref<640x8xf32, #tpu.memory_space<vmem_shared>>
      tpu.wait_dma2 semaphore(%run_scoped3A : memref<!tpu.dma_semaphore, #tpu.memory_space<semaphore_mem>>) src(%arg5 : memref<640x8xf32, #tpu.memory_space<hbm>>) dst(%dma_wait3A_30 : memref<640x8xf32, #tpu.memory_space<vmem_shared>>)
      tpu.yield
    }) : () -> ()
    %barrier3A = arith.constant 0 : index
    tpu.barrier barrier_id(%barrier3A)
    %dma_start3A = arith.constant 0 : i32
    %dma_start3A_3 = arith.constant 0 : i32
    %dma_start3A_4 = tpu.memref_slice %arg7[%dma_start3A, %dma_start3A_3] : memref<96x128xi32, #tpu.memory_space<vmem>> -> memref<1x128xi32, #tpu.memory_space<vmem>>
    %dma_start3A_5 = tpu.memref_squeeze %dma_start3A_4 : memref<1x128xi32, #tpu.memory_space<vmem>> -> memref<128xi32, #tpu.memory_space<vmem>>
    %dma_start3A_6 = arith.constant 0 : i32
    %dma_start3A_7 = arith.constant 0 : i32
    %dma_start3A_8 = tpu.memref_slice %arg2[%dma_start3A_6, %dma_start3A_7] : memref<10240x8xf32, #tpu.memory_space<hbm>> -> memref<10240x8xf32, #tpu.memory_space<hbm>>
    tpu.enqueue_indirect_dma source(%dma_start3A_8 : memref<10240x8xf32, #tpu.memory_space<hbm>>) target(%arg9 : memref<128x8xf32, #tpu.memory_space<vmem>>) offsets(%dma_start3A_5 : memref<128xi32, #tpu.memory_space<vmem>>) semaphore(%arg11 : memref<!tpu.dma_semaphore, #tpu.memory_space<semaphore_mem>>)
    %dma_wait3A = arith.constant 0 : i32
    %dma_wait3A_9 = arith.constant 0 : i32
    %dma_wait3A_10 = tpu.memref_slice %arg7[%dma_wait3A, %dma_wait3A_9] : memref<96x128xi32, #tpu.memory_space<vmem>> -> memref<1x128xi32, #tpu.memory_space<vmem>>
    %dma_wait3A_11 = tpu.memref_squeeze %dma_wait3A_10 : memref<1x128xi32, #tpu.memory_space<vmem>> -> memref<128xi32, #tpu.memory_space<vmem>>
    %dma_wait3A_12 = arith.constant 0 : i32
    %dma_wait3A_13 = arith.constant 0 : i32
    %dma_wait3A_14 = tpu.memref_slice %arg2[%dma_wait3A_12, %dma_wait3A_13] : memref<10240x8xf32, #tpu.memory_space<hbm>> -> memref<10240x8xf32, #tpu.memory_space<hbm>>
    tpu.wait_indirect_dma semaphore(%arg11 : memref<!tpu.dma_semaphore, #tpu.memory_space<semaphore_mem>>) src(%dma_wait3A_14 : memref<10240x8xf32, #tpu.memory_space<hbm>>) dst(%arg9 : memref<128x8xf32, #tpu.memory_space<vmem>>)
    %eq3A = arith.constant 0 : i32
    %eq3A_15 = arith.cmpi eq, %arg0, %eq3A : i32
    %jit3A = arith.constant 32 : i32
    %jit3A_16 = arith.constant 47 : i32
    %select_n3A = arith.select %eq3A_15, %jit3A, %jit3A_16 : i32
    %while3A = arith.constant 0 : i32
    %while3A_17 = arith.constant 0 : i32
    %while3A_18 = arith.subi %select_n3A, %while3A_17 : i32
    %while3A_19 = arith.addi %while3A_17, %while3A_18 : i32
    %while3A_20 = arith.constant 1 : i32
    %while3A_21 = arith.divsi %while3A_18, %while3A_20 : i32
    %while3A_22 = arith.muli %while3A_21, %while3A_20 : i32
    %while3A_23 = arith.addi %while3A_17, %while3A_22 : i32
    %while3A_24 = arith.constant 1 : i32
    scf.for %while3A_27 = %while3A_17 to %while3A_23 step %while3A_24  : i32 {
      %mul3A_28 = arith.constant 2 : i32
      %mul3A_29 = arith.muli %while3A_27, %mul3A_28 : i32
      %add3A_30 = arith.constant 1 : i32
      %add3A_31 = arith.addi %mul3A_29, %add3A_30 : i32
      %dma_start3A_32 = arith.constant 0 : i32
      %dma_start3A_33 = tpu.memref_slice %arg7[%add3A_31, %dma_start3A_32] : memref<96x128xi32, #tpu.memory_space<vmem>> -> memref<1x128xi32, #tpu.memory_space<vmem>>
      %dma_start3A_34 = tpu.memref_squeeze %dma_start3A_33 : memref<1x128xi32, #tpu.memory_space<vmem>> -> memref<128xi32, #tpu.memory_space<vmem>>
      %dma_start3A_35 = arith.constant 0 : i32
      %dma_start3A_36 = arith.constant 0 : i32
      %dma_start3A_37 = tpu.memref_slice %arg2[%dma_start3A_35, %dma_start3A_36] : memref<10240x8xf32, #tpu.memory_space<hbm>> -> memref<10240x8xf32, #tpu.memory_space<hbm>>
      tpu.enqueue_indirect_dma source(%dma_start3A_37 : memref<10240x8xf32, #tpu.memory_space<hbm>>) target(%arg10 : memref<128x8xf32, #tpu.memory_space<vmem>>) offsets(%dma_start3A_34 : memref<128xi32, #tpu.memory_space<vmem>>) semaphore(%arg12 : memref<!tpu.dma_semaphore, #tpu.memory_space<semaphore_mem>>)
      "tpu.region"() ({
        %run_scoped3A = tpu.sem_alloc : memref<!tpu.dma_semaphore, #tpu.memory_space<semaphore_mem>>
        %dma_start3A_60 = arith.constant 0 : i32
        %dma_start3A_61 = tpu.memref_slice %arg8[%mul3A_29, %dma_start3A_60] : memref<96x128xi32, #tpu.memory_space<vmem>> -> memref<1x128xi32, #tpu.memory_space<vmem>>
        %dma_start3A_62 = tpu.memref_squeeze %dma_start3A_61 : memref<1x128xi32, #tpu.memory_space<vmem>> -> memref<128xi32, #tpu.memory_space<vmem>>
        %dma_start3A_63 = arith.constant 0 : i32
        %dma_start3A_64 = arith.constant 0 : i32
        %dma_start3A_65 = tpu.memref_slice %arg15[%dma_start3A_63, %dma_start3A_64] : memref<10240x8xf32, #tpu.memory_space<vmem_shared>> -> memref<10240x8xf32, #tpu.memory_space<vmem_shared>>
        tpu.enqueue_indirect_dma source(%arg9 : memref<128x8xf32, #tpu.memory_space<vmem>>) target(%dma_start3A_65 : memref<10240x8xf32, #tpu.memory_space<vmem_shared>>) offsets(%dma_start3A_62 : memref<128xi32, #tpu.memory_space<vmem>>) semaphore(%run_scoped3A : memref<!tpu.dma_semaphore, #tpu.memory_space<semaphore_mem>>) {add = true}
        %dma_wait3A_66 = arith.constant 0 : i32
        %dma_wait3A_67 = tpu.memref_slice %arg8[%mul3A_29, %dma_wait3A_66] : memref<96x128xi32, #tpu.memory_space<vmem>> -> memref<1x128xi32, #tpu.memory_space<vmem>>
        %dma_wait3A_68 = tpu.memref_squeeze %dma_wait3A_67 : memref<1x128xi32, #tpu.memory_space<vmem>> -> memref<128xi32, #tpu.memory_space<vmem>>
        %dma_wait3A_69 = arith.constant 0 : i32
        %dma_wait3A_70 = arith.constant 0 : i32
        %dma_wait3A_71 = tpu.memref_slice %arg15[%dma_wait3A_69, %dma_wait3A_70] : memref<10240x8xf32, #tpu.memory_space<vmem_shared>> -> memref<10240x8xf32, #tpu.memory_space<vmem_shared>>
        tpu.wait_indirect_dma semaphore(%run_scoped3A : memref<!tpu.dma_semaphore, #tpu.memory_space<semaphore_mem>>) src(%arg9 : memref<128x8xf32, #tpu.memory_space<vmem>>) dst(%dma_wait3A_71 : memref<10240x8xf32, #tpu.memory_space<vmem_shared>>)
        tpu.yield
      }) : () -> ()
      %dma_wait3A_38 = arith.constant 0 : i32
      %dma_wait3A_39 = tpu.memref_slice %arg7[%add3A_31, %dma_wait3A_38] : memref<96x128xi32, #tpu.memory_space<vmem>> -> memref<1x128xi32, #tpu.memory_space<vmem>>
      %dma_wait3A_40 = tpu.memref_squeeze %dma_wait3A_39 : memref<1x128xi32, #tpu.memory_space<vmem>> -> memref<128xi32, #tpu.memory_space<vmem>>
      %dma_wait3A_41 = arith.constant 0 : i32
      %dma_wait3A_42 = arith.constant 0 : i32
      %dma_wait3A_43 = tpu.memref_slice %arg2[%dma_wait3A_41, %dma_wait3A_42] : memref<10240x8xf32, #tpu.memory_space<hbm>> -> memref<10240x8xf32, #tpu.memory_space<hbm>>
      tpu.wait_indirect_dma semaphore(%arg12 : memref<!tpu.dma_semaphore, #tpu.memory_space<semaphore_mem>>) src(%dma_wait3A_43 : memref<10240x8xf32, #tpu.memory_space<hbm>>) dst(%arg10 : memref<128x8xf32, #tpu.memory_space<vmem>>)
      %add3A_44 = arith.constant 2 : i32
      %add3A_45 = arith.addi %mul3A_29, %add3A_44 : i32
      %dma_start3A_46 = arith.constant 0 : i32
      %dma_start3A_47 = tpu.memref_slice %arg7[%add3A_45, %dma_start3A_46] : memref<96x128xi32, #tpu.memory_space<vmem>> -> memref<1x128xi32, #tpu.memory_space<vmem>>
      %dma_start3A_48 = tpu.memref_squeeze %dma_start3A_47 : memref<1x128xi32, #tpu.memory_space<vmem>> -> memref<128xi32, #tpu.memory_space<vmem>>
      %dma_start3A_49 = arith.constant 0 : i32
      %dma_start3A_50 = arith.constant 0 : i32
      %dma_start3A_51 = tpu.memref_slice %arg2[%dma_start3A_49, %dma_start3A_50] : memref<10240x8xf32, #tpu.memory_space<hbm>> -> memref<10240x8xf32, #tpu.memory_space<hbm>>
      tpu.enqueue_indirect_dma source(%dma_start3A_51 : memref<10240x8xf32, #tpu.memory_space<hbm>>) target(%arg9 : memref<128x8xf32, #tpu.memory_space<vmem>>) offsets(%dma_start3A_48 : memref<128xi32, #tpu.memory_space<vmem>>) semaphore(%arg11 : memref<!tpu.dma_semaphore, #tpu.memory_space<semaphore_mem>>)
      %add3A_52 = arith.constant 1 : i32
      %add3A_53 = arith.addi %mul3A_29, %add3A_52 : i32
      "tpu.region"() ({
        %run_scoped3A = tpu.sem_alloc : memref<!tpu.dma_semaphore, #tpu.memory_space<semaphore_mem>>
        %dma_start3A_60 = arith.constant 0 : i32
        %dma_start3A_61 = tpu.memref_slice %arg8[%add3A_53, %dma_start3A_60] : memref<96x128xi32, #tpu.memory_space<vmem>> -> memref<1x128xi32, #tpu.memory_space<vmem>>
        %dma_start3A_62 = tpu.memref_squeeze %dma_start3A_61 : memref<1x128xi32, #tpu.memory_space<vmem>> -> memref<128xi32, #tpu.memory_space<vmem>>
        %dma_start3A_63 = arith.constant 0 : i32
        %dma_start3A_64 = arith.constant 0 : i32
        %dma_start3A_65 = tpu.memref_slice %arg15[%dma_start3A_63, %dma_start3A_64] : memref<10240x8xf32, #tpu.memory_space<vmem_shared>> -> memref<10240x8xf32, #tpu.memory_space<vmem_shared>>
        tpu.enqueue_indirect_dma source(%arg10 : memref<128x8xf32, #tpu.memory_space<vmem>>) target(%dma_start3A_65 : memref<10240x8xf32, #tpu.memory_space<vmem_shared>>) offsets(%dma_start3A_62 : memref<128xi32, #tpu.memory_space<vmem>>) semaphore(%run_scoped3A : memref<!tpu.dma_semaphore, #tpu.memory_space<semaphore_mem>>) {add = true}
        %dma_wait3A_66 = arith.constant 0 : i32
        %dma_wait3A_67 = tpu.memref_slice %arg8[%add3A_53, %dma_wait3A_66] : memref<96x128xi32, #tpu.memory_space<vmem>> -> memref<1x128xi32, #tpu.memory_space<vmem>>
        %dma_wait3A_68 = tpu.memref_squeeze %dma_wait3A_67 : memref<1x128xi32, #tpu.memory_space<vmem>> -> memref<128xi32, #tpu.memory_space<vmem>>
        %dma_wait3A_69 = arith.constant 0 : i32
        %dma_wait3A_70 = arith.constant 0 : i32
        %dma_wait3A_71 = tpu.memref_slice %arg15[%dma_wait3A_69, %dma_wait3A_70] : memref<10240x8xf32, #tpu.memory_space<vmem_shared>> -> memref<10240x8xf32, #tpu.memory_space<vmem_shared>>
        tpu.wait_indirect_dma semaphore(%run_scoped3A : memref<!tpu.dma_semaphore, #tpu.memory_space<semaphore_mem>>) src(%arg10 : memref<128x8xf32, #tpu.memory_space<vmem>>) dst(%dma_wait3A_71 : memref<10240x8xf32, #tpu.memory_space<vmem_shared>>)
        tpu.yield
      }) : () -> ()
      %dma_wait3A_54 = arith.constant 0 : i32
      %dma_wait3A_55 = tpu.memref_slice %arg7[%add3A_45, %dma_wait3A_54] : memref<96x128xi32, #tpu.memory_space<vmem>> -> memref<1x128xi32, #tpu.memory_space<vmem>>
      %dma_wait3A_56 = tpu.memref_squeeze %dma_wait3A_55 : memref<1x128xi32, #tpu.memory_space<vmem>> -> memref<128xi32, #tpu.memory_space<vmem>>
      %dma_wait3A_57 = arith.constant 0 : i32
      %dma_wait3A_58 = arith.constant 0 : i32
      %dma_wait3A_59 = tpu.memref_slice %arg2[%dma_wait3A_57, %dma_wait3A_58] : memref<10240x8xf32, #tpu.memory_space<hbm>> -> memref<10240x8xf32, #tpu.memory_space<hbm>>
      tpu.wait_indirect_dma semaphore(%arg11 : memref<!tpu.dma_semaphore, #tpu.memory_space<semaphore_mem>>) src(%dma_wait3A_59 : memref<10240x8xf32, #tpu.memory_space<hbm>>) dst(%arg9 : memref<128x8xf32, #tpu.memory_space<vmem>>)
    }
    %while3A_25 = arith.constant 1 : i32
    scf.for %while3A_27 = %while3A_23 to %while3A_19 step %while3A_25  : i32 {
      %mul3A_28 = arith.constant 2 : i32
      %mul3A_29 = arith.muli %while3A_27, %mul3A_28 : i32
      %add3A_30 = arith.constant 1 : i32
      %add3A_31 = arith.addi %mul3A_29, %add3A_30 : i32
      %dma_start3A_32 = arith.constant 0 : i32
      %dma_start3A_33 = tpu.memref_slice %arg7[%add3A_31, %dma_start3A_32] : memref<96x128xi32, #tpu.memory_space<vmem>> -> memref<1x128xi32, #tpu.memory_space<vmem>>
      %dma_start3A_34 = tpu.memref_squeeze %dma_start3A_33 : memref<1x128xi32, #tpu.memory_space<vmem>> -> memref<128xi32, #tpu.memory_space<vmem>>
      %dma_start3A_35 = arith.constant 0 : i32
      %dma_start3A_36 = arith.constant 0 : i32
      %dma_start3A_37 = tpu.memref_slice %arg2[%dma_start3A_35, %dma_start3A_36] : memref<10240x8xf32, #tpu.memory_space<hbm>> -> memref<10240x8xf32, #tpu.memory_space<hbm>>
      tpu.enqueue_indirect_dma source(%dma_start3A_37 : memref<10240x8xf32, #tpu.memory_space<hbm>>) target(%arg10 : memref<128x8xf32, #tpu.memory_space<vmem>>) offsets(%dma_start3A_34 : memref<128xi32, #tpu.memory_space<vmem>>) semaphore(%arg12 : memref<!tpu.dma_semaphore, #tpu.memory_space<semaphore_mem>>)
      "tpu.region"() ({
        %run_scoped3A = tpu.sem_alloc : memref<!tpu.dma_semaphore, #tpu.memory_space<semaphore_mem>>
        %dma_start3A_60 = arith.constant 0 : i32
        %dma_start3A_61 = tpu.memref_slice %arg8[%mul3A_29, %dma_start3A_60] : memref<96x128xi32, #tpu.memory_space<vmem>> -> memref<1x128xi32, #tpu.memory_space<vmem>>
        %dma_start3A_62 = tpu.memref_squeeze %dma_start3A_61 : memref<1x128xi32, #tpu.memory_space<vmem>> -> memref<128xi32, #tpu.memory_space<vmem>>
        %dma_start3A_63 = arith.constant 0 : i32
        %dma_start3A_64 = arith.constant 0 : i32
        %dma_start3A_65 = tpu.memref_slice %arg15[%dma_start3A_63, %dma_start3A_64] : memref<10240x8xf32, #tpu.memory_space<vmem_shared>> -> memref<10240x8xf32, #tpu.memory_space<vmem_shared>>
        tpu.enqueue_indirect_dma source(%arg9 : memref<128x8xf32, #tpu.memory_space<vmem>>) target(%dma_start3A_65 : memref<10240x8xf32, #tpu.memory_space<vmem_shared>>) offsets(%dma_start3A_62 : memref<128xi32, #tpu.memory_space<vmem>>) semaphore(%run_scoped3A : memref<!tpu.dma_semaphore, #tpu.memory_space<semaphore_mem>>) {add = true}
        %dma_wait3A_66 = arith.constant 0 : i32
        %dma_wait3A_67 = tpu.memref_slice %arg8[%mul3A_29, %dma_wait3A_66] : memref<96x128xi32, #tpu.memory_space<vmem>> -> memref<1x128xi32, #tpu.memory_space<vmem>>
        %dma_wait3A_68 = tpu.memref_squeeze %dma_wait3A_67 : memref<1x128xi32, #tpu.memory_space<vmem>> -> memref<128xi32, #tpu.memory_space<vmem>>
        %dma_wait3A_69 = arith.constant 0 : i32
        %dma_wait3A_70 = arith.constant 0 : i32
        %dma_wait3A_71 = tpu.memref_slice %arg15[%dma_wait3A_69, %dma_wait3A_70] : memref<10240x8xf32, #tpu.memory_space<vmem_shared>> -> memref<10240x8xf32, #tpu.memory_space<vmem_shared>>
        tpu.wait_indirect_dma semaphore(%run_scoped3A : memref<!tpu.dma_semaphore, #tpu.memory_space<semaphore_mem>>) src(%arg9 : memref<128x8xf32, #tpu.memory_space<vmem>>) dst(%dma_wait3A_71 : memref<10240x8xf32, #tpu.memory_space<vmem_shared>>)
        tpu.yield
      }) : () -> ()
      %dma_wait3A_38 = arith.constant 0 : i32
      %dma_wait3A_39 = tpu.memref_slice %arg7[%add3A_31, %dma_wait3A_38] : memref<96x128xi32, #tpu.memory_space<vmem>> -> memref<1x128xi32, #tpu.memory_space<vmem>>
      %dma_wait3A_40 = tpu.memref_squeeze %dma_wait3A_39 : memref<1x128xi32, #tpu.memory_space<vmem>> -> memref<128xi32, #tpu.memory_space<vmem>>
      %dma_wait3A_41 = arith.constant 0 : i32
      %dma_wait3A_42 = arith.constant 0 : i32
      %dma_wait3A_43 = tpu.memref_slice %arg2[%dma_wait3A_41, %dma_wait3A_42] : memref<10240x8xf32, #tpu.memory_space<hbm>> -> memref<10240x8xf32, #tpu.memory_space<hbm>>
      tpu.wait_indirect_dma semaphore(%arg12 : memref<!tpu.dma_semaphore, #tpu.memory_space<semaphore_mem>>) src(%dma_wait3A_43 : memref<10240x8xf32, #tpu.memory_space<hbm>>) dst(%arg10 : memref<128x8xf32, #tpu.memory_space<vmem>>)
      %add3A_44 = arith.constant 2 : i32
      %add3A_45 = arith.addi %mul3A_29, %add3A_44 : i32
      %dma_start3A_46 = arith.constant 0 : i32
      %dma_start3A_47 = tpu.memref_slice %arg7[%add3A_45, %dma_start3A_46] : memref<96x128xi32, #tpu.memory_space<vmem>> -> memref<1x128xi32, #tpu.memory_space<vmem>>
      %dma_start3A_48 = tpu.memref_squeeze %dma_start3A_47 : memref<1x128xi32, #tpu.memory_space<vmem>> -> memref<128xi32, #tpu.memory_space<vmem>>
      %dma_start3A_49 = arith.constant 0 : i32
      %dma_start3A_50 = arith.constant 0 : i32
      %dma_start3A_51 = tpu.memref_slice %arg2[%dma_start3A_49, %dma_start3A_50] : memref<10240x8xf32, #tpu.memory_space<hbm>> -> memref<10240x8xf32, #tpu.memory_space<hbm>>
      tpu.enqueue_indirect_dma source(%dma_start3A_51 : memref<10240x8xf32, #tpu.memory_space<hbm>>) target(%arg9 : memref<128x8xf32, #tpu.memory_space<vmem>>) offsets(%dma_start3A_48 : memref<128xi32, #tpu.memory_space<vmem>>) semaphore(%arg11 : memref<!tpu.dma_semaphore, #tpu.memory_space<semaphore_mem>>)
      %add3A_52 = arith.constant 1 : i32
      %add3A_53 = arith.addi %mul3A_29, %add3A_52 : i32
      "tpu.region"() ({
        %run_scoped3A = tpu.sem_alloc : memref<!tpu.dma_semaphore, #tpu.memory_space<semaphore_mem>>
        %dma_start3A_60 = arith.constant 0 : i32
        %dma_start3A_61 = tpu.memref_slice %arg8[%add3A_53, %dma_start3A_60] : memref<96x128xi32, #tpu.memory_space<vmem>> -> memref<1x128xi32, #tpu.memory_space<vmem>>
        %dma_start3A_62 = tpu.memref_squeeze %dma_start3A_61 : memref<1x128xi32, #tpu.memory_space<vmem>> -> memref<128xi32, #tpu.memory_space<vmem>>
        %dma_start3A_63 = arith.constant 0 : i32
        %dma_start3A_64 = arith.constant 0 : i32
        %dma_start3A_65 = tpu.memref_slice %arg15[%dma_start3A_63, %dma_start3A_64] : memref<10240x8xf32, #tpu.memory_space<vmem_shared>> -> memref<10240x8xf32, #tpu.memory_space<vmem_shared>>
        tpu.enqueue_indirect_dma source(%arg10 : memref<128x8xf32, #tpu.memory_space<vmem>>) target(%dma_start3A_65 : memref<10240x8xf32, #tpu.memory_space<vmem_shared>>) offsets(%dma_start3A_62 : memref<128xi32, #tpu.memory_space<vmem>>) semaphore(%run_scoped3A : memref<!tpu.dma_semaphore, #tpu.memory_space<semaphore_mem>>) {add = true}
        %dma_wait3A_66 = arith.constant 0 : i32
        %dma_wait3A_67 = tpu.memref_slice %arg8[%add3A_53, %dma_wait3A_66] : memref<96x128xi32, #tpu.memory_space<vmem>> -> memref<1x128xi32, #tpu.memory_space<vmem>>
        %dma_wait3A_68 = tpu.memref_squeeze %dma_wait3A_67 : memref<1x128xi32, #tpu.memory_space<vmem>> -> memref<128xi32, #tpu.memory_space<vmem>>
        %dma_wait3A_69 = arith.constant 0 : i32
        %dma_wait3A_70 = arith.constant 0 : i32
        %dma_wait3A_71 = tpu.memref_slice %arg15[%dma_wait3A_69, %dma_wait3A_70] : memref<10240x8xf32, #tpu.memory_space<vmem_shared>> -> memref<10240x8xf32, #tpu.memory_space<vmem_shared>>
        tpu.wait_indirect_dma semaphore(%run_scoped3A : memref<!tpu.dma_semaphore, #tpu.memory_space<semaphore_mem>>) src(%arg10 : memref<128x8xf32, #tpu.memory_space<vmem>>) dst(%dma_wait3A_71 : memref<10240x8xf32, #tpu.memory_space<vmem_shared>>)
        tpu.yield
      }) : () -> ()
      %dma_wait3A_54 = arith.constant 0 : i32
      %dma_wait3A_55 = tpu.memref_slice %arg7[%add3A_45, %dma_wait3A_54] : memref<96x128xi32, #tpu.memory_space<vmem>> -> memref<1x128xi32, #tpu.memory_space<vmem>>
      %dma_wait3A_56 = tpu.memref_squeeze %dma_wait3A_55 : memref<1x128xi32, #tpu.memory_space<vmem>> -> memref<128xi32, #tpu.memory_space<vmem>>
      %dma_wait3A_57 = arith.constant 0 : i32
      %dma_wait3A_58 = arith.constant 0 : i32
      %dma_wait3A_59 = tpu.memref_slice %arg2[%dma_wait3A_57, %dma_wait3A_58] : memref<10240x8xf32, #tpu.memory_space<hbm>> -> memref<10240x8xf32, #tpu.memory_space<hbm>>
      tpu.wait_indirect_dma semaphore(%arg11 : memref<!tpu.dma_semaphore, #tpu.memory_space<semaphore_mem>>) src(%dma_wait3A_59 : memref<10240x8xf32, #tpu.memory_space<hbm>>) dst(%arg9 : memref<128x8xf32, #tpu.memory_space<vmem>>)
    }
    %barrier3A_26 = arith.constant 0 : index
    tpu.barrier barrier_id(%barrier3A_26)
    "tpu.region"() ({
      %run_scoped3A = tpu.sem_alloc : memref<!tpu.dma_semaphore, #tpu.memory_space<semaphore_mem>>
      %dma_start3A_27 = arith.constant 0 : i32
      %dma_start3A_28 = tpu.memref_slice %arg6[%arg0, %mul3A_2, %dma_start3A_27] : memref<2x10240x8xf32, #tpu.memory_space<hbm>> -> memref<1x640x8xf32, #tpu.memory_space<hbm>>
      %dma_start3A_29 = tpu.memref_squeeze %dma_start3A_28 : memref<1x640x8xf32, #tpu.memory_space<hbm>> -> memref<640x8xf32, #tpu.memory_space<hbm>>
      %dma_start3A_30 = arith.constant 0 : i32
      %dma_start3A_31 = tpu.memref_slice %arg15[%mul3A_2, %dma_start3A_30] : memref<10240x8xf32, #tpu.memory_space<vmem_shared>> -> memref<640x8xf32, #tpu.memory_space<vmem_shared>>
      tpu.enqueue_dma source(%dma_start3A_31 : memref<640x8xf32, #tpu.memory_space<vmem_shared>>) target(%dma_start3A_29 : memref<640x8xf32, #tpu.memory_space<hbm>>) target_semaphore(%run_scoped3A : memref<!tpu.dma_semaphore, #tpu.memory_space<semaphore_mem>>)
      %dma_wait3A_32 = arith.constant 0 : i32
      %dma_wait3A_33 = tpu.memref_slice %arg6[%arg0, %mul3A_2, %dma_wait3A_32] : memref<2x10240x8xf32, #tpu.memory_space<hbm>> -> memref<1x640x8xf32, #tpu.memory_space<hbm>>
      %dma_wait3A_34 = tpu.memref_squeeze %dma_wait3A_33 : memref<1x640x8xf32, #tpu.memory_space<hbm>> -> memref<640x8xf32, #tpu.memory_space<hbm>>
      %dma_wait3A_35 = arith.constant 0 : i32
      %dma_wait3A_36 = tpu.memref_slice %arg15[%mul3A_2, %dma_wait3A_35] : memref<10240x8xf32, #tpu.memory_space<vmem_shared>> -> memref<640x8xf32, #tpu.memory_space<vmem_shared>>
      tpu.wait_dma2 semaphore(%run_scoped3A : memref<!tpu.dma_semaphore, #tpu.memory_space<semaphore_mem>>) src(%dma_wait3A_36 : memref<640x8xf32, #tpu.memory_space<vmem_shared>>) dst(%dma_wait3A_34 : memref<640x8xf32, #tpu.memory_space<hbm>>)
      tpu.yield
    }) : () -> ()
    return
  }
}

module attributes {stable_mosaic.version = 14 : i64} {
  func.func @body(%arg0: memref<10000x128xf32, #tpu.memory_space<vmem>>, %arg1: memref<128x64xf32, #tpu.memory_space<vmem>>, %arg2: memref<10000x64xf32, #tpu.memory_space<vmem>>) attributes {dimension_semantics = [], scalar_prefetch = 0 : i64, scratch_operands = 0 : i64, tpu.core_type = #tpu.core_type<tc>} {
    %get3A = arith.constant 0 : index
    %get3A_0 = arith.constant 0 : index
    %get3A_1 = vector.load %arg0[%get3A, %get3A_0] : memref<10000x128xf32, #tpu.memory_space<vmem>>, vector<10000x128xf32>
    %get3A_2 = arith.constant 0 : index
    %get3A_3 = arith.constant 0 : index
    %get3A_4 = vector.load %arg1[%get3A_2, %get3A_3] : memref<128x64xf32, #tpu.memory_space<vmem>>, vector<128x64xf32>
    %dot_general3A = arith.constant dense<0.000000e+00> : vector<10000x64xf32>
    %dot_general3A_5 = tpu.matmul %get3A_1, %get3A_4, %dot_general3A {dimension_numbers = #tpu.dot_dimension_numbers<[1], [0], [0], [1], [0, 0, 1, 1], [], []>, transpose_lhs_hint = false} : vector<10000x128xf32>, vector<128x64xf32>, vector<10000x64xf32> -> vector<10000x64xf32>
    %swap3A = arith.constant 0 : index
    %swap3A_6 = arith.constant 0 : index
    %swap3A_7 = vector.load %arg2[%swap3A, %swap3A_6] : memref<10000x64xf32, #tpu.memory_space<vmem>>, vector<10000x64xf32>
    tpu.vector_store %arg2[%swap3A, %swap3A_6], %dot_general3A_5 {strides = array<i32>} : memref<10000x64xf32, #tpu.memory_space<vmem>>, vector<10000x64xf32>,
    return
  }
}

module attributes {stable_mosaic.version = 14 : i64} {
  func.func @body(%arg0: memref<10000x64xf32, #tpu.memory_space<vmem>>, %arg1: memref<2x10240x8xf32, #tpu.memory_space<vmem>>, %arg2: memref<10240x64xf32, #tpu.memory_space<vmem>>) attributes {dimension_semantics = [], scalar_prefetch = 0 : i64, scratch_operands = 0 : i64, tpu.core_type = #tpu.core_type<tc>} {
    %get3A = arith.constant 0 : index
    %get3A_0 = arith.constant 0 : index
    %get3A_1 = vector.load %arg0[%get3A, %get3A_0] : memref<10000x64xf32, #tpu.memory_space<vmem>>, vector<10000x64xf32>
    %get3A_2 = arith.constant 0 : index
    %get3A_3 = arith.constant 0 : index
    %get3A_4 = arith.constant 0 : index
    %get3A_5 = vector.load %arg1[%get3A_2, %get3A_3, %get3A_4] : memref<2x10240x8xf32, #tpu.memory_space<vmem>>, vector<1x10000x1xf32>
    %get3A_6 = vector.shape_cast %get3A_5 : vector<1x10000x1xf32> to vector<10000x1xf32>
    %get3A_7 = arith.constant 1 : index
    %get3A_8 = arith.constant 0 : index
    %get3A_9 = arith.constant 0 : index
    %get3A_10 = vector.load %arg1[%get3A_7, %get3A_8, %get3A_9] : memref<2x10240x8xf32, #tpu.memory_space<vmem>>, vector<1x10000x1xf32>
    %get3A_11 = vector.shape_cast %get3A_10 : vector<1x10000x1xf32> to vector<10000x1xf32>
    %add3A = arith.addf %get3A_6, %get3A_11 : vector<10000x1xf32>
    %add3A_12 = arith.constant 1.000000e+00 : f32
    %add3A_13 = vector.broadcast %add3A_12 : f32 to vector<10000x1xf32>
    %add3A_14 = arith.addf %add3A, %add3A_13 : vector<10000x1xf32>
    %rsqrt3A = math.rsqrt %add3A_14 : vector<10000x1xf32>
    %mul3A = vector.broadcast %rsqrt3A : vector<10000x1xf32> to vector<10000x64xf32>
    %mul3A_15 = arith.mulf %get3A_1, %mul3A : vector<10000x64xf32>
    %broadcast_in_dim3A = arith.constant 0.000000e+00 : f32
    %broadcast_in_dim3A_16 = vector.broadcast %broadcast_in_dim3A : f32 to vector<240x64xf32>
    %concatenate3A = tpu.concatenate %mul3A_15, %broadcast_in_dim3A_16 in 0 : vector<10000x64xf32>, vector<240x64xf32> -> vector<10240x64xf32>
    %swap3A = arith.constant 0 : index
    %swap3A_17 = arith.constant 0 : index
    %swap3A_18 = vector.load %arg2[%swap3A, %swap3A_17] : memref<10240x64xf32, #tpu.memory_space<vmem>>, vector<10240x64xf32>
    tpu.vector_store %arg2[%swap3A, %swap3A_17], %concatenate3A {strides = array<i32>} : memref<10240x64xf32, #tpu.memory_space<vmem>>, vector<10240x64xf32>,
    return
  }
}

module attributes {stable_mosaic.version = 14 : i64} {
  func.func @body(%arg0: memref<2x10240x64xf32, #tpu.memory_space<vmem>>, %arg1: memref<10240x64xf32, #tpu.memory_space<vmem>>, %arg2: memref<2x10240x8xf32, #tpu.memory_space<vmem>>, %arg3: memref<1x64xf32, #tpu.memory_space<vmem>>, %arg4: memref<64x32xf32, #tpu.memory_space<vmem>>, %arg5: memref<10240x32xf32, #tpu.memory_space<vmem>>) attributes {dimension_semantics = [], scalar_prefetch = 0 : i64, scratch_operands = 0 : i64, tpu.core_type = #tpu.core_type<tc>} {
    %get3A = arith.constant 0 : index
    %get3A_0 = arith.constant 0 : index
    %get3A_1 = arith.constant 0 : index
    %get3A_2 = vector.load %arg2[%get3A, %get3A_0, %get3A_1] : memref<2x10240x8xf32, #tpu.memory_space<vmem>>, vector<1x10000x1xf32>
    %get3A_3 = vector.shape_cast %get3A_2 : vector<1x10000x1xf32> to vector<10000x1xf32>
    %get3A_4 = arith.constant 1 : index
    %get3A_5 = arith.constant 0 : index
    %get3A_6 = arith.constant 0 : index
    %get3A_7 = vector.load %arg2[%get3A_4, %get3A_5, %get3A_6] : memref<2x10240x8xf32, #tpu.memory_space<vmem>>, vector<1x10000x1xf32>
    %get3A_8 = vector.shape_cast %get3A_7 : vector<1x10000x1xf32> to vector<10000x1xf32>
    %add3A = arith.addf %get3A_3, %get3A_8 : vector<10000x1xf32>
    %add3A_9 = arith.constant 1.000000e+00 : f32
    %add3A_10 = vector.broadcast %add3A_9 : f32 to vector<10000x1xf32>
    %add3A_11 = arith.addf %add3A, %add3A_10 : vector<10000x1xf32>
    %rsqrt3A = math.rsqrt %add3A_11 : vector<10000x1xf32>
    %get3A_12 = arith.constant 0 : index
    %get3A_13 = arith.constant 0 : index
    %get3A_14 = arith.constant 0 : index
    %get3A_15 = vector.load %arg0[%get3A_12, %get3A_13, %get3A_14] : memref<2x10240x64xf32, #tpu.memory_space<vmem>>, vector<1x10000x64xf32>
    %get3A_16 = vector.shape_cast %get3A_15 : vector<1x10000x64xf32> to vector<10000x64xf32>
    %get3A_17 = arith.constant 1 : index
    %get3A_18 = arith.constant 0 : index
    %get3A_19 = arith.constant 0 : index
    %get3A_20 = vector.load %arg0[%get3A_17, %get3A_18, %get3A_19] : memref<2x10240x64xf32, #tpu.memory_space<vmem>>, vector<1x10000x64xf32>
    %get3A_21 = vector.shape_cast %get3A_20 : vector<1x10000x64xf32> to vector<10000x64xf32>
    %add3A_22 = arith.addf %get3A_16, %get3A_21 : vector<10000x64xf32>
    %get3A_23 = arith.constant 0 : index
    %get3A_24 = arith.constant 0 : index
    %get3A_25 = vector.load %arg1[%get3A_23, %get3A_24] : memref<10240x64xf32, #tpu.memory_space<vmem>>, vector<10000x64xf32>
    %add3A_26 = arith.addf %add3A_22, %get3A_25 : vector<10000x64xf32>
    %mul3A = vector.broadcast %rsqrt3A : vector<10000x1xf32> to vector<10000x64xf32>
    %mul3A_27 = arith.mulf %mul3A, %add3A_26 : vector<10000x64xf32>
    %get3A_28 = arith.constant 0 : index
    %get3A_29 = arith.constant 0 : index
    %get3A_30 = vector.load %arg3[%get3A_28, %get3A_29] : memref<1x64xf32, #tpu.memory_space<vmem>>, vector<1x64xf32>
    %add3A_31 = vector.broadcast %get3A_30 : vector<1x64xf32> to vector<10000x64xf32>
    %add3A_32 = arith.addf %mul3A_27, %add3A_31 : vector<10000x64xf32>
    %max3A = arith.constant 0.000000e+00 : f32
    %max3A_33 = vector.broadcast %max3A : f32 to vector<10000x64xf32>
    %max3A_34 = arith.maximumf %add3A_32, %max3A_33 : vector<10000x64xf32>
    %get3A_35 = arith.constant 0 : index
    %get3A_36 = arith.constant 0 : index
    %get3A_37 = vector.load %arg4[%get3A_35, %get3A_36] : memref<64x32xf32, #tpu.memory_space<vmem>>, vector<64x32xf32>
    %dot_general3A = arith.constant dense<0.000000e+00> : vector<10000x32xf32>
    %dot_general3A_38 = tpu.matmul %max3A_34, %get3A_37, %dot_general3A {dimension_numbers = #tpu.dot_dimension_numbers<[1], [0], [0], [1], [0, 0, 1, 1], [], []>, transpose_lhs_hint = false} : vector<10000x64xf32>, vector<64x32xf32>, vector<10000x32xf32> -> vector<10000x32xf32>
    %mul3A_39 = vector.broadcast %rsqrt3A : vector<10000x1xf32> to vector<10000x32xf32>
    %mul3A_40 = arith.mulf %dot_general3A_38, %mul3A_39 : vector<10000x32xf32>
    %broadcast_in_dim3A = arith.constant 0.000000e+00 : f32
    %broadcast_in_dim3A_41 = vector.broadcast %broadcast_in_dim3A : f32 to vector<240x32xf32>
    %concatenate3A = tpu.concatenate %mul3A_40, %broadcast_in_dim3A_41 in 0 : vector<10000x32xf32>, vector<240x32xf32> -> vector<10240x32xf32>
    %swap3A = arith.constant 0 : index
    %swap3A_42 = arith.constant 0 : index
    %swap3A_43 = vector.load %arg5[%swap3A, %swap3A_42] : memref<10240x32xf32, #tpu.memory_space<vmem>>, vector<10240x32xf32>
    tpu.vector_store %arg5[%swap3A, %swap3A_42], %concatenate3A {strides = array<i32>} : memref<10240x32xf32, #tpu.memory_space<vmem>>, vector<10240x32xf32>,
    return
  }
}

module attributes {stable_mosaic.version = 14 : i64} {
  func.func @body(%arg0: memref<2x10240x32xf32, #tpu.memory_space<vmem>>, %arg1: memref<10240x32xf32, #tpu.memory_space<vmem>>, %arg2: memref<2x10240x8xf32, #tpu.memory_space<vmem>>, %arg3: memref<1x32xf32, #tpu.memory_space<vmem>>, %arg4: memref<32x16xf32, #tpu.memory_space<vmem>>, %arg5: memref<10240x16xf32, #tpu.memory_space<vmem>>) attributes {dimension_semantics = [], scalar_prefetch = 0 : i64, scratch_operands = 0 : i64, tpu.core_type = #tpu.core_type<tc>} {
    %get3A = arith.constant 0 : index
    %get3A_0 = arith.constant 0 : index
    %get3A_1 = arith.constant 0 : index
    %get3A_2 = vector.load %arg2[%get3A, %get3A_0, %get3A_1] : memref<2x10240x8xf32, #tpu.memory_space<vmem>>, vector<1x10000x1xf32>
    %get3A_3 = vector.shape_cast %get3A_2 : vector<1x10000x1xf32> to vector<10000x1xf32>
    %get3A_4 = arith.constant 1 : index
    %get3A_5 = arith.constant 0 : index
    %get3A_6 = arith.constant 0 : index
    %get3A_7 = vector.load %arg2[%get3A_4, %get3A_5, %get3A_6] : memref<2x10240x8xf32, #tpu.memory_space<vmem>>, vector<1x10000x1xf32>
    %get3A_8 = vector.shape_cast %get3A_7 : vector<1x10000x1xf32> to vector<10000x1xf32>
    %add3A = arith.addf %get3A_3, %get3A_8 : vector<10000x1xf32>
    %add3A_9 = arith.constant 1.000000e+00 : f32
    %add3A_10 = vector.broadcast %add3A_9 : f32 to vector<10000x1xf32>
    %add3A_11 = arith.addf %add3A, %add3A_10 : vector<10000x1xf32>
    %rsqrt3A = math.rsqrt %add3A_11 : vector<10000x1xf32>
    %get3A_12 = arith.constant 0 : index
    %get3A_13 = arith.constant 0 : index
    %get3A_14 = arith.constant 0 : index
    %get3A_15 = vector.load %arg0[%get3A_12, %get3A_13, %get3A_14] : memref<2x10240x32xf32, #tpu.memory_space<vmem>>, vector<1x10000x32xf32>
    %get3A_16 = vector.shape_cast %get3A_15 : vector<1x10000x32xf32> to vector<10000x32xf32>
    %get3A_17 = arith.constant 1 : index
    %get3A_18 = arith.constant 0 : index
    %get3A_19 = arith.constant 0 : index
    %get3A_20 = vector.load %arg0[%get3A_17, %get3A_18, %get3A_19] : memref<2x10240x32xf32, #tpu.memory_space<vmem>>, vector<1x10000x32xf32>
    %get3A_21 = vector.shape_cast %get3A_20 : vector<1x10000x32xf32> to vector<10000x32xf32>
    %add3A_22 = arith.addf %get3A_16, %get3A_21 : vector<10000x32xf32>
    %get3A_23 = arith.constant 0 : index
    %get3A_24 = arith.constant 0 : index
    %get3A_25 = vector.load %arg1[%get3A_23, %get3A_24] : memref<10240x32xf32, #tpu.memory_space<vmem>>, vector<10000x32xf32>
    %add3A_26 = arith.addf %add3A_22, %get3A_25 : vector<10000x32xf32>
    %mul3A = vector.broadcast %rsqrt3A : vector<10000x1xf32> to vector<10000x32xf32>
    %mul3A_27 = arith.mulf %mul3A, %add3A_26 : vector<10000x32xf32>
    %get3A_28 = arith.constant 0 : index
    %get3A_29 = arith.constant 0 : index
    %get3A_30 = vector.load %arg3[%get3A_28, %get3A_29] : memref<1x32xf32, #tpu.memory_space<vmem>>, vector<1x32xf32>
    %add3A_31 = vector.broadcast %get3A_30 : vector<1x32xf32> to vector<10000x32xf32>
    %add3A_32 = arith.addf %mul3A_27, %add3A_31 : vector<10000x32xf32>
    %max3A = arith.constant 0.000000e+00 : f32
    %max3A_33 = vector.broadcast %max3A : f32 to vector<10000x32xf32>
    %max3A_34 = arith.maximumf %add3A_32, %max3A_33 : vector<10000x32xf32>
    %get3A_35 = arith.constant 0 : index
    %get3A_36 = arith.constant 0 : index
    %get3A_37 = vector.load %arg4[%get3A_35, %get3A_36] : memref<32x16xf32, #tpu.memory_space<vmem>>, vector<32x16xf32>
    %dot_general3A = arith.constant dense<0.000000e+00> : vector<10000x16xf32>
    %dot_general3A_38 = tpu.matmul %max3A_34, %get3A_37, %dot_general3A {dimension_numbers = #tpu.dot_dimension_numbers<[1], [0], [0], [1], [0, 0, 1, 1], [], []>, transpose_lhs_hint = false} : vector<10000x32xf32>, vector<32x16xf32>, vector<10000x16xf32> -> vector<10000x16xf32>
    %mul3A_39 = vector.broadcast %rsqrt3A : vector<10000x1xf32> to vector<10000x16xf32>
    %mul3A_40 = arith.mulf %dot_general3A_38, %mul3A_39 : vector<10000x16xf32>
    %broadcast_in_dim3A = arith.constant 0.000000e+00 : f32
    %broadcast_in_dim3A_41 = vector.broadcast %broadcast_in_dim3A : f32 to vector<240x16xf32>
    %concatenate3A = tpu.concatenate %mul3A_40, %broadcast_in_dim3A_41 in 0 : vector<10000x16xf32>, vector<240x16xf32> -> vector<10240x16xf32>
    %swap3A = arith.constant 0 : index
    %swap3A_42 = arith.constant 0 : index
    %swap3A_43 = vector.load %arg5[%swap3A, %swap3A_42] : memref<10240x16xf32, #tpu.memory_space<vmem>>, vector<10240x16xf32>
    tpu.vector_store %arg5[%swap3A, %swap3A_42], %concatenate3A {strides = array<i32>} : memref<10240x16xf32, #tpu.memory_space<vmem>>, vector<10240x16xf32>,
    return
  }
}

module attributes {stable_mosaic.version = 14 : i64} {
  func.func @body(%arg0: memref<2x10240x16xf32, #tpu.memory_space<vmem>>, %arg1: memref<10240x16xf32, #tpu.memory_space<vmem>>, %arg2: memref<2x10240x8xf32, #tpu.memory_space<vmem>>, %arg3: memref<1x16xf32, #tpu.memory_space<vmem>>, %arg4: memref<16x8xf32, #tpu.memory_space<vmem>>, %arg5: memref<10240x8xf32, #tpu.memory_space<vmem>>) attributes {dimension_semantics = [], scalar_prefetch = 0 : i64, scratch_operands = 0 : i64, tpu.core_type = #tpu.core_type<tc>} {
    %get3A = arith.constant 0 : index
    %get3A_0 = arith.constant 0 : index
    %get3A_1 = arith.constant 0 : index
    %get3A_2 = vector.load %arg2[%get3A, %get3A_0, %get3A_1] : memref<2x10240x8xf32, #tpu.memory_space<vmem>>, vector<1x10000x1xf32>
    %get3A_3 = vector.shape_cast %get3A_2 : vector<1x10000x1xf32> to vector<10000x1xf32>
    %get3A_4 = arith.constant 1 : index
    %get3A_5 = arith.constant 0 : index
    %get3A_6 = arith.constant 0 : index
    %get3A_7 = vector.load %arg2[%get3A_4, %get3A_5, %get3A_6] : memref<2x10240x8xf32, #tpu.memory_space<vmem>>, vector<1x10000x1xf32>
    %get3A_8 = vector.shape_cast %get3A_7 : vector<1x10000x1xf32> to vector<10000x1xf32>
    %add3A = arith.addf %get3A_3, %get3A_8 : vector<10000x1xf32>
    %add3A_9 = arith.constant 1.000000e+00 : f32
    %add3A_10 = vector.broadcast %add3A_9 : f32 to vector<10000x1xf32>
    %add3A_11 = arith.addf %add3A, %add3A_10 : vector<10000x1xf32>
    %rsqrt3A = math.rsqrt %add3A_11 : vector<10000x1xf32>
    %get3A_12 = arith.constant 0 : index
    %get3A_13 = arith.constant 0 : index
    %get3A_14 = arith.constant 0 : index
    %get3A_15 = vector.load %arg0[%get3A_12, %get3A_13, %get3A_14] : memref<2x10240x16xf32, #tpu.memory_space<vmem>>, vector<1x10000x16xf32>
    %get3A_16 = vector.shape_cast %get3A_15 : vector<1x10000x16xf32> to vector<10000x16xf32>
    %get3A_17 = arith.constant 1 : index
    %get3A_18 = arith.constant 0 : index
    %get3A_19 = arith.constant 0 : index
    %get3A_20 = vector.load %arg0[%get3A_17, %get3A_18, %get3A_19] : memref<2x10240x16xf32, #tpu.memory_space<vmem>>, vector<1x10000x16xf32>
    %get3A_21 = vector.shape_cast %get3A_20 : vector<1x10000x16xf32> to vector<10000x16xf32>
    %add3A_22 = arith.addf %get3A_16, %get3A_21 : vector<10000x16xf32>
    %get3A_23 = arith.constant 0 : index
    %get3A_24 = arith.constant 0 : index
    %get3A_25 = vector.load %arg1[%get3A_23, %get3A_24] : memref<10240x16xf32, #tpu.memory_space<vmem>>, vector<10000x16xf32>
    %add3A_26 = arith.addf %add3A_22, %get3A_25 : vector<10000x16xf32>
    %mul3A = vector.broadcast %rsqrt3A : vector<10000x1xf32> to vector<10000x16xf32>
    %mul3A_27 = arith.mulf %mul3A, %add3A_26 : vector<10000x16xf32>
    %get3A_28 = arith.constant 0 : index
    %get3A_29 = arith.constant 0 : index
    %get3A_30 = vector.load %arg3[%get3A_28, %get3A_29] : memref<1x16xf32, #tpu.memory_space<vmem>>, vector<1x16xf32>
    %add3A_31 = vector.broadcast %get3A_30 : vector<1x16xf32> to vector<10000x16xf32>
    %add3A_32 = arith.addf %mul3A_27, %add3A_31 : vector<10000x16xf32>
    %max3A = arith.constant 0.000000e+00 : f32
    %max3A_33 = vector.broadcast %max3A : f32 to vector<10000x16xf32>
    %max3A_34 = arith.maximumf %add3A_32, %max3A_33 : vector<10000x16xf32>
    %get3A_35 = arith.constant 0 : index
    %get3A_36 = arith.constant 0 : index
    %get3A_37 = vector.load %arg4[%get3A_35, %get3A_36] : memref<16x8xf32, #tpu.memory_space<vmem>>, vector<16x8xf32>
    %dot_general3A = arith.constant dense<0.000000e+00> : vector<10000x8xf32>
    %dot_general3A_38 = tpu.matmul %max3A_34, %get3A_37, %dot_general3A {dimension_numbers = #tpu.dot_dimension_numbers<[1], [0], [0], [1], [0, 0, 1, 1], [], []>, transpose_lhs_hint = false} : vector<10000x16xf32>, vector<16x8xf32>, vector<10000x8xf32> -> vector<10000x8xf32>
    %mul3A_39 = vector.broadcast %rsqrt3A : vector<10000x1xf32> to vector<10000x8xf32>
    %mul3A_40 = arith.mulf %dot_general3A_38, %mul3A_39 : vector<10000x8xf32>
    %broadcast_in_dim3A = arith.constant 0.000000e+00 : f32
    %broadcast_in_dim3A_41 = vector.broadcast %broadcast_in_dim3A : f32 to vector<240x8xf32>
    %concatenate3A = tpu.concatenate %mul3A_40, %broadcast_in_dim3A_41 in 0 : vector<10000x8xf32>, vector<240x8xf32> -> vector<10240x8xf32>
    %swap3A = arith.constant 0 : index
    %swap3A_42 = arith.constant 0 : index
    %swap3A_43 = vector.load %arg5[%swap3A, %swap3A_42] : memref<10240x8xf32, #tpu.memory_space<vmem>>, vector<10240x8xf32>
    tpu.vector_store %arg5[%swap3A, %swap3A_42], %concatenate3A {strides = array<i32>} : memref<10240x8xf32, #tpu.memory_space<vmem>>, vector<10240x8xf32>,
    return
  }
}

module attributes {stable_mosaic.version = 14 : i64} {
  func.func @body(%arg0: memref<2x10240x8xf32, #tpu.memory_space<vmem>>, %arg1: memref<10240x8xf32, #tpu.memory_space<vmem>>, %arg2: memref<2x10240x8xf32, #tpu.memory_space<vmem>>, %arg3: memref<1x8xf32, #tpu.memory_space<vmem>>, %arg4: memref<10240x8xf32, #tpu.memory_space<vmem>>) attributes {dimension_semantics = [], scalar_prefetch = 0 : i64, scratch_operands = 0 : i64, tpu.core_type = #tpu.core_type<tc>} {
    %get3A = arith.constant 0 : index
    %get3A_0 = arith.constant 0 : index
    %get3A_1 = arith.constant 0 : index
    %get3A_2 = vector.load %arg2[%get3A, %get3A_0, %get3A_1] : memref<2x10240x8xf32, #tpu.memory_space<vmem>>, vector<1x10000x1xf32>
    %get3A_3 = vector.shape_cast %get3A_2 : vector<1x10000x1xf32> to vector<10000x1xf32>
    %get3A_4 = arith.constant 1 : index
    %get3A_5 = arith.constant 0 : index
    %get3A_6 = arith.constant 0 : index
    %get3A_7 = vector.load %arg2[%get3A_4, %get3A_5, %get3A_6] : memref<2x10240x8xf32, #tpu.memory_space<vmem>>, vector<1x10000x1xf32>
    %get3A_8 = vector.shape_cast %get3A_7 : vector<1x10000x1xf32> to vector<10000x1xf32>
    %add3A = arith.addf %get3A_3, %get3A_8 : vector<10000x1xf32>
    %add3A_9 = arith.constant 1.000000e+00 : f32
    %add3A_10 = vector.broadcast %add3A_9 : f32 to vector<10000x1xf32>
    %add3A_11 = arith.addf %add3A, %add3A_10 : vector<10000x1xf32>
    %rsqrt3A = math.rsqrt %add3A_11 : vector<10000x1xf32>
    %get3A_12 = arith.constant 0 : index
    %get3A_13 = arith.constant 0 : index
    %get3A_14 = arith.constant 0 : index
    %get3A_15 = vector.load %arg0[%get3A_12, %get3A_13, %get3A_14] : memref<2x10240x8xf32, #tpu.memory_space<vmem>>, vector<1x10000x8xf32>
    %get3A_16 = vector.shape_cast %get3A_15 : vector<1x10000x8xf32> to vector<10000x8xf32>
    %get3A_17 = arith.constant 1 : index
    %get3A_18 = arith.constant 0 : index
    %get3A_19 = arith.constant 0 : index
    %get3A_20 = vector.load %arg0[%get3A_17, %get3A_18, %get3A_19] : memref<2x10240x8xf32, #tpu.memory_space<vmem>>, vector<1x10000x8xf32>
    %get3A_21 = vector.shape_cast %get3A_20 : vector<1x10000x8xf32> to vector<10000x8xf32>
    %add3A_22 = arith.addf %get3A_16, %get3A_21 : vector<10000x8xf32>
    %get3A_23 = arith.constant 0 : index
    %get3A_24 = arith.constant 0 : index
    %get3A_25 = vector.load %arg1[%get3A_23, %get3A_24] : memref<10240x8xf32, #tpu.memory_space<vmem>>, vector<10000x8xf32>
    %add3A_26 = arith.addf %add3A_22, %get3A_25 : vector<10000x8xf32>
    %mul3A = vector.broadcast %rsqrt3A : vector<10000x1xf32> to vector<10000x8xf32>
    %mul3A_27 = arith.mulf %mul3A, %add3A_26 : vector<10000x8xf32>
    %get3A_28 = arith.constant 0 : index
    %get3A_29 = arith.constant 0 : index
    %get3A_30 = vector.load %arg3[%get3A_28, %get3A_29] : memref<1x8xf32, #tpu.memory_space<vmem>>, vector<1x8xf32>
    %add3A_31 = vector.broadcast %get3A_30 : vector<1x8xf32> to vector<10000x8xf32>
    %add3A_32 = arith.addf %mul3A_27, %add3A_31 : vector<10000x8xf32>
    %max3A = arith.constant 0.000000e+00 : f32
    %max3A_33 = vector.broadcast %max3A : f32 to vector<10000x8xf32>
    %max3A_34 = arith.maximumf %add3A_32, %max3A_33 : vector<10000x8xf32>
    %mul3A_35 = vector.broadcast %rsqrt3A : vector<10000x1xf32> to vector<10000x8xf32>
    %mul3A_36 = arith.mulf %max3A_34, %mul3A_35 : vector<10000x8xf32>
    %broadcast_in_dim3A = arith.constant 0.000000e+00 : f32
    %broadcast_in_dim3A_37 = vector.broadcast %broadcast_in_dim3A : f32 to vector<240x8xf32>
    %concatenate3A = tpu.concatenate %mul3A_36, %broadcast_in_dim3A_37 in 0 : vector<10000x8xf32>, vector<240x8xf32> -> vector<10240x8xf32>
    %swap3A = arith.constant 0 : index
    %swap3A_38 = arith.constant 0 : index
    %swap3A_39 = vector.load %arg4[%swap3A, %swap3A_38] : memref<10240x8xf32, #tpu.memory_space<vmem>>, vector<10240x8xf32>
    tpu.vector_store %arg4[%swap3A, %swap3A_38], %concatenate3A {strides = array<i32>} : memref<10240x8xf32, #tpu.memory_space<vmem>>, vector<10240x8xf32>,
    return
  }
}

module attributes {stable_mosaic.version = 14 : i64} {
  func.func @body(%arg0: memref<2x10240x8xf32, #tpu.memory_space<vmem>>, %arg1: memref<10240x8xf32, #tpu.memory_space<vmem>>, %arg2: memref<2x10240x8xf32, #tpu.memory_space<vmem>>, %arg3: memref<8x128xf32, #tpu.memory_space<vmem>>, %arg4: memref<1x128xf32, #tpu.memory_space<vmem>>, %arg5: memref<10000x1xi32, #tpu.memory_space<vmem>>, %arg6: memref<16x128xf32, #tpu.memory_space<vmem>>) attributes {dimension_semantics = [], scalar_prefetch = 0 : i64, scratch_operands = 0 : i64, tpu.core_type = #tpu.core_type<tc>} {
    %get3A = arith.constant 0 : index
    %get3A_0 = arith.constant 0 : index
    %get3A_1 = arith.constant 0 : index
    %get3A_2 = vector.load %arg2[%get3A, %get3A_0, %get3A_1] : memref<2x10240x8xf32, #tpu.memory_space<vmem>>, vector<1x10000x1xf32>
    %get3A_3 = vector.shape_cast %get3A_2 : vector<1x10000x1xf32> to vector<10000x1xf32>
    %get3A_4 = arith.constant 1 : index
    %get3A_5 = arith.constant 0 : index
    %get3A_6 = arith.constant 0 : index
    %get3A_7 = vector.load %arg2[%get3A_4, %get3A_5, %get3A_6] : memref<2x10240x8xf32, #tpu.memory_space<vmem>>, vector<1x10000x1xf32>
    %get3A_8 = vector.shape_cast %get3A_7 : vector<1x10000x1xf32> to vector<10000x1xf32>
    %add3A = arith.addf %get3A_3, %get3A_8 : vector<10000x1xf32>
    %add3A_9 = arith.constant 1.000000e+00 : f32
    %add3A_10 = vector.broadcast %add3A_9 : f32 to vector<10000x1xf32>
    %add3A_11 = arith.addf %add3A, %add3A_10 : vector<10000x1xf32>
    %rsqrt3A = math.rsqrt %add3A_11 : vector<10000x1xf32>
    %get3A_12 = arith.constant 0 : index
    %get3A_13 = arith.constant 0 : index
    %get3A_14 = arith.constant 0 : index
    %get3A_15 = vector.load %arg0[%get3A_12, %get3A_13, %get3A_14] : memref<2x10240x8xf32, #tpu.memory_space<vmem>>, vector<1x10000x8xf32>
    %get3A_16 = vector.shape_cast %get3A_15 : vector<1x10000x8xf32> to vector<10000x8xf32>
    %get3A_17 = arith.constant 1 : index
    %get3A_18 = arith.constant 0 : index
    %get3A_19 = arith.constant 0 : index
    %get3A_20 = vector.load %arg0[%get3A_17, %get3A_18, %get3A_19] : memref<2x10240x8xf32, #tpu.memory_space<vmem>>, vector<1x10000x8xf32>
    %get3A_21 = vector.shape_cast %get3A_20 : vector<1x10000x8xf32> to vector<10000x8xf32>
    %add3A_22 = arith.addf %get3A_16, %get3A_21 : vector<10000x8xf32>
    %get3A_23 = arith.constant 0 : index
    %get3A_24 = arith.constant 0 : index
    %get3A_25 = vector.load %arg1[%get3A_23, %get3A_24] : memref<10240x8xf32, #tpu.memory_space<vmem>>, vector<10000x8xf32>
    %add3A_26 = arith.addf %add3A_22, %get3A_25 : vector<10000x8xf32>
    %mul3A = vector.broadcast %rsqrt3A : vector<10000x1xf32> to vector<10000x8xf32>
    %mul3A_27 = arith.mulf %mul3A, %add3A_26 : vector<10000x8xf32>
    %get3A_28 = arith.constant 0 : index
    %get3A_29 = arith.constant 0 : index
    %get3A_30 = vector.load %arg3[%get3A_28, %get3A_29] : memref<8x128xf32, #tpu.memory_space<vmem>>, vector<8x128xf32>
    %dot_general3A = arith.constant dense<0.000000e+00> : vector<10000x128xf32>
    %dot_general3A_31 = tpu.matmul %mul3A_27, %get3A_30, %dot_general3A {dimension_numbers = #tpu.dot_dimension_numbers<[1], [0], [0], [1], [0, 0, 1, 1], [], []>, transpose_lhs_hint = false} : vector<10000x8xf32>, vector<8x128xf32>, vector<10000x128xf32> -> vector<10000x128xf32>
    %get3A_32 = arith.constant 0 : index
    %get3A_33 = arith.constant 0 : index
    %get3A_34 = vector.load %arg4[%get3A_32, %get3A_33] : memref<1x128xf32, #tpu.memory_space<vmem>>, vector<1x128xf32>
    %add3A_35 = vector.broadcast %get3A_34 : vector<1x128xf32> to vector<10000x128xf32>
    %add3A_36 = arith.addf %dot_general3A_31, %add3A_35 : vector<10000x128xf32>
    %max3A = arith.constant 0.000000e+00 : f32
    %max3A_37 = vector.broadcast %max3A : f32 to vector<10000x128xf32>
    %max3A_38 = arith.maximumf %add3A_36, %max3A_37 : vector<10000x128xf32>
    %get3A_39 = arith.constant 0 : index
    %get3A_40 = arith.constant 0 : index
    %get3A_41 = vector.load %arg5[%get3A_39, %get3A_40] : memref<10000x1xi32, #tpu.memory_space<vmem>>, vector<10000x1xi32>
    %iota3A = tpu.iota {dimensions = array<i32: 1>} : vector<1x16xi32>
    %eq3A = vector.broadcast %get3A_41 : vector<10000x1xi32> to vector<10000x16xi32>
    %eq3A_42 = vector.broadcast %iota3A : vector<1x16xi32> to vector<10000x16xi32>
    %eq3A_43 = arith.cmpi eq, %eq3A, %eq3A_42 : vector<10000x16xi32>
    %convert_element_type3A = arith.extui %eq3A_43 : vector<10000x16xi1> to vector<10000x16xi32>
    %convert_element_type3A_44 = arith.sitofp %convert_element_type3A : vector<10000x16xi32> to vector<10000x16xf32>
    %dot_general3A_45 = arith.constant dense<0.000000e+00> : vector<16x128xf32>
    %dot_general3A_46 = tpu.matmul %convert_element_type3A_44, %max3A_38, %dot_general3A_45 {dimension_numbers = #tpu.dot_dimension_numbers<[0], [0], [1], [1], [0, 1, 1, 1], [], []>, transpose_lhs_hint = false} : vector<10000x16xf32>, vector<10000x128xf32>, vector<16x128xf32> -> vector<16x128xf32>
    %reduce_sum3A = arith.constant dense<0.000000e+00> : vector<16xf32>
    %reduce_sum3A_47 = vector.multi_reduction <add>, %convert_element_type3A_44, %reduce_sum3A [0] : vector<10000x16xf32> to vector<16xf32>
    %broadcast_in_dim3A = vector.shape_cast %reduce_sum3A_47 : vector<16xf32> to vector<16x1xf32>
    %max3A_48 = arith.constant 1.000000e+00 : f32
    %max3A_49 = vector.broadcast %max3A_48 : f32 to vector<16x1xf32>
    %max3A_50 = arith.maximumf %broadcast_in_dim3A, %max3A_49 : vector<16x1xf32>
    %div3A = vector.broadcast %max3A_50 : vector<16x1xf32> to vector<16x128xf32>
    %div3A_51 = arith.divf %dot_general3A_46, %div3A : vector<16x128xf32>
    %swap3A = arith.constant 0 : index
    %swap3A_52 = arith.constant 0 : index
    %swap3A_53 = vector.load %arg6[%swap3A, %swap3A_52] : memref<16x128xf32, #tpu.memory_space<vmem>>, vector<16x128xf32>
    tpu.vector_store %arg6[%swap3A, %swap3A_52], %div3A_51 {strides = array<i32>} : memref<16x128xf32, #tpu.memory_space<vmem>>, vector<16x128xf32>,
    return
  }
}

</mosaic_0001>

<sc_bundles>
// kernel: kernel.15.cloned.1.call-start
scs
__scs_entry_jumppad:
0x0: {  	(pc) =	sbr.rel $0x88, $3  }
0x1: {  	(tag) =	ssettag $0x0;
	lr =	simm.s32 $0x1  }
0x2: {  	[smem:$0x3F94] =	sst lr;
	_ =	strace $0xD0000000  }
0x3: {  	_ = 	snop  }
0x4: {  	_ = 	snop  }
0x5: {  	_ = 	snop  }
0x6: {  	_ = 	snop  }
0x7: {  	_ = 	snop  }
__scs_overlays_trampoline_lowered:
0x8: {  	[smem:$0x3FA3] =	sst s0  }
0x9: {  	[smem:$0x3FA4] =	sst s1  }
0xa: {  	[smem:$0x3FA5] =	sst s2  }
0xb: {  	[smem:$0x3FA6] =	sst s3  }
0xc: {  	[smem:$0x3FA7] =	sst s4  }
0xd: {  	[smem:$0x3FA8] =	sst s5  }
0xe: {  	[smem:$0x3FA9] =	sst s6  }
0xf: {  	[smem:$0x3FAA] =	sst s7  }
0x10: {  	[smem:$0x3FAB] =	sst s8  }
0x11: {  	[smem:$0x3FAC] =	sst s9;
	s0 =	simm.s32 @!p0 $0x0  }
0x12: {  	s1 =	sld [smem:$0x3F92];
	s0 =	simm.s32 @p0 $0x1  }
0x13: {  	[smem:$0x3FAD] =	sst s0;
	s0 =	simm.s32 @!p1 $0x0  }
0x14: {  	s2 =	sld [smem:$0x3F91];
	s0 =	simm.s32 @p1 $0x1  }
0x15: {  	[smem:$0x3FAE] =	sst s0;
	s0 =	simm.s32 @!p2 $0x0  }
0x16: {  	s3 =	sld [smem:$0x3FDB];
	s0 =	simm.s32 @p2 $0x1  }
0x17: {  	s4 =	simm.s32 $0x1BF5;
	[smem:$0x3FB0] =	sst s0  }
0x18: {  	s0 =	sld [smem:$0x3F93];
	_ =	swait.ge [sflag:s4], $0x0  }
0x19: {  	s7 =	sld [smem:$0x3F94]  }
0x1a: {  	s8 =	sadd.s32 $0xFFFFE003, lr  }
0x1b: {  	s9 =	sadd.s32 $0xFFFFFEF7, lr;
	s5 =	simm.s32 $0xFFFFFFFF;
	p2 =	slt.u32 s8, $0xFFFFF086  }
0x1c: {  	p1 =	slt.u32 s9, $0xF7A;
	s5 =	simm.s32 @!p2 $0x0  }
0x1d: {  	s5 =	simm.s32 @p1 $0x1;
	p0 =	seq.s32 s7, s2  }
0x1e: {  	s7 =	smul.u32 @!p0 $0xF7A, s2;
	p2 =	seq.s32 @!p0 s5, $0x0  }
0x1f: {  	s9 =	smul.u32 $0xF7A, s1;
	s8 =	simm.s32 @!p0 $0x1BF5;
	p2 =	por !p2, p0  }
0x20: {  	[sflag:s8] =	ssyncset.s32 @!p0 $0xFFFFF086;
	s6 =	sadd.s32 @!p0 s3, s7;
	s7 =	simm.s32 @!p0 $0x108  }
0x21: {  	s3 =	sadd.s32 s3, s9;
	s6 =	sadd.s32 @!p0 $0x88, s6;
	s7 =	simm.s32 @p2 $0x1082  }
0x22: {  	[simem:s7], [sflag:s8] =	dma.local @!p0 [hbm:s6], $0xF7A  }
0x23: {  	s9 =	sor.u32 $0xD0000000, s2;
	s6 =	simm.s32 $0x108;
	_ =	swait.ge @!p0 [sflag:s8], $0x0  }
0x24: {  	s3 =	sadd.s32 $0x88, s3;
	s6 =	simm.s32 @!p1 $0x1082;
	[sflag:s4] =	ssyncset.s32 $0xFFFFF086  }
0x25: {  	[simem:s6], [sflag:s4] =	dma.local [hbm:s3], $0xF7A  }
0x26: {  	[smem:$0x3F94] =	sst s1;
	(tag) =	ssettag s2;
	_ =	strace s9  }
0x27: {  	s1 =	sld [smem:$0x3FA4]  }
0x28: {  	s2 =	sld [smem:$0x3FA5]  }
0x29: {  	s4 =	sld [smem:$0x3FA7]  }
0x2a: {  	p0 =	seq.s32 s5, $0x0;
	s5 =	sld [smem:$0x3FA8]  }
0x2b: {  	s6 =	sld [smem:$0x3FA9]  }
0x2c: {  	s7 =	sld [smem:$0x3FAA]  }
0x2d: {  	s3 =	simm.s32 $0x108;
	s8 =	sld [smem:$0x3FAB]  }
0x2e: {  	s3 =	simm.s32 @!p0 $0x1082;
	s9 =	sld [smem:$0x3FAC]  }
0x2f: {  	lr =	sadd.s32 s0, s3;
	s0 =	sld [smem:$0x3FA3]  }
0x30: {  	s3 =	sld [smem:$0x3FA6]  }
0x31: {  	[smem:$0x3FAF] =	sst s10  }
0x32: {  	s10 =	sld [smem:$0x3FAD];
	_ =	sdelay $0x3  }
0x33: {  	p0 =	seq.s32 s10, $0x1;
	s10 =	sld [smem:$0x3FAF];
	_ =	sdelay $0x3  }
0x34: {  	[smem:$0x3FAF] =	sst s10  }
0x35: {  	s10 =	sld [smem:$0x3FAE];
	_ =	sdelay $0x3  }
0x36: {  	p1 =	seq.s32 s10, $0x1;
	s10 =	sld [smem:$0x3FAF];
	_ =	sdelay $0x3  }
0x37: {  	[smem:$0x3FAF] =	sst s10  }
0x38: {  	s10 =	sld [smem:$0x3FB0]  }
0x39: {  	_ = 	snop;
	(pc) =	sbr.ind lr, $3  }
0x3a: {  	_ = 	snop  }
0x3b: {  	_ = 	snop  }
0x3c: {  	p2 =	seq.s32 s10, $0x1;
	s10 =	sld [smem:$0x3FAF]  }
0x3d: {  	_ =	shalt  }
0x3e: {  	_ =	shalt  }
0x3f: {  	_ =	shalt  }
0x40: {  	_ =	shalt  }
0x41: {  	_ =	shalt  }
0x42: {  	_ =	shalt  }
0x43: {  	_ =	shalt  }
0x44: {  	_ =	shalt  }
0x45: {  	_ =	shalt  }
0x46: {  	_ =	shalt  }
0x47: {  	_ =	shalt  }
0x48: {  	_ =	shalt  }
0x49: {  	_ =	shalt  }
0x4a: {  	_ =	shalt  }
0x4b: {  	_ =	shalt  }
0x4c: {  	_ =	shalt  }
0x4d: {  	_ =	shalt  }
0x4e: {  	_ =	shalt  }
0x4f: {  	_ =	shalt  }
0x50: {  	_ =	shalt  }
0x51: {  	_ =	shalt  }
0x52: {  	_ =	shalt  }
0x53: {  	_ =	shalt  }
0x54: {  	_ =	shalt  }
0x55: {  	_ =	shalt  }
0x56: {  	_ =	shalt  }
0x57: {  	_ =	shalt  }
0x58: {  	_ =	shalt  }
0x59: {  	_ =	shalt  }
0x5a: {  	_ =	shalt  }
0x5b: {  	_ =	shalt  }
0x5c: {  	_ =	shalt  }
0x5d: {  	_ =	shalt  }
0x5e: {  	_ =	shalt  }
0x5f: {  	_ =	shalt  }
0x60: {  	_ =	shalt  }
0x61: {  	_ =	shalt  }
0x62: {  	_ =	shalt  }
0x63: {  	_ =	shalt  }
0x64: {  	_ =	shalt  }
0x65: {  	_ =	shalt  }
0x66: {  	_ =	shalt  }
0x67: {  	_ =	shalt  }
0x68: {  	_ =	shalt  }
0x69: {  	_ =	shalt  }
0x6a: {  	_ =	shalt  }
0x6b: {  	_ =	shalt  }
0x6c: {  	_ =	shalt  }
0x6d: {  	_ =	shalt  }
0x6e: {  	_ =	shalt  }
0x6f: {  	_ =	shalt  }
0x70: {  	_ =	shalt  }
0x71: {  	_ =	shalt  }
0x72: {  	_ =	shalt  }
0x73: {  	_ =	shalt  }
0x74: {  	_ =	shalt  }
0x75: {  	_ =	shalt  }
0x76: {  	_ =	shalt  }
0x77: {  	_ =	shalt  }
0x78: {  	_ =	shalt  }
0x79: {  	_ =	shalt  }
0x7a: {  	_ =	shalt  }
0x7b: {  	_ =	shalt  }
0x7c: {  	_ =	shalt  }
0x7d: {  	_ =	shalt  }
0x7e: {  	_ =	shalt  }
0x7f: {  	_ =	shalt  }
0x80: {  	_ =	shalt  }
0x81: {  	_ =	shalt  }
0x82: {  	_ =	shalt  }
0x83: {  	_ =	shalt  }
0x84: {  	_ =	shalt  }
0x85: {  	_ =	shalt  }
0x86: {  	_ =	shalt  }
0x87: {  	_ =	shalt  }
.Lfunc_end0:
.L_simem_size_0:
called_computation_lowered:
.L_overlay_start_0:
0x88: {  	s2 =	sld [smem:$0x3FD9]  }
0x89: {  	s3 =	sld [smem:$0x3FFE];
	_ =	sdelay $0x1  }
0x8a: {  	s1 =	srdreg.scid  }
0x8b: {  	s0 =	sand.u32 $0x1, s1  }
0x8c: {  	s17 =	sshll.u32 s0, $0xA;
	s2 =	sadd.s32 s3, s2  }
0x8d: {  	s2 =	sadd.s32 s2, s17  }
0x8e: {  	[smem:$0x3FBB] =	sst s2  }
0x8f: {  	_ = 	snop  }
0x90: {  	s2 =	sld [smem:$0x3FD0];
	(tm) =	ssettm $0x1  }
0x91: {  	s18 =	sld [smem:$0x3FFB];
	_ =	sdelay $0x3  }
0x92: {  	_ =	strace s18  }
0x93: {  	s3 =	sld [smem:$0x3FFC];
	_ =	sdelay $0x3  }
0x94: {  	_ =	strace s3  }
0x95: {  	s3 =	sld [smem:$0x3FFD];
	_ =	sdelay $0x3  }
0x96: {  	_ =	strace s3  }
0x97: {  	_ =	strace $0x8FFFFFFF  }
0x98: {  	s19 =	sld [smem:$0x3FDB];
	_ =	sdelay $0x1  }
0x99: {  	s4 =	simm.s32 $_scs_section_size  }
0x9a: {  	s5 =	simm.s32 $_size__tile_overlayer_lowered;
	s6 =	simm.s32 $_tile_overlayer_lowered  }
0x9b: {  	s22 =	simm.s32 $0x1BFF;
	s21 =	sshll.u32 s6, $0x1;
	s3 =	sadd.s32 s4, s19  }
0x9c: {  	s7 =	simm.s32 $0x0;
	s20 =	sshll.u32 s5, $0x1;
	s5 =	sadd.s32 s21, s3  }
0x9d: {  	[timem:s7], [sflag:s22] =	dma.local [hbm:s5], s20  }
0x9e: {  	_ =	swait.ge [sflag:s22], s20  }
0x9f: {  	s4 =	ssub.s32 $0x0, s20;
	[sflag:s22] =	ssyncset.done $0x0  }
0xa0: {  	[sflag:s22] =	ssyncadd.s32 s4;
	_ =	sdelay $0x1  }
0xa1: {  	s23 =	simm.s32 $0x1B8B  }
0xa2: {  	_ =	swait.ge [sflag:s23], $0x1  }
0xa3: {  	[sflag:s23] =	ssyncset.done $0x0  }
0xa4: {  	s25 =	simm.s32 $0x1B8E;
	s24 =	sld [smem:$0x3FFE];
	[sflag:s23] =	ssyncadd.s32 $0xFFFFFFFF  }
0xa5: {  	s26 =	simm.s32 $execute0_lowered;
	[smem:$0x3FD2] =	sst s25  }
0xa6: {  	s5 =	sshll.u32 s26, $0x1;
	_ =	strace $0x80000046;
	[dreg:$0x1] =	wrdreg $0xFFFFFFFF  }
0xa7: {  	s28 =	simm.s32 $_size_execute0_lowered;
	s3 =	sadd.s32 s3, s5;
	[dreg:$0x0] =	wrdreg $0x0  }
0xa8: {  	s5 =	sshll.u32 s28, $0x1;
	[dreg:$0x2] =	wrdreg s3  }
0xa9: {  	[dreg:$0x3] =	wrdreg s5  }
0xaa: {  	[dreg:$0x4] =	wrdreg $0xC0  }
0xab: {  	_ =	task [dreg:s7], $0x5FFFF  }
0xac: {  	[dreg:$0x1] =	wrdreg $0xFFFFFFFF  }
0xad: {  	[dreg:$0x0] =	wrdreg $0x60  }
0xae: {  	[dreg:$0x2] =	wrdreg s24  }
0xaf: {  	[dreg:$0x3] =	wrdreg s2  }
0xb0: {  	[dreg:$0x4] =	wrdreg $0x34000  }
0xb1: {  	[dreg:$0x5] =	wrdreg $0x9  }
0xb2: {  	_ =	task.clear_ibuf [dreg:s7], $0x6FFFF;
	_ =	strace $0x90000046  }
0xb3: {  	s29 =	simm.s32 $0x9;
	_ =	strace $0x80000048  }
0xb4: {  	_ =	swait.ge [sflag:s29], $0x1  }
0xb5: {  	[sflag:s29] =	ssyncadd.s32 $0xFFFFFFFF  }
0xb6: {  	_ =	strace $0x90000048  }
0xb7: {  	_ =	sfence  }
0xb8: {  	s30 =	sld [smem:$0x0];
	_ =	sdelay $0x2  }
0xb9: {  	s31 =	sshll.u32 s1, $0xD;
	s1 =	sshrl.u32 s1, $0x2  }
0xba: {  	s3 =	sand.u32 $0x4000, s31;
	s1 =	sadd.s32 s1, s30  }
0xbb: {  	s0 =	sor.u32 s3, s0;
	s1 =	sshll.u32 s1, $0x11  }
0xbc: {  	s0 =	sor.u32 s1, s0  }
0xbd: {  	s0 =	sadd.s32 $0x8F2B, s0  }
0xbe: {  	[sflag:s0] =	ssyncadd.remote.s32 $0x1  }
0xbf: {  	_ =	sfence.sel $0xFFFF  }
0xc0: {  	[dreg:$0x0] =	wrdreg $0xFFFFFFFF;
	(pc) =	sbr.abs _section_cstart, $3  }
0xc1: {  	[dreg:$0x1] =	wrdreg $0xFFFFFFFF  }
0xc2: {  	_ =	task.clear_ibuf [dreg:s7], $0x2FFFF;
	_ =	strace $0x9FFFFFFF  }
0xc3: {  	(tm) =	ssettm $0x7FFFFFFF  }
tec
execute0_lowered:
.L_overlay_start_1:
0x0: {  	(tag) =	ssettag $0x1  }
0x1: {  	s6 =	rddreg [dreg:$0x0]  }
0x2: {  	s2 =	rddreg [dreg:$0x1];
	s0 =	srdreg.scid  }
0x3: {  	s3 =	rddreg [dreg:$0x2];
	s1 =	stileid.u32  }
0x4: {  	s4 =	simm.s32 $0x0;
	s14 =	simm.s32 $0x80;
	s15 =	simm.s32 $0x1  }
0x5: {  	s16 =	simm.s32 $0x0;
	s7 =	sand.u32 $0x1, s0;
	s0 =	rddreg [dreg:$0x3]  }
0x6: {  	s8 =	smul.u32 $0x1400, s1;
	[smem:$0x7FF] =	sst s4;
	s31 =	sshll.u32 s1, $0x6  }
0x7: {  	s5 =	sshll.u32 s7, $0x4;
	s9 =	smul.u32 $0x14000, s7;
	_ =	strace $0x80000047  }
0x8: {  	s10 =	ssub.s32 $0x2, s7;
	p0 =	seq.s32 s7, $0x0;
	s7 =	simm.s32 $0x20  }
0x9: {  	s5 =	sor.u32 s1, s5;
	s12 =	sshrl.u32 s10, $0x1;
	s13 =	sadd.s32 s8, s3  }
0xa: {  	s7 =	simm.s32 @!p0 $0x2F;
	s5 =	smul.u32 $0x600, s5;
	s9 =	sadd.s32 s8, s9  }
0xb: {  	s10 =	ssub.s32 s10, s12;
	s12 =	sor.u32 $0x1C02, s31;
	s9 =	sshrl.u32 s9, $0x3  }
0xc: {  	s13 =	sshrl.u32 s13, $0x3;
	s11 =	sadd.s32 s5, s6;
	s9 =	sadd.s32 s9, s6  }
0xd: {  	s5 =	sadd.s32 $0xF600, s6;
	s6 =	sadd.s32 $0x3600, s11;
	s8 =	sadd.s32 $0xFA00, s9  }
0xe: {  	s9 =	smax.u32 s10, $0x1;
	s10 =	simm.s32 $0x2;
	s11 =	simm.s32 $0x3000  }
.LBB2_1:
0xf: {  	[tilespmem:s4], [sflag:$0x2] =	stream.linear.gather [hbm4b:s6+s4], $0x3000, $0x38;
	[tilespmem:$0x4800] =	vst v63  }
0x10: {  	_ =	swait.ge [sflag:s10], $0x3000  }
0x11: {  	[sflag:s10] =	ssyncset.done $0x0  }
0x12: {  	[sflag:s10] =	ssyncadd.s32 $0xFFFFD000  }
0x13: {  	[tilespmem:s11], [sflag:$0x2] =	stream.linear.gather [hbm4b:s2+s4], $0x400, $0x38;
	[tilespmem:$0x4800] =	vst v63  }
0x14: {  	_ =	swait.ge [sflag:s10], $0x400  }
0x15: {  	[sflag:s10] =	ssyncset.done $0x0  }
0x16: {  	p1 =	sne.s32 s7, $0x1;
	[sflag:s10] =	ssyncadd.s32 $0xFFFFFC00  }
0x17: {  	[spmem:s13], [sflag:s12] =	dma.local [hbm:s5], $0x280  }
.Ltmp0:
0x18: {  	_ =	swait.ge [sflag:s10], $0x280;
	(pc) =	sbr.rel @!p1 .LBB2_4-.Ltmp0, $4  }
0x19: {  	[sflag:s10] =	ssyncset.done $0x0  }
0x1a: {  	[sflag:s10] =	ssyncadd.s32 $0xFFFFFD80  }
0x1b: {  	[bflag:$0x0] =	sbarrier.arrive $0xFFFF  }
0x1c: {  	s18 =	sadd.s32 $0xFFFFFFFF, s7;
	p0 =	por $0x0, $0x0;
	s17 =	simm.s32 $0x80  }
0x1d: {  	s17 =	simm.s32 $0x0  }
0x1e: {  	[spmem:s3] =	stream.indirect.scatter.add.f32 [tilespmem:s11], [sflag:$0x1], $0x8, s17, s14, $0xb8;
	[tilespmem:$0x4800] =	vst v63  }
0x1f: {  	p1 =	sne.s32 s18, $0x1  }
0x20: {  	[spmem:s3] =	stream.indirect.scatter.add.f32 [tilespmem:s11], [sflag:$0x1], $0x8, s14, s14, $0xb8;
	[tilespmem:$0x4800] =	vst v63  }
.Ltmp1:
0x21: {  	_ =	swait.ge [sflag:s15], $0x400;
	(pc) =	sbr.rel @!p1 .LBB2_4-.Ltmp1, $4  }
0x22: {  	[sflag:s15] =	ssyncset.done $0x0  }
0x23: {  	[sflag:s15] =	ssyncadd.s32 $0xFFFFFC00  }
0x24: {  	s18 =	sadd.s32 $0xFFFFFFFF, s18;
	_ =	swait.ge [sflag:s15], $0x400  }
0x25: {  	p0 =	por $0x1, $0x1;
	s17 =	simm.s32 $0x180;
	[sflag:s15] =	ssyncset.done $0x0  }
.LBB2_3:
0x26: {  	p1 =	sne.s32 s18, $0x1;
	s19 =	sadd.s32 $0xFFFFFF80, s17;
	[sflag:s15] =	ssyncadd.s32 $0xFFFFFC00  }
0x27: {  	[spmem:s3] =	stream.indirect.scatter.add.f32 [tilespmem:s11], [sflag:$0x1], $0x8, s19, s14, $0xb8;
	[tilespmem:$0x4800] =	vst v63  }
0x28: {  	s18 =	sadd.s32 $0xFFFFFFFF, s18  }
0x29: {  	[spmem:s3] =	stream.indirect.scatter.add.f32 [tilespmem:s11], [sflag:$0x1], $0x8, s17, s14, $0xb8;
	[tilespmem:$0x4800] =	vst v63  }
.Ltmp2:
0x2a: {  	_ =	swait.ge [sflag:s15], $0x400;
	(pc) =	sbr.rel @p1 .LBB2_3-.Ltmp2, $4  }
0x2b: {  	[sflag:s15] =	ssyncset.done $0x0  }
0x2c: {  	[sflag:s15] =	ssyncadd.s32 $0xFFFFFC00  }
0x2d: {  	_ =	swait.ge [sflag:s15], $0x400  }
0x2e: {  	s17 =	sadd.s32 $0x100, s17;
	[sflag:s15] =	ssyncset.done $0x0  }
.LBB2_4:
0x2f: {  	s18 =	sadd.s32 $0xFFFFFF80, s17;
	[sflag:s15] =	ssyncadd.s32 @p0 $0xFFFFFC00  }
0x30: {  	[spmem:s3] =	stream.indirect.scatter.add.f32 [tilespmem:s11], [sflag:$0x1], $0x8, s18, s14, $0xb8;
	[tilespmem:$0x4800] =	vst v63  }
0x31: {  	_ = 	snop  }
0x32: {  	[spmem:s3] =	stream.indirect.scatter.add.f32 [tilespmem:s11], [sflag:$0x1], $0x8, s17, s14, $0xb8;
	[tilespmem:$0x4800] =	vst v63  }
0x33: {  	_ =	swait.ge [sflag:s15], $0x400  }
0x34: {  	[sflag:s15] =	ssyncset.done $0x0  }
0x35: {  	[sflag:s15] =	ssyncadd.s32 $0xFFFFFC00  }
0x36: {  	_ =	swait.ge [sflag:s15], $0x400  }
0x37: {  	s16 =	sadd.s32 $0x1, s16;
	[sflag:s15] =	ssyncset.done $0x0  }
0x38: {  	p0 =	sne.s32 s16, s9;
	[sflag:s15] =	ssyncadd.s32 $0xFFFFFC00  }
.Ltmp3:
0x39: {  	[bflag:$0x0] =	sbarrier.arrive $0xFFFF;
	(pc) =	sbr.rel @p0 .LBB2_1-.Ltmp3, $4  }
0x3a: {  	[hbm:s8], [sflag:s12] =	dma.local [spmem:s13], $0x280  }
0x3b: {  	_ =	swait.ge [sflag:s10], $0x280  }
0x3c: {  	[sflag:s10] =	ssyncset.done $0x0  }
0x3d: {  	[sflag:s10] =	ssyncadd.s32 $0xFFFFFD80  }
0x3e: {  	_ =	sfence.sel $0x180000  }
0x3f: {  	[bflag:$0x0] =	sbarrier.arrive $0xFFFF  }
0x40: {  	p0 =	sne.s32 s1, $0x0;
	_ =	strace $0x90000047  }
0x41: {  	s0 =	sadd.s32 @!p0 $0x100000, s0;
	[bflag:$0x2] =	sbarrier.arrive $0xFFFF  }
0x42: {  	[sflag:s0] =	ssyncadd.tile.s32 @!p0 $0x1;
	_ =	shalt  }
.Lfunc_end2:
_tile_overlayer_lowered:
.L_overlay_start_2:
0x43: {  	(tag) =	ssettag $0x2  }
0x44: {  	s0 =	rddreg [dreg:$0x0];
	s2 =	stileid.u32  }
0x45: {  	s1 =	rddreg [dreg:$0x1];
	p0 =	sne.s32 s2, $0x0  }
0x46: {  	s3 =	rddreg [dreg:$0x2];
	[bflag:$0x3] =	sbarrier.arrive $0xFFFF;
	s2 =	simm.s32 @!p0 $0x1C02  }
0x47: {  	[timem:s3], [sflag:s2] =	dma.local @!p0 [hbm:s0], s1  }
0x48: {  	s0 =	simm.s32 @!p0 $0x2  }
0x49: {  	_ =	swait.ge @!p0 [sflag:s0], s1  }
0x4a: {  	s1 =	ssub.s32 @!p0 $0x0, s1;
	[sflag:s0] =	ssyncset.done @!p0 $0x0  }
0x4b: {  	[sflag:s0] =	ssyncadd.s32 @!p0 s1  }
0x4c: {  	[bflag:$0x3] =	sbarrier.arrive $0xFFFF  }
0x4d: {  	_ =	shalt  }

// kernel: kernel.18.cloned.1.call-start
scs
__scs_entry_jumppad:
0x0: {  	(pc) =	sbr.rel $0x88, $3  }
0x1: {  	(tag) =	ssettag $0x0;
	lr =	simm.s32 $0x1  }
0x2: {  	[smem:$0x3F94] =	sst lr;
	_ =	strace $0xD0000000  }
0x3: {  	_ = 	snop  }
0x4: {  	_ = 	snop  }
0x5: {  	_ = 	snop  }
0x6: {  	_ = 	snop  }
0x7: {  	_ = 	snop  }
__scs_overlays_trampoline_lowered:
0x8: {  	[smem:$0x3FA3] =	sst s0  }
0x9: {  	[smem:$0x3FA4] =	sst s1  }
0xa: {  	[smem:$0x3FA5] =	sst s2  }
0xb: {  	[smem:$0x3FA6] =	sst s3  }
0xc: {  	[smem:$0x3FA7] =	sst s4  }
0xd: {  	[smem:$0x3FA8] =	sst s5  }
0xe: {  	[smem:$0x3FA9] =	sst s6  }
0xf: {  	[smem:$0x3FAA] =	sst s7  }
0x10: {  	[smem:$0x3FAB] =	sst s8  }
0x11: {  	[smem:$0x3FAC] =	sst s9;
	s0 =	simm.s32 @!p0 $0x0  }
0x12: {  	s1 =	sld [smem:$0x3F92];
	s0 =	simm.s32 @p0 $0x1  }
0x13: {  	[smem:$0x3FAD] =	sst s0;
	s0 =	simm.s32 @!p1 $0x0  }
0x14: {  	s2 =	sld [smem:$0x3F91];
	s0 =	simm.s32 @p1 $0x1  }
0x15: {  	[smem:$0x3FAE] =	sst s0;
	s0 =	simm.s32 @!p2 $0x0  }
0x16: {  	s3 =	sld [smem:$0x3FDB];
	s0 =	simm.s32 @p2 $0x1  }
0x17: {  	s4 =	simm.s32 $0x1BF5;
	[smem:$0x3FB0] =	sst s0  }
0x18: {  	s0 =	sld [smem:$0x3F93];
	_ =	swait.ge [sflag:s4], $0x0  }
0x19: {  	s7 =	sld [smem:$0x3F94]  }
0x1a: {  	s8 =	sadd.s32 $0xFFFFE003, lr  }
0x1b: {  	s9 =	sadd.s32 $0xFFFFFEF7, lr;
	s5 =	simm.s32 $0xFFFFFFFF;
	p2 =	slt.u32 s8, $0xFFFFF086  }
0x1c: {  	p1 =	slt.u32 s9, $0xF7A;
	s5 =	simm.s32 @!p2 $0x0  }
0x1d: {  	s5 =	simm.s32 @p1 $0x1;
	p0 =	seq.s32 s7, s2  }
0x1e: {  	s7 =	smul.u32 @!p0 $0xF7A, s2;
	p2 =	seq.s32 @!p0 s5, $0x0  }
0x1f: {  	s9 =	smul.u32 $0xF7A, s1;
	s8 =	simm.s32 @!p0 $0x1BF5;
	p2 =	por !p2, p0  }
0x20: {  	[sflag:s8] =	ssyncset.s32 @!p0 $0xFFFFF086;
	s6 =	sadd.s32 @!p0 s3, s7;
	s7 =	simm.s32 @!p0 $0x108  }
0x21: {  	s3 =	sadd.s32 s3, s9;
	s6 =	sadd.s32 @!p0 $0x88, s6;
	s7 =	simm.s32 @p2 $0x1082  }
0x22: {  	[simem:s7], [sflag:s8] =	dma.local @!p0 [hbm:s6], $0xF7A  }
0x23: {  	s9 =	sor.u32 $0xD0000000, s2;
	s6 =	simm.s32 $0x108;
	_ =	swait.ge @!p0 [sflag:s8], $0x0  }
0x24: {  	s3 =	sadd.s32 $0x88, s3;
	s6 =	simm.s32 @!p1 $0x1082;
	[sflag:s4] =	ssyncset.s32 $0xFFFFF086  }
0x25: {  	[simem:s6], [sflag:s4] =	dma.local [hbm:s3], $0xF7A  }
0x26: {  	[smem:$0x3F94] =	sst s1;
	(tag) =	ssettag s2;
	_ =	strace s9  }
0x27: {  	s1 =	sld [smem:$0x3FA4]  }
0x28: {  	s2 =	sld [smem:$0x3FA5]  }
0x29: {  	s4 =	sld [smem:$0x3FA7]  }
0x2a: {  	p0 =	seq.s32 s5, $0x0;
	s5 =	sld [smem:$0x3FA8]  }
0x2b: {  	s6 =	sld [smem:$0x3FA9]  }
0x2c: {  	s7 =	sld [smem:$0x3FAA]  }
0x2d: {  	s3 =	simm.s32 $0x108;
	s8 =	sld [smem:$0x3FAB]  }
0x2e: {  	s3 =	simm.s32 @!p0 $0x1082;
	s9 =	sld [smem:$0x3FAC]  }
0x2f: {  	lr =	sadd.s32 s0, s3;
	s0 =	sld [smem:$0x3FA3]  }
0x30: {  	s3 =	sld [smem:$0x3FA6]  }
0x31: {  	[smem:$0x3FAF] =	sst s10  }
0x32: {  	s10 =	sld [smem:$0x3FAD];
	_ =	sdelay $0x3  }
0x33: {  	p0 =	seq.s32 s10, $0x1;
	s10 =	sld [smem:$0x3FAF];
	_ =	sdelay $0x3  }
0x34: {  	[smem:$0x3FAF] =	sst s10  }
0x35: {  	s10 =	sld [smem:$0x3FAE];
	_ =	sdelay $0x3  }
0x36: {  	p1 =	seq.s32 s10, $0x1;
	s10 =	sld [smem:$0x3FAF];
	_ =	sdelay $0x3  }
0x37: {  	[smem:$0x3FAF] =	sst s10  }
0x38: {  	s10 =	sld [smem:$0x3FB0]  }
0x39: {  	_ = 	snop;
	(pc) =	sbr.ind lr, $3  }
0x3a: {  	_ = 	snop  }
0x3b: {  	_ = 	snop  }
0x3c: {  	p2 =	seq.s32 s10, $0x1;
	s10 =	sld [smem:$0x3FAF]  }
0x3d: {  	_ =	shalt  }
0x3e: {  	_ =	shalt  }
0x3f: {  	_ =	shalt  }
0x40: {  	_ =	shalt  }
0x41: {  	_ =	shalt  }
0x42: {  	_ =	shalt  }
0x43: {  	_ =	shalt  }
0x44: {  	_ =	shalt  }
0x45: {  	_ =	shalt  }
0x46: {  	_ =	shalt  }
0x47: {  	_ =	shalt  }
0x48: {  	_ =	shalt  }
0x49: {  	_ =	shalt  }
0x4a: {  	_ =	shalt  }
0x4b: {  	_ =	shalt  }
0x4c: {  	_ =	shalt  }
0x4d: {  	_ =	shalt  }
0x4e: {  	_ =	shalt  }
0x4f: {  	_ =	shalt  }
0x50: {  	_ =	shalt  }
0x51: {  	_ =	shalt  }
0x52: {  	_ =	shalt  }
0x53: {  	_ =	shalt  }
0x54: {  	_ =	shalt  }
0x55: {  	_ =	shalt  }
0x56: {  	_ =	shalt  }
0x57: {  	_ =	shalt  }
0x58: {  	_ =	shalt  }
0x59: {  	_ =	shalt  }
0x5a: {  	_ =	shalt  }
0x5b: {  	_ =	shalt  }
0x5c: {  	_ =	shalt  }
0x5d: {  	_ =	shalt  }
0x5e: {  	_ =	shalt  }
0x5f: {  	_ =	shalt  }
0x60: {  	_ =	shalt  }
0x61: {  	_ =	shalt  }
0x62: {  	_ =	shalt  }
0x63: {  	_ =	shalt  }
0x64: {  	_ =	shalt  }
0x65: {  	_ =	shalt  }
0x66: {  	_ =	shalt  }
0x67: {  	_ =	shalt  }
0x68: {  	_ =	shalt  }
0x69: {  	_ =	shalt  }
0x6a: {  	_ =	shalt  }
0x6b: {  	_ =	shalt  }
0x6c: {  	_ =	shalt  }
0x6d: {  	_ =	shalt  }
0x6e: {  	_ =	shalt  }
0x6f: {  	_ =	shalt  }
0x70: {  	_ =	shalt  }
0x71: {  	_ =	shalt  }
0x72: {  	_ =	shalt  }
0x73: {  	_ =	shalt  }
0x74: {  	_ =	shalt  }
0x75: {  	_ =	shalt  }
0x76: {  	_ =	shalt  }
0x77: {  	_ =	shalt  }
0x78: {  	_ =	shalt  }
0x79: {  	_ =	shalt  }
0x7a: {  	_ =	shalt  }
0x7b: {  	_ =	shalt  }
0x7c: {  	_ =	shalt  }
0x7d: {  	_ =	shalt  }
0x7e: {  	_ =	shalt  }
0x7f: {  	_ =	shalt  }
0x80: {  	_ =	shalt  }
0x81: {  	_ =	shalt  }
0x82: {  	_ =	shalt  }
0x83: {  	_ =	shalt  }
0x84: {  	_ =	shalt  }
0x85: {  	_ =	shalt  }
0x86: {  	_ =	shalt  }
0x87: {  	_ =	shalt  }
.Lfunc_end0:
.L_simem_size_0:
called_computation.1_lowered:
.L_overlay_start_0:
0x88: {  	s2 =	sld [smem:$0x3FD9]  }
0x89: {  	s3 =	sld [smem:$0x3FFE];
	_ =	sdelay $0x1  }
0x8a: {  	s1 =	srdreg.scid  }
0x8b: {  	s0 =	sand.u32 $0x1, s1  }
0x8c: {  	s16 =	sshll.u32 s0, $0xA;
	s2 =	sadd.s32 s3, s2  }
0x8d: {  	s2 =	sadd.s32 s2, s16  }
0x8e: {  	[smem:$0x3FBB] =	sst s2  }
0x8f: {  	_ = 	snop  }
0x90: {  	(tm) =	ssettm $0x1  }
0x91: {  	s17 =	sld [smem:$0x3FFB];
	_ =	sdelay $0x3  }
0x92: {  	_ =	strace s17  }
0x93: {  	s2 =	sld [smem:$0x3FFC];
	_ =	sdelay $0x3  }
0x94: {  	_ =	strace s2  }
0x95: {  	s2 =	sld [smem:$0x3FFD];
	_ =	sdelay $0x3  }
0x96: {  	_ =	strace s2  }
0x97: {  	_ =	strace $0x8FFFFFFF  }
0x98: {  	s18 =	sld [smem:$0x3FDB];
	_ =	sdelay $0x1  }
0x99: {  	s19 =	simm.s32 $_scs_section_size  }
0x9a: {  	s4 =	simm.s32 $_size__tile_overlayer_lowered;
	s5 =	simm.s32 $_tile_overlayer_lowered  }
0x9b: {  	s22 =	simm.s32 $0x1BFF;
	s21 =	sshll.u32 s5, $0x1;
	s2 =	sadd.s32 s19, s18  }
0x9c: {  	s6 =	simm.s32 $0x0;
	s20 =	sshll.u32 s4, $0x1;
	s4 =	sadd.s32 s21, s2  }
0x9d: {  	[timem:s6], [sflag:s22] =	dma.local [hbm:s4], s20  }
0x9e: {  	_ =	swait.ge [sflag:s22], s20  }
0x9f: {  	s3 =	ssub.s32 $0x0, s20;
	[sflag:s22] =	ssyncset.done $0x0  }
0xa0: {  	[sflag:s22] =	ssyncadd.s32 s3;
	_ =	sdelay $0x1  }
0xa1: {  	s23 =	simm.s32 $0x1B8B  }
0xa2: {  	_ =	swait.ge [sflag:s23], $0x1  }
0xa3: {  	[sflag:s23] =	ssyncset.done $0x0  }
0xa4: {  	s25 =	simm.s32 $0x1B8E;
	s24 =	sld [smem:$0x3FFE];
	[sflag:s23] =	ssyncadd.s32 $0xFFFFFFFF  }
0xa5: {  	s26 =	simm.s32 $execute0_lowered;
	[smem:$0x3FD2] =	sst s25  }
0xa6: {  	s4 =	sshll.u32 s26, $0x1;
	_ =	strace $0x80000049;
	[dreg:$0x1] =	wrdreg $0xFFFFFFFF  }
0xa7: {  	s28 =	simm.s32 $_size_execute0_lowered;
	s2 =	sadd.s32 s2, s4;
	[dreg:$0x0] =	wrdreg $0x0  }
0xa8: {  	s4 =	sshll.u32 s28, $0x1;
	[dreg:$0x2] =	wrdreg s2  }
0xa9: {  	[dreg:$0x3] =	wrdreg s4  }
0xaa: {  	[dreg:$0x4] =	wrdreg $0xC0  }
0xab: {  	_ =	task [dreg:s6], $0x5FFFF  }
0xac: {  	[dreg:$0x1] =	wrdreg $0xFFFFFFFF  }
0xad: {  	[dreg:$0x0] =	wrdreg $0x60  }
0xae: {  	[dreg:$0x2] =	wrdreg s24  }
0xaf: {  	[dreg:$0x3] =	wrdreg $0xA0000  }
0xb0: {  	[dreg:$0x4] =	wrdreg $0x9  }
0xb1: {  	_ =	task.clear_ibuf [dreg:s6], $0x5FFFF;
	_ =	strace $0x90000049  }
0xb2: {  	s29 =	simm.s32 $0x9;
	_ =	strace $0x8000004B  }
0xb3: {  	_ =	swait.ge [sflag:s29], $0x1  }
0xb4: {  	[sflag:s29] =	ssyncadd.s32 $0xFFFFFFFF  }
0xb5: {  	_ =	strace $0x9000004B  }
0xb6: {  	_ =	sfence  }
0xb7: {  	s30 =	sld [smem:$0x0];
	_ =	sdelay $0x2  }
0xb8: {  	s31 =	sshll.u32 s1, $0xD;
	s1 =	sshrl.u32 s1, $0x2  }
0xb9: {  	s3 =	sand.u32 $0x4000, s31;
	s1 =	sadd.s32 s1, s30  }
0xba: {  	s0 =	sor.u32 s3, s0;
	s1 =	sshll.u32 s1, $0x11  }
0xbb: {  	s0 =	sor.u32 s1, s0  }
0xbc: {  	s0 =	sadd.s32 $0x8F2B, s0  }
0xbd: {  	[sflag:s0] =	ssyncadd.remote.s32 $0x1  }
0xbe: {  	_ =	sfence.sel $0xFFFF  }
0xbf: {  	[dreg:$0x0] =	wrdreg $0xFFFFFFFF;
	(pc) =	sbr.abs _section_cstart, $3  }
0xc0: {  	[dreg:$0x1] =	wrdreg $0xFFFFFFFF  }
0xc1: {  	_ =	task.clear_ibuf [dreg:s6], $0x2FFFF;
	_ =	strace $0x9FFFFFFF  }
0xc2: {  	(tm) =	ssettm $0x7FFFFFFF  }
0xc3: {  	_ =	shalt  }
tec
execute0_lowered:
.L_overlay_start_1:
0x0: {  	(tag) =	ssettag $0x1  }
0x1: {  	s6 =	rddreg [dreg:$0x0]  }
0x2: {  	s2 =	rddreg [dreg:$0x1];
	s3 =	srdreg.scid  }
0x3: {  	s0 =	rddreg [dreg:$0x2];
	s1 =	stileid.u32  }
0x4: {  	s14 =	simm.s32 $0x80;
	s15 =	simm.s32 $0x6000;
	s16 =	simm.s32 $0x1  }
0x5: {  	s17 =	simm.s32 $0x8000;
	s18 =	simm.s32 $0x2;
	s19 =	simm.s32 $0x0  }
0x6: {  	s7 =	sand.u32 $0x1, s3;
	s3 =	simm.s32 $0x0;
	s9 =	smul.u32 $0xA000, s1  }
0x7: {  	s31 =	sshll.u32 s1, $0x6;
	s4 =	sshll.u32 s7, $0x4;
	[smem:$0x7FF] =	sst s3  }
0x8: {  	s5 =	smul.u32 $0xA0000, s7;
	s10 =	ssub.s32 $0x2, s7;
	p0 =	seq.s32 s7, $0x0  }
0x9: {  	s7 =	simm.s32 $0x20;
	s4 =	sor.u32 s1, s4;
	_ =	strace $0x8000004A  }
0xa: {  	s12 =	sshrl.u32 s10, $0x1;
	s13 =	sadd.s32 s9, s2;
	s7 =	simm.s32 @!p0 $0x2F  }
0xb: {  	s8 =	smul.u32 $0x600, s4;
	s4 =	sadd.s32 $0x98A00, s6;
	s5 =	sadd.s32 s9, s5  }
0xc: {  	s10 =	ssub.s32 s10, s12;
	s12 =	sor.u32 $0x1C03, s31;
	s13 =	sshrl.u32 s13, $0x3  }
0xd: {  	s11 =	sshrl.u32 s5, $0x3;
	s5 =	sadd.s32 $0xFA00, s6;
	s8 =	sadd.s32 s8, s6  }
0xe: {  	s10 =	smax.u32 s10, $0x1;
	s11 =	sadd.s32 s11, s6;
	s6 =	sadd.s32 $0x14A00, s8  }
0xf: {  	s8 =	sadd.s32 $0x3600, s8;
	s9 =	sadd.s32 $0xACA00, s11;
	s11 =	simm.s32 $0x3  }
.LBB2_1:
0x10: {  	[tilespmem:s3], [sflag:$0x3] =	stream.linear.gather [hbm4b:s6+s3], $0x3000, $0x38;
	[tilespmem:$0x14000] =	vst v63  }
0x11: {  	_ =	swait.ge [sflag:s11], $0x3000  }
0x12: {  	[sflag:s11] =	ssyncset.done $0x0  }
0x13: {  	s20 =	simm.s32 $0x3000;
	[sflag:s11] =	ssyncadd.s32 $0xFFFFD000  }
0x14: {  	[tilespmem:s20], [sflag:$0x3] =	stream.linear.gather [hbm4b:s8+s3], $0x3000, $0x38;
	[tilespmem:$0x14000] =	vst v63  }
0x15: {  	_ =	swait.ge [sflag:s11], $0x3000  }
0x16: {  	[sflag:s11] =	ssyncset.done $0x0  }
0x17: {  	[sflag:s11] =	ssyncadd.s32 $0xFFFFD000  }
0x18: {  	[spmem:s13], [sflag:s12] =	dma.local [hbm:s5], $0x1400  }
0x19: {  	_ =	swait.ge [sflag:s11], $0x1400  }
0x1a: {  	[sflag:s11] =	ssyncset.done $0x0  }
0x1b: {  	p1 =	sne.s32 s7, $0x1;
	[sflag:s11] =	ssyncadd.s32 $0xFFFFEC00  }
.Ltmp0:
0x1c: {  	[bflag:$0x0] =	sbarrier.arrive $0xFFFF;
	(pc) =	sbr.rel @!p1 .LBB2_2-.Ltmp0, $4  }
0x1d: {  	[tilespmem:s15], [sflag:$0x1] =	stream.indirect.gather [hbm4b:s4+s14], $0x40, s3, s14, $0xb8;
	[tilespmem:$0x14000] =	vst v63  }
0x1e: {  	_ =	swait.ge [sflag:s16], $0x2000  }
0x1f: {  	s21 =	simm.s32 $0x100;
	[sflag:s16] =	ssyncset.done $0x0  }
0x20: {  	s22 =	sadd.s32 $0xFFFFFFFF, s7;
	p0 =	por $0x0, $0x0;
	[sflag:s16] =	ssyncadd.s32 $0xFFFFE000  }
0x21: {  	s23 =	simm.s32 $0x80  }
0x22: {  	[tilespmem:s17], [sflag:$0x2] =	stream.indirect.gather [hbm4b:s4+s14], $0x40, s23, s14, $0xb8;
	[tilespmem:$0x14000] =	vst v63  }
0x23: {  	_ = 	snop  }
0x24: {  	[spmem:s2] =	stream.indirect.scatter.add.f32 [tilespmem:s15], [sflag:$0x3], $0x40, s20, s14, $0xb8;
	[tilespmem:$0x14000] =	vst v63  }
0x25: {  	_ =	swait.ge [sflag:s11], $0x2000  }
0x26: {  	[sflag:s11] =	ssyncset.done $0x0  }
0x27: {  	[sflag:s11] =	ssyncadd.s32 $0xFFFFE000  }
0x28: {  	_ =	swait.ge [sflag:s18], $0x2000  }
0x29: {  	[sflag:s18] =	ssyncset.done $0x0  }
0x2a: {  	[sflag:s18] =	ssyncadd.s32 $0xFFFFE000  }
0x2b: {  	[tilespmem:s15], [sflag:$0x1] =	stream.indirect.gather [hbm4b:s4+s14], $0x40, s21, s14, $0xb8;
	[tilespmem:$0x14000] =	vst v63  }
0x2c: {  	s31 =	simm.s32 $0x3080;
	p1 =	sne.s32 s22, $0x1  }
0x2d: {  	[spmem:s2] =	stream.indirect.scatter.add.f32 [tilespmem:s17], [sflag:$0x3], $0x40, s31, s14, $0xb8;
	[tilespmem:$0x14000] =	vst v63  }
.Ltmp1:
0x2e: {  	_ =	swait.ge [sflag:s11], $0x2000;
	(pc) =	sbr.rel @!p1 .LBB2_4-.Ltmp1, $4  }
0x2f: {  	[sflag:s11] =	ssyncset.done $0x0  }
0x30: {  	[sflag:s11] =	ssyncadd.s32 $0xFFFFE000  }
0x31: {  	p0 =	por $0x1, $0x1;
	s23 =	sadd.s32 $0xFFFFFFFF, s22;
	_ =	swait.ge [sflag:s16], $0x2000  }
0x32: {  	s22 =	simm.s32 $0x3000;
	s21 =	simm.s32 $0x200;
	[sflag:s16] =	ssyncset.done $0x0  }
.LBB2_5:
0x33: {  	s24 =	sadd.s32 $0xFFFFFF80, s21;
	[sflag:s16] =	ssyncadd.s32 $0xFFFFE000;
	s22 =	sadd.s32 $0x100, s22  }
0x34: {  	[tilespmem:s17], [sflag:$0x2] =	stream.indirect.gather [hbm4b:s4+s14], $0x40, s24, s14, $0xb8;
	[tilespmem:$0x14000] =	vst v63  }
0x35: {  	p1 =	sne.s32 s23, $0x1;
	s23 =	sadd.s32 $0xFFFFFFFF, s23  }
0x36: {  	[spmem:s2] =	stream.indirect.scatter.add.f32 [tilespmem:s15], [sflag:$0x3], $0x40, s22, s14, $0xb8;
	[tilespmem:$0x14000] =	vst v63  }
0x37: {  	_ =	swait.ge [sflag:s11], $0x2000  }
0x38: {  	[sflag:s11] =	ssyncset.done $0x0  }
0x39: {  	[sflag:s11] =	ssyncadd.s32 $0xFFFFE000  }
0x3a: {  	_ =	swait.ge [sflag:s18], $0x2000  }
0x3b: {  	[sflag:s18] =	ssyncset.done $0x0  }
0x3c: {  	[sflag:s18] =	ssyncadd.s32 $0xFFFFE000  }
0x3d: {  	[tilespmem:s15], [sflag:$0x1] =	stream.indirect.gather [hbm4b:s4+s14], $0x40, s21, s14, $0xb8;
	[tilespmem:$0x14000] =	vst v63  }
0x3e: {  	s24 =	sadd.s32 $0x80, s22  }
0x3f: {  	[spmem:s2] =	stream.indirect.scatter.add.f32 [tilespmem:s17], [sflag:$0x3], $0x40, s24, s14, $0xb8;
	[tilespmem:$0x14000] =	vst v63  }
.Ltmp2:
0x40: {  	_ =	swait.ge [sflag:s11], $0x2000;
	(pc) =	sbr.rel @p1 .LBB2_5-.Ltmp2, $4  }
0x41: {  	[sflag:s11] =	ssyncset.done $0x0  }
0x42: {  	[sflag:s11] =	ssyncadd.s32 $0xFFFFE000  }
0x43: {  	_ =	swait.ge [sflag:s16], $0x2000  }
0x44: {  	s21 =	sadd.s32 $0x100, s21;
	[sflag:s16] =	ssyncset.done $0x0  }
.LBB2_6:
0x45: {  	s23 =	sadd.s32 $0xFFFFFF80, s21;
	[sflag:s16] =	ssyncadd.s32 @p0 $0xFFFFE000;
	s22 =	sadd.s32 @p0 $0x100, s22  }
0x46: {  	[tilespmem:s17], [sflag:$0x2] =	stream.indirect.gather [hbm4b:s4+s14], $0x40, s23, s14, $0xb8;
	[tilespmem:$0x14000] =	vst v63  }
0x47: {  	s20 =	smov.u32 @p0 s22  }
0x48: {  	[spmem:s2] =	stream.indirect.scatter.add.f32 [tilespmem:s15], [sflag:$0x3], $0x40, s20, s14, $0xb8;
	[tilespmem:$0x14000] =	vst v63  }
0x49: {  	_ =	swait.ge [sflag:s11], $0x2000  }
0x4a: {  	[sflag:s11] =	ssyncset.done $0x0  }
0x4b: {  	[sflag:s11] =	ssyncadd.s32 $0xFFFFE000  }
0x4c: {  	_ =	swait.ge [sflag:s18], $0x2000  }
0x4d: {  	[sflag:s18] =	ssyncset.done $0x0  }
0x4e: {  	[sflag:s18] =	ssyncadd.s32 $0xFFFFE000  }
0x4f: {  	[tilespmem:s15], [sflag:$0x1] =	stream.indirect.gather [hbm4b:s4+s14], $0x40, s21, s14, $0xb8;
	[tilespmem:$0x14000] =	vst v63  }
0x50: {  	s20 =	sadd.s32 $0x80, s20  }
0x51: {  	[spmem:s2] =	stream.indirect.scatter.add.f32 [tilespmem:s17], [sflag:$0x3], $0x40, s20, s14, $0xb8;
	[tilespmem:$0x14000] =	vst v63  }
0x52: {  	_ =	swait.ge [sflag:s11], $0x2000  }
0x53: {  	[sflag:s11] =	ssyncset.done $0x0  }
0x54: {  	[sflag:s11] =	ssyncadd.s32 $0xFFFFE000  }
0x55: {  	_ =	swait.ge [sflag:s16], $0x2000  }
0x56: {  	[sflag:s16] =	ssyncset.done $0x0  }
0x57: {  	s19 =	sadd.s32 $0x1, s19;
	[sflag:s16] =	ssyncadd.s32 $0xFFFFE000  }
0x58: {  	p0 =	sne.s32 s19, s10;
	[bflag:$0x0] =	sbarrier.arrive $0xFFFF  }
0x59: {  	[hbm:s9], [sflag:s12] =	dma.local [spmem:s13], $0x1400  }
.Ltmp3:
0x5a: {  	_ = 	snop;
	(pc) =	sbr.rel @p0 .LBB2_1-.Ltmp3, $4  }
.Ltmp4:
0x5b: {  	_ = 	snop;
	(pc) =	sbr.rel @!p0 .LBB2_7-.Ltmp4, $4  }
0x5c: {  	_ =	swait.ge [sflag:s11], $0x1400  }
0x5d: {  	[sflag:s11] =	ssyncset.done $0x0  }
0x5e: {  	[sflag:s11] =	ssyncadd.s32 $0xFFFFEC00  }
0x5f: {  	_ = 	snop  }
.LBB2_2:
.Ltmp5:
0x60: {  	(pc) =	sbr.rel .LBB2_6-.Ltmp5, $2  }
0x61: {  	_ =	sdelay $0x2  }
0x62: {  	s22 =	simm.s32 $0x3000  }
.LBB2_4:
.Ltmp6:
0x63: {  	(pc) =	sbr.rel .LBB2_6-.Ltmp6, $2  }
0x64: {  	_ =	sdelay $0x2  }
0x65: {  	s22 =	simm.s32 $0x3000  }
.LBB2_7:
0x66: {  	_ =	sfence.sel $0x180000  }
0x67: {  	[bflag:$0x0] =	sbarrier.arrive $0xFFFF  }
0x68: {  	p0 =	sne.s32 s1, $0x0;
	_ =	strace $0x9000004A  }
0x69: {  	s0 =	sadd.s32 @!p0 $0x100000, s0;
	[bflag:$0x2] =	sbarrier.arrive $0xFFFF  }
0x6a: {  	[sflag:s0] =	ssyncadd.tile.s32 @!p0 $0x1;
	_ =	shalt  }
.Lfunc_end2:
_tile_overlayer_lowered:
.L_overlay_start_2:
0x6b: {  	(tag) =	ssettag $0x2  }
0x6c: {  	s0 =	rddreg [dreg:$0x0];
	s2 =	stileid.u32  }
0x6d: {  	s1 =	rddreg [dreg:$0x1];
	p0 =	sne.s32 s2, $0x0  }
0x6e: {  	s3 =	rddreg [dreg:$0x2];
	[bflag:$0x3] =	sbarrier.arrive $0xFFFF;
	s2 =	simm.s32 @!p0 $0x1C03  }
0x6f: {  	[timem:s3], [sflag:s2] =	dma.local @!p0 [hbm:s0], s1  }
0x70: {  	s0 =	simm.s32 @!p0 $0x3  }
0x71: {  	_ =	swait.ge @!p0 [sflag:s0], s1  }
0x72: {  	s1 =	ssub.s32 @!p0 $0x0, s1;
	[sflag:s0] =	ssyncset.done @!p0 $0x0  }
0x73: {  	[sflag:s0] =	ssyncadd.s32 @!p0 s1  }
0x74: {  	[bflag:$0x3] =	sbarrier.arrive $0xFFFF  }
0x75: {  	_ =	shalt  }

// kernel: kernel.21.cloned.1.call-start
scs
__scs_entry_jumppad:
0x0: {  	(pc) =	sbr.rel $0x88, $3  }
0x1: {  	(tag) =	ssettag $0x0;
	lr =	simm.s32 $0x1  }
0x2: {  	[smem:$0x3F94] =	sst lr;
	_ =	strace $0xD0000000  }
0x3: {  	_ = 	snop  }
0x4: {  	_ = 	snop  }
0x5: {  	_ = 	snop  }
0x6: {  	_ = 	snop  }
0x7: {  	_ = 	snop  }
__scs_overlays_trampoline_lowered:
0x8: {  	[smem:$0x3FA3] =	sst s0  }
0x9: {  	[smem:$0x3FA4] =	sst s1  }
0xa: {  	[smem:$0x3FA5] =	sst s2  }
0xb: {  	[smem:$0x3FA6] =	sst s3  }
0xc: {  	[smem:$0x3FA7] =	sst s4  }
0xd: {  	[smem:$0x3FA8] =	sst s5  }
0xe: {  	[smem:$0x3FA9] =	sst s6  }
0xf: {  	[smem:$0x3FAA] =	sst s7  }
0x10: {  	[smem:$0x3FAB] =	sst s8  }
0x11: {  	[smem:$0x3FAC] =	sst s9;
	s0 =	simm.s32 @!p0 $0x0  }
0x12: {  	s1 =	sld [smem:$0x3F92];
	s0 =	simm.s32 @p0 $0x1  }
0x13: {  	[smem:$0x3FAD] =	sst s0;
	s0 =	simm.s32 @!p1 $0x0  }
0x14: {  	s2 =	sld [smem:$0x3F91];
	s0 =	simm.s32 @p1 $0x1  }
0x15: {  	[smem:$0x3FAE] =	sst s0;
	s0 =	simm.s32 @!p2 $0x0  }
0x16: {  	s3 =	sld [smem:$0x3FDB];
	s0 =	simm.s32 @p2 $0x1  }
0x17: {  	s4 =	simm.s32 $0x1BF5;
	[smem:$0x3FB0] =	sst s0  }
0x18: {  	s0 =	sld [smem:$0x3F93];
	_ =	swait.ge [sflag:s4], $0x0  }
0x19: {  	s7 =	sld [smem:$0x3F94]  }
0x1a: {  	s8 =	sadd.s32 $0xFFFFE003, lr  }
0x1b: {  	s9 =	sadd.s32 $0xFFFFFEF7, lr;
	s5 =	simm.s32 $0xFFFFFFFF;
	p2 =	slt.u32 s8, $0xFFFFF086  }
0x1c: {  	p1 =	slt.u32 s9, $0xF7A;
	s5 =	simm.s32 @!p2 $0x0  }
0x1d: {  	s5 =	simm.s32 @p1 $0x1;
	p0 =	seq.s32 s7, s2  }
0x1e: {  	s7 =	smul.u32 @!p0 $0xF7A, s2;
	p2 =	seq.s32 @!p0 s5, $0x0  }
0x1f: {  	s9 =	smul.u32 $0xF7A, s1;
	s8 =	simm.s32 @!p0 $0x1BF5;
	p2 =	por !p2, p0  }
0x20: {  	[sflag:s8] =	ssyncset.s32 @!p0 $0xFFFFF086;
	s6 =	sadd.s32 @!p0 s3, s7;
	s7 =	simm.s32 @!p0 $0x108  }
0x21: {  	s3 =	sadd.s32 s3, s9;
	s6 =	sadd.s32 @!p0 $0x88, s6;
	s7 =	simm.s32 @p2 $0x1082  }
0x22: {  	[simem:s7], [sflag:s8] =	dma.local @!p0 [hbm:s6], $0xF7A  }
0x23: {  	s9 =	sor.u32 $0xD0000000, s2;
	s6 =	simm.s32 $0x108;
	_ =	swait.ge @!p0 [sflag:s8], $0x0  }
0x24: {  	s3 =	sadd.s32 $0x88, s3;
	s6 =	simm.s32 @!p1 $0x1082;
	[sflag:s4] =	ssyncset.s32 $0xFFFFF086  }
0x25: {  	[simem:s6], [sflag:s4] =	dma.local [hbm:s3], $0xF7A  }
0x26: {  	[smem:$0x3F94] =	sst s1;
	(tag) =	ssettag s2;
	_ =	strace s9  }
0x27: {  	s1 =	sld [smem:$0x3FA4]  }
0x28: {  	s2 =	sld [smem:$0x3FA5]  }
0x29: {  	s4 =	sld [smem:$0x3FA7]  }
0x2a: {  	p0 =	seq.s32 s5, $0x0;
	s5 =	sld [smem:$0x3FA8]  }
0x2b: {  	s6 =	sld [smem:$0x3FA9]  }
0x2c: {  	s7 =	sld [smem:$0x3FAA]  }
0x2d: {  	s3 =	simm.s32 $0x108;
	s8 =	sld [smem:$0x3FAB]  }
0x2e: {  	s3 =	simm.s32 @!p0 $0x1082;
	s9 =	sld [smem:$0x3FAC]  }
0x2f: {  	lr =	sadd.s32 s0, s3;
	s0 =	sld [smem:$0x3FA3]  }
0x30: {  	s3 =	sld [smem:$0x3FA6]  }
0x31: {  	[smem:$0x3FAF] =	sst s10  }
0x32: {  	s10 =	sld [smem:$0x3FAD];
	_ =	sdelay $0x3  }
0x33: {  	p0 =	seq.s32 s10, $0x1;
	s10 =	sld [smem:$0x3FAF];
	_ =	sdelay $0x3  }
0x34: {  	[smem:$0x3FAF] =	sst s10  }
0x35: {  	s10 =	sld [smem:$0x3FAE];
	_ =	sdelay $0x3  }
0x36: {  	p1 =	seq.s32 s10, $0x1;
	s10 =	sld [smem:$0x3FAF];
	_ =	sdelay $0x3  }
0x37: {  	[smem:$0x3FAF] =	sst s10  }
0x38: {  	s10 =	sld [smem:$0x3FB0]  }
0x39: {  	_ = 	snop;
	(pc) =	sbr.ind lr, $3  }
0x3a: {  	_ = 	snop  }
0x3b: {  	_ = 	snop  }
0x3c: {  	p2 =	seq.s32 s10, $0x1;
	s10 =	sld [smem:$0x3FAF]  }
0x3d: {  	_ =	shalt  }
0x3e: {  	_ =	shalt  }
0x3f: {  	_ =	shalt  }
0x40: {  	_ =	shalt  }
0x41: {  	_ =	shalt  }
0x42: {  	_ =	shalt  }
0x43: {  	_ =	shalt  }
0x44: {  	_ =	shalt  }
0x45: {  	_ =	shalt  }
0x46: {  	_ =	shalt  }
0x47: {  	_ =	shalt  }
0x48: {  	_ =	shalt  }
0x49: {  	_ =	shalt  }
0x4a: {  	_ =	shalt  }
0x4b: {  	_ =	shalt  }
0x4c: {  	_ =	shalt  }
0x4d: {  	_ =	shalt  }
0x4e: {  	_ =	shalt  }
0x4f: {  	_ =	shalt  }
0x50: {  	_ =	shalt  }
0x51: {  	_ =	shalt  }
0x52: {  	_ =	shalt  }
0x53: {  	_ =	shalt  }
0x54: {  	_ =	shalt  }
0x55: {  	_ =	shalt  }
0x56: {  	_ =	shalt  }
0x57: {  	_ =	shalt  }
0x58: {  	_ =	shalt  }
0x59: {  	_ =	shalt  }
0x5a: {  	_ =	shalt  }
0x5b: {  	_ =	shalt  }
0x5c: {  	_ =	shalt  }
0x5d: {  	_ =	shalt  }
0x5e: {  	_ =	shalt  }
0x5f: {  	_ =	shalt  }
0x60: {  	_ =	shalt  }
0x61: {  	_ =	shalt  }
0x62: {  	_ =	shalt  }
0x63: {  	_ =	shalt  }
0x64: {  	_ =	shalt  }
0x65: {  	_ =	shalt  }
0x66: {  	_ =	shalt  }
0x67: {  	_ =	shalt  }
0x68: {  	_ =	shalt  }
0x69: {  	_ =	shalt  }
0x6a: {  	_ =	shalt  }
0x6b: {  	_ =	shalt  }
0x6c: {  	_ =	shalt  }
0x6d: {  	_ =	shalt  }
0x6e: {  	_ =	shalt  }
0x6f: {  	_ =	shalt  }
0x70: {  	_ =	shalt  }
0x71: {  	_ =	shalt  }
0x72: {  	_ =	shalt  }
0x73: {  	_ =	shalt  }
0x74: {  	_ =	shalt  }
0x75: {  	_ =	shalt  }
0x76: {  	_ =	shalt  }
0x77: {  	_ =	shalt  }
0x78: {  	_ =	shalt  }
0x79: {  	_ =	shalt  }
0x7a: {  	_ =	shalt  }
0x7b: {  	_ =	shalt  }
0x7c: {  	_ =	shalt  }
0x7d: {  	_ =	shalt  }
0x7e: {  	_ =	shalt  }
0x7f: {  	_ =	shalt  }
0x80: {  	_ =	shalt  }
0x81: {  	_ =	shalt  }
0x82: {  	_ =	shalt  }
0x83: {  	_ =	shalt  }
0x84: {  	_ =	shalt  }
0x85: {  	_ =	shalt  }
0x86: {  	_ =	shalt  }
0x87: {  	_ =	shalt  }
.Lfunc_end0:
.L_simem_size_0:
called_computation.2_lowered:
.L_overlay_start_0:
0x88: {  	s2 =	sld [smem:$0x3FD9]  }
0x89: {  	s3 =	sld [smem:$0x3FFE];
	_ =	sdelay $0x1  }
0x8a: {  	s1 =	srdreg.scid  }
0x8b: {  	s0 =	sand.u32 $0x1, s1  }
0x8c: {  	s16 =	sshll.u32 s0, $0xA;
	s2 =	sadd.s32 s3, s2  }
0x8d: {  	s2 =	sadd.s32 s2, s16  }
0x8e: {  	[smem:$0x3FBB] =	sst s2  }
0x8f: {  	_ = 	snop  }
0x90: {  	(tm) =	ssettm $0x1  }
0x91: {  	s17 =	sld [smem:$0x3FFB];
	_ =	sdelay $0x3  }
0x92: {  	_ =	strace s17  }
0x93: {  	s2 =	sld [smem:$0x3FFC];
	_ =	sdelay $0x3  }
0x94: {  	_ =	strace s2  }
0x95: {  	s2 =	sld [smem:$0x3FFD];
	_ =	sdelay $0x3  }
0x96: {  	_ =	strace s2  }
0x97: {  	_ =	strace $0x8FFFFFFF  }
0x98: {  	s18 =	sld [smem:$0x3FDB];
	_ =	sdelay $0x1  }
0x99: {  	s19 =	simm.s32 $_scs_section_size  }
0x9a: {  	s4 =	simm.s32 $_size__tile_overlayer_lowered;
	s5 =	simm.s32 $_tile_overlayer_lowered  }
0x9b: {  	s22 =	simm.s32 $0x1BFF;
	s21 =	sshll.u32 s5, $0x1;
	s2 =	sadd.s32 s19, s18  }
0x9c: {  	s6 =	simm.s32 $0x0;
	s20 =	sshll.u32 s4, $0x1;
	s4 =	sadd.s32 s21, s2  }
0x9d: {  	[timem:s6], [sflag:s22] =	dma.local [hbm:s4], s20  }
0x9e: {  	_ =	swait.ge [sflag:s22], s20  }
0x9f: {  	s3 =	ssub.s32 $0x0, s20;
	[sflag:s22] =	ssyncset.done $0x0  }
0xa0: {  	[sflag:s22] =	ssyncadd.s32 s3;
	_ =	sdelay $0x1  }
0xa1: {  	s23 =	simm.s32 $0x1B8B  }
0xa2: {  	_ =	swait.ge [sflag:s23], $0x1  }
0xa3: {  	[sflag:s23] =	ssyncset.done $0x0  }
0xa4: {  	s25 =	simm.s32 $0x1B8E;
	s24 =	sld [smem:$0x3FFE];
	[sflag:s23] =	ssyncadd.s32 $0xFFFFFFFF  }
0xa5: {  	s26 =	simm.s32 $execute0_lowered;
	[smem:$0x3FD2] =	sst s25  }
0xa6: {  	s4 =	sshll.u32 s26, $0x1;
	_ =	strace $0x8000004C;
	[dreg:$0x1] =	wrdreg $0xFFFFFFFF  }
0xa7: {  	s28 =	simm.s32 $_size_execute0_lowered;
	s2 =	sadd.s32 s2, s4;
	[dreg:$0x0] =	wrdreg $0x0  }
0xa8: {  	s4 =	sshll.u32 s28, $0x1;
	[dreg:$0x2] =	wrdreg s2  }
0xa9: {  	[dreg:$0x3] =	wrdreg s4  }
0xaa: {  	[dreg:$0x4] =	wrdreg $0xC0  }
0xab: {  	_ =	task [dreg:s6], $0x5FFFF  }
0xac: {  	[dreg:$0x1] =	wrdreg $0xFFFFFFFF  }
0xad: {  	[dreg:$0x0] =	wrdreg $0x60  }
0xae: {  	[dreg:$0x2] =	wrdreg s24  }
0xaf: {  	[dreg:$0x3] =	wrdreg $0x80000  }
0xb0: {  	[dreg:$0x4] =	wrdreg $0x9  }
0xb1: {  	_ =	task.clear_ibuf [dreg:s6], $0x5FFFF;
	_ =	strace $0x9000004C  }
0xb2: {  	s29 =	simm.s32 $0x9;
	_ =	strace $0x8000004E  }
0xb3: {  	_ =	swait.ge [sflag:s29], $0x1  }
0xb4: {  	[sflag:s29] =	ssyncadd.s32 $0xFFFFFFFF  }
0xb5: {  	_ =	strace $0x9000004E  }
0xb6: {  	_ =	sfence  }
0xb7: {  	s30 =	sld [smem:$0x0];
	_ =	sdelay $0x2  }
0xb8: {  	s31 =	sshll.u32 s1, $0xD;
	s1 =	sshrl.u32 s1, $0x2  }
0xb9: {  	s3 =	sand.u32 $0x4000, s31;
	s1 =	sadd.s32 s1, s30  }
0xba: {  	s0 =	sor.u32 s3, s0;
	s1 =	sshll.u32 s1, $0x11  }
0xbb: {  	s0 =	sor.u32 s1, s0  }
0xbc: {  	s0 =	sadd.s32 $0x8F2B, s0  }
0xbd: {  	[sflag:s0] =	ssyncadd.remote.s32 $0x1  }
0xbe: {  	_ =	sfence.sel $0xFFFF  }
0xbf: {  	[dreg:$0x0] =	wrdreg $0xFFFFFFFF;
	(pc) =	sbr.abs _section_cstart, $3  }
0xc0: {  	[dreg:$0x1] =	wrdreg $0xFFFFFFFF  }
0xc1: {  	_ =	task.clear_ibuf [dreg:s6], $0x2FFFF;
	_ =	strace $0x9FFFFFFF  }
0xc2: {  	(tm) =	ssettm $0x7FFFFFFF  }
0xc3: {  	_ =	shalt  }
tec
execute0_lowered:
.L_overlay_start_1:
0x0: {  	(tag) =	ssettag $0x1  }
0x1: {  	s6 =	rddreg [dreg:$0x0]  }
0x2: {  	s2 =	rddreg [dreg:$0x1];
	s3 =	srdreg.scid  }
0x3: {  	s0 =	rddreg [dreg:$0x2];
	s1 =	stileid.u32  }
0x4: {  	s14 =	simm.s32 $0x80;
	s15 =	simm.s32 $0x6000;
	s16 =	simm.s32 $0x1  }
0x5: {  	s17 =	simm.s32 $0x7000;
	s18 =	simm.s32 $0x2;
	s19 =	simm.s32 $0x0  }
0x6: {  	s7 =	sand.u32 $0x1, s3;
	s3 =	simm.s32 $0x0;
	s9 =	smul.u32 $0x5000, s1  }
0x7: {  	s31 =	sshll.u32 s1, $0x6;
	s4 =	sshll.u32 s7, $0x4;
	[smem:$0x7FF] =	sst s3  }
0x8: {  	s5 =	smul.u32 $0x50000, s7;
	s10 =	ssub.s32 $0x2, s7;
	p0 =	seq.s32 s7, $0x0  }
0x9: {  	s7 =	simm.s32 $0x20;
	s4 =	sor.u32 s1, s4;
	_ =	strace $0x8000004D  }
0xa: {  	s12 =	sshrl.u32 s10, $0x1;
	s13 =	sadd.s32 s9, s2;
	s7 =	simm.s32 @!p0 $0x2F  }
0xb: {  	s8 =	smul.u32 $0x600, s4;
	s4 =	sadd.s32 $0x70A00, s6;
	s5 =	sadd.s32 s9, s5  }
0xc: {  	s10 =	ssub.s32 s10, s12;
	s12 =	sor.u32 $0x1C03, s31;
	s13 =	sshrl.u32 s13, $0x3  }
0xd: {  	s11 =	sshrl.u32 s5, $0x3;
	s5 =	sadd.s32 $0xFA00, s6;
	s8 =	sadd.s32 s8, s6  }
0xe: {  	s10 =	smax.u32 s10, $0x1;
	s11 =	sadd.s32 s11, s6;
	s6 =	sadd.s32 $0x14A00, s8  }
0xf: {  	s8 =	sadd.s32 $0x3600, s8;
	s9 =	sadd.s32 $0x7AA00, s11;
	s11 =	simm.s32 $0x3  }
.LBB2_1:
0x10: {  	[tilespmem:s3], [sflag:$0x3] =	stream.linear.gather [hbm4b:s6+s3], $0x3000, $0x38;
	[tilespmem:$0xD000] =	vst v63  }
0x11: {  	_ =	swait.ge [sflag:s11], $0x3000  }
0x12: {  	[sflag:s11] =	ssyncset.done $0x0  }
0x13: {  	s20 =	simm.s32 $0x3000;
	[sflag:s11] =	ssyncadd.s32 $0xFFFFD000  }
0x14: {  	[tilespmem:s20], [sflag:$0x3] =	stream.linear.gather [hbm4b:s8+s3], $0x3000, $0x38;
	[tilespmem:$0xD000] =	vst v63  }
0x15: {  	_ =	swait.ge [sflag:s11], $0x3000  }
0x16: {  	[sflag:s11] =	ssyncset.done $0x0  }
0x17: {  	[sflag:s11] =	ssyncadd.s32 $0xFFFFD000  }
0x18: {  	[spmem:s13], [sflag:s12] =	dma.local [hbm:s5], $0xA00  }
0x19: {  	_ =	swait.ge [sflag:s11], $0xA00  }
0x1a: {  	[sflag:s11] =	ssyncset.done $0x0  }
0x1b: {  	p1 =	sne.s32 s7, $0x1;
	[sflag:s11] =	ssyncadd.s32 $0xFFFFF600  }
.Ltmp0:
0x1c: {  	[bflag:$0x0] =	sbarrier.arrive $0xFFFF;
	(pc) =	sbr.rel @!p1 .LBB2_2-.Ltmp0, $4  }
0x1d: {  	[tilespmem:s15], [sflag:$0x1] =	stream.indirect.gather [hbm4b:s4+s14], $0x20, s3, s14, $0xb8;
	[tilespmem:$0xD000] =	vst v63  }
0x1e: {  	_ =	swait.ge [sflag:s16], $0x1000  }
0x1f: {  	s21 =	simm.s32 $0x100;
	[sflag:s16] =	ssyncset.done $0x0  }
0x20: {  	s22 =	sadd.s32 $0xFFFFFFFF, s7;
	p0 =	por $0x0, $0x0;
	[sflag:s16] =	ssyncadd.s32 $0xFFFFF000  }
0x21: {  	s23 =	simm.s32 $0x80  }
0x22: {  	[tilespmem:s17], [sflag:$0x2] =	stream.indirect.gather [hbm4b:s4+s14], $0x20, s23, s14, $0xb8;
	[tilespmem:$0xD000] =	vst v63  }
0x23: {  	_ = 	snop  }
0x24: {  	[spmem:s2] =	stream.indirect.scatter.add.f32 [tilespmem:s15], [sflag:$0x3], $0x20, s20, s14, $0xb8;
	[tilespmem:$0xD000] =	vst v63  }
0x25: {  	_ =	swait.ge [sflag:s11], $0x1000  }
0x26: {  	[sflag:s11] =	ssyncset.done $0x0  }
0x27: {  	[sflag:s11] =	ssyncadd.s32 $0xFFFFF000  }
0x28: {  	_ =	swait.ge [sflag:s18], $0x1000  }
0x29: {  	[sflag:s18] =	ssyncset.done $0x0  }
0x2a: {  	[sflag:s18] =	ssyncadd.s32 $0xFFFFF000  }
0x2b: {  	[tilespmem:s15], [sflag:$0x1] =	stream.indirect.gather [hbm4b:s4+s14], $0x20, s21, s14, $0xb8;
	[tilespmem:$0xD000] =	vst v63  }
0x2c: {  	s31 =	simm.s32 $0x3080;
	p1 =	sne.s32 s22, $0x1  }
0x2d: {  	[spmem:s2] =	stream.indirect.scatter.add.f32 [tilespmem:s17], [sflag:$0x3], $0x20, s31, s14, $0xb8;
	[tilespmem:$0xD000] =	vst v63  }
.Ltmp1:
0x2e: {  	_ =	swait.ge [sflag:s11], $0x1000;
	(pc) =	sbr.rel @!p1 .LBB2_4-.Ltmp1, $4  }
0x2f: {  	[sflag:s11] =	ssyncset.done $0x0  }
0x30: {  	[sflag:s11] =	ssyncadd.s32 $0xFFFFF000  }
0x31: {  	p0 =	por $0x1, $0x1;
	s23 =	sadd.s32 $0xFFFFFFFF, s22;
	_ =	swait.ge [sflag:s16], $0x1000  }
0x32: {  	s22 =	simm.s32 $0x3000;
	s21 =	simm.s32 $0x200;
	[sflag:s16] =	ssyncset.done $0x0  }
.LBB2_5:
0x33: {  	s24 =	sadd.s32 $0xFFFFFF80, s21;
	[sflag:s16] =	ssyncadd.s32 $0xFFFFF000;
	s22 =	sadd.s32 $0x100, s22  }
0x34: {  	[tilespmem:s17], [sflag:$0x2] =	stream.indirect.gather [hbm4b:s4+s14], $0x20, s24, s14, $0xb8;
	[tilespmem:$0xD000] =	vst v63  }
0x35: {  	p1 =	sne.s32 s23, $0x1;
	s23 =	sadd.s32 $0xFFFFFFFF, s23  }
0x36: {  	[spmem:s2] =	stream.indirect.scatter.add.f32 [tilespmem:s15], [sflag:$0x3], $0x20, s22, s14, $0xb8;
	[tilespmem:$0xD000] =	vst v63  }
0x37: {  	_ =	swait.ge [sflag:s11], $0x1000  }
0x38: {  	[sflag:s11] =	ssyncset.done $0x0  }
0x39: {  	[sflag:s11] =	ssyncadd.s32 $0xFFFFF000  }
0x3a: {  	_ =	swait.ge [sflag:s18], $0x1000  }
0x3b: {  	[sflag:s18] =	ssyncset.done $0x0  }
0x3c: {  	[sflag:s18] =	ssyncadd.s32 $0xFFFFF000  }
0x3d: {  	[tilespmem:s15], [sflag:$0x1] =	stream.indirect.gather [hbm4b:s4+s14], $0x20, s21, s14, $0xb8;
	[tilespmem:$0xD000] =	vst v63  }
0x3e: {  	s24 =	sadd.s32 $0x80, s22  }
0x3f: {  	[spmem:s2] =	stream.indirect.scatter.add.f32 [tilespmem:s17], [sflag:$0x3], $0x20, s24, s14, $0xb8;
	[tilespmem:$0xD000] =	vst v63  }
.Ltmp2:
0x40: {  	_ =	swait.ge [sflag:s11], $0x1000;
	(pc) =	sbr.rel @p1 .LBB2_5-.Ltmp2, $4  }
0x41: {  	[sflag:s11] =	ssyncset.done $0x0  }
0x42: {  	[sflag:s11] =	ssyncadd.s32 $0xFFFFF000  }
0x43: {  	_ =	swait.ge [sflag:s16], $0x1000  }
0x44: {  	s21 =	sadd.s32 $0x100, s21;
	[sflag:s16] =	ssyncset.done $0x0  }
.LBB2_6:
0x45: {  	s23 =	sadd.s32 $0xFFFFFF80, s21;
	[sflag:s16] =	ssyncadd.s32 @p0 $0xFFFFF000;
	s22 =	sadd.s32 @p0 $0x100, s22  }
0x46: {  	[tilespmem:s17], [sflag:$0x2] =	stream.indirect.gather [hbm4b:s4+s14], $0x20, s23, s14, $0xb8;
	[tilespmem:$0xD000] =	vst v63  }
0x47: {  	s20 =	smov.u32 @p0 s22  }
0x48: {  	[spmem:s2] =	stream.indirect.scatter.add.f32 [tilespmem:s15], [sflag:$0x3], $0x20, s20, s14, $0xb8;
	[tilespmem:$0xD000] =	vst v63  }
0x49: {  	_ =	swait.ge [sflag:s11], $0x1000  }
0x4a: {  	[sflag:s11] =	ssyncset.done $0x0  }
0x4b: {  	[sflag:s11] =	ssyncadd.s32 $0xFFFFF000  }
0x4c: {  	_ =	swait.ge [sflag:s18], $0x1000  }
0x4d: {  	[sflag:s18] =	ssyncset.done $0x0  }
0x4e: {  	[sflag:s18] =	ssyncadd.s32 $0xFFFFF000  }
0x4f: {  	[tilespmem:s15], [sflag:$0x1] =	stream.indirect.gather [hbm4b:s4+s14], $0x20, s21, s14, $0xb8;
	[tilespmem:$0xD000] =	vst v63  }
0x50: {  	s20 =	sadd.s32 $0x80, s20  }
0x51: {  	[spmem:s2] =	stream.indirect.scatter.add.f32 [tilespmem:s17], [sflag:$0x3], $0x20, s20, s14, $0xb8;
	[tilespmem:$0xD000] =	vst v63  }
0x52: {  	_ =	swait.ge [sflag:s11], $0x1000  }
0x53: {  	[sflag:s11] =	ssyncset.done $0x0  }
0x54: {  	[sflag:s11] =	ssyncadd.s32 $0xFFFFF000  }
0x55: {  	_ =	swait.ge [sflag:s16], $0x1000  }
0x56: {  	[sflag:s16] =	ssyncset.done $0x0  }
0x57: {  	s19 =	sadd.s32 $0x1, s19;
	[sflag:s16] =	ssyncadd.s32 $0xFFFFF000  }
0x58: {  	p0 =	sne.s32 s19, s10;
	[bflag:$0x0] =	sbarrier.arrive $0xFFFF  }
0x59: {  	[hbm:s9], [sflag:s12] =	dma.local [spmem:s13], $0xA00  }
.Ltmp3:
0x5a: {  	_ = 	snop;
	(pc) =	sbr.rel @p0 .LBB2_1-.Ltmp3, $4  }
.Ltmp4:
0x5b: {  	_ = 	snop;
	(pc) =	sbr.rel @!p0 .LBB2_7-.Ltmp4, $4  }
0x5c: {  	_ =	swait.ge [sflag:s11], $0xA00  }
0x5d: {  	[sflag:s11] =	ssyncset.done $0x0  }
0x5e: {  	[sflag:s11] =	ssyncadd.s32 $0xFFFFF600  }
0x5f: {  	_ = 	snop  }
.LBB2_2:
.Ltmp5:
0x60: {  	(pc) =	sbr.rel .LBB2_6-.Ltmp5, $2  }
0x61: {  	_ =	sdelay $0x2  }
0x62: {  	s22 =	simm.s32 $0x3000  }
.LBB2_4:
.Ltmp6:
0x63: {  	(pc) =	sbr.rel .LBB2_6-.Ltmp6, $2  }
0x64: {  	_ =	sdelay $0x2  }
0x65: {  	s22 =	simm.s32 $0x3000  }
.LBB2_7:
0x66: {  	_ =	sfence.sel $0x180000  }
0x67: {  	[bflag:$0x0] =	sbarrier.arrive $0xFFFF  }
0x68: {  	p0 =	sne.s32 s1, $0x0;
	_ =	strace $0x9000004D  }
0x69: {  	s0 =	sadd.s32 @!p0 $0x100000, s0;
	[bflag:$0x2] =	sbarrier.arrive $0xFFFF  }
0x6a: {  	[sflag:s0] =	ssyncadd.tile.s32 @!p0 $0x1;
	_ =	shalt  }
.Lfunc_end2:
_tile_overlayer_lowered:
.L_overlay_start_2:
0x6b: {  	(tag) =	ssettag $0x2  }
0x6c: {  	s0 =	rddreg [dreg:$0x0];
	s2 =	stileid.u32  }
0x6d: {  	s1 =	rddreg [dreg:$0x1];
	p0 =	sne.s32 s2, $0x0  }
0x6e: {  	s3 =	rddreg [dreg:$0x2];
	[bflag:$0x3] =	sbarrier.arrive $0xFFFF;
	s2 =	simm.s32 @!p0 $0x1C03  }
0x6f: {  	[timem:s3], [sflag:s2] =	dma.local @!p0 [hbm:s0], s1  }
0x70: {  	s0 =	simm.s32 @!p0 $0x3  }
0x71: {  	_ =	swait.ge @!p0 [sflag:s0], s1  }
0x72: {  	s1 =	ssub.s32 @!p0 $0x0, s1;
	[sflag:s0] =	ssyncset.done @!p0 $0x0  }
0x73: {  	[sflag:s0] =	ssyncadd.s32 @!p0 s1  }
0x74: {  	[bflag:$0x3] =	sbarrier.arrive $0xFFFF  }
0x75: {  	_ =	shalt  }

// kernel: kernel.24.cloned.1.call-start
scs
__scs_entry_jumppad:
0x0: {  	(pc) =	sbr.rel $0x88, $3  }
0x1: {  	(tag) =	ssettag $0x0;
	lr =	simm.s32 $0x1  }
0x2: {  	[smem:$0x3F94] =	sst lr;
	_ =	strace $0xD0000000  }
0x3: {  	_ = 	snop  }
0x4: {  	_ = 	snop  }
0x5: {  	_ = 	snop  }
0x6: {  	_ = 	snop  }
0x7: {  	_ = 	snop  }
__scs_overlays_trampoline_lowered:
0x8: {  	[smem:$0x3FA3] =	sst s0  }
0x9: {  	[smem:$0x3FA4] =	sst s1  }
0xa: {  	[smem:$0x3FA5] =	sst s2  }
0xb: {  	[smem:$0x3FA6] =	sst s3  }
0xc: {  	[smem:$0x3FA7] =	sst s4  }
0xd: {  	[smem:$0x3FA8] =	sst s5  }
0xe: {  	[smem:$0x3FA9] =	sst s6  }
0xf: {  	[smem:$0x3FAA] =	sst s7  }
0x10: {  	[smem:$0x3FAB] =	sst s8  }
0x11: {  	[smem:$0x3FAC] =	sst s9;
	s0 =	simm.s32 @!p0 $0x0  }
0x12: {  	s1 =	sld [smem:$0x3F92];
	s0 =	simm.s32 @p0 $0x1  }
0x13: {  	[smem:$0x3FAD] =	sst s0;
	s0 =	simm.s32 @!p1 $0x0  }
0x14: {  	s2 =	sld [smem:$0x3F91];
	s0 =	simm.s32 @p1 $0x1  }
0x15: {  	[smem:$0x3FAE] =	sst s0;
	s0 =	simm.s32 @!p2 $0x0  }
0x16: {  	s3 =	sld [smem:$0x3FDB];
	s0 =	simm.s32 @p2 $0x1  }
0x17: {  	s4 =	simm.s32 $0x1BF5;
	[smem:$0x3FB0] =	sst s0  }
0x18: {  	s0 =	sld [smem:$0x3F93];
	_ =	swait.ge [sflag:s4], $0x0  }
0x19: {  	s7 =	sld [smem:$0x3F94]  }
0x1a: {  	s8 =	sadd.s32 $0xFFFFE003, lr  }
0x1b: {  	s9 =	sadd.s32 $0xFFFFFEF7, lr;
	s5 =	simm.s32 $0xFFFFFFFF;
	p2 =	slt.u32 s8, $0xFFFFF086  }
0x1c: {  	p1 =	slt.u32 s9, $0xF7A;
	s5 =	simm.s32 @!p2 $0x0  }
0x1d: {  	s5 =	simm.s32 @p1 $0x1;
	p0 =	seq.s32 s7, s2  }
0x1e: {  	s7 =	smul.u32 @!p0 $0xF7A, s2;
	p2 =	seq.s32 @!p0 s5, $0x0  }
0x1f: {  	s9 =	smul.u32 $0xF7A, s1;
	s8 =	simm.s32 @!p0 $0x1BF5;
	p2 =	por !p2, p0  }
0x20: {  	[sflag:s8] =	ssyncset.s32 @!p0 $0xFFFFF086;
	s6 =	sadd.s32 @!p0 s3, s7;
	s7 =	simm.s32 @!p0 $0x108  }
0x21: {  	s3 =	sadd.s32 s3, s9;
	s6 =	sadd.s32 @!p0 $0x88, s6;
	s7 =	simm.s32 @p2 $0x1082  }
0x22: {  	[simem:s7], [sflag:s8] =	dma.local @!p0 [hbm:s6], $0xF7A  }
0x23: {  	s9 =	sor.u32 $0xD0000000, s2;
	s6 =	simm.s32 $0x108;
	_ =	swait.ge @!p0 [sflag:s8], $0x0  }
0x24: {  	s3 =	sadd.s32 $0x88, s3;
	s6 =	simm.s32 @!p1 $0x1082;
	[sflag:s4] =	ssyncset.s32 $0xFFFFF086  }
0x25: {  	[simem:s6], [sflag:s4] =	dma.local [hbm:s3], $0xF7A  }
0x26: {  	[smem:$0x3F94] =	sst s1;
	(tag) =	ssettag s2;
	_ =	strace s9  }
0x27: {  	s1 =	sld [smem:$0x3FA4]  }
0x28: {  	s2 =	sld [smem:$0x3FA5]  }
0x29: {  	s4 =	sld [smem:$0x3FA7]  }
0x2a: {  	p0 =	seq.s32 s5, $0x0;
	s5 =	sld [smem:$0x3FA8]  }
0x2b: {  	s6 =	sld [smem:$0x3FA9]  }
0x2c: {  	s7 =	sld [smem:$0x3FAA]  }
0x2d: {  	s3 =	simm.s32 $0x108;
	s8 =	sld [smem:$0x3FAB]  }
0x2e: {  	s3 =	simm.s32 @!p0 $0x1082;
	s9 =	sld [smem:$0x3FAC]  }
0x2f: {  	lr =	sadd.s32 s0, s3;
	s0 =	sld [smem:$0x3FA3]  }
0x30: {  	s3 =	sld [smem:$0x3FA6]  }
0x31: {  	[smem:$0x3FAF] =	sst s10  }
0x32: {  	s10 =	sld [smem:$0x3FAD];
	_ =	sdelay $0x3  }
0x33: {  	p0 =	seq.s32 s10, $0x1;
	s10 =	sld [smem:$0x3FAF];
	_ =	sdelay $0x3  }
0x34: {  	[smem:$0x3FAF] =	sst s10  }
0x35: {  	s10 =	sld [smem:$0x3FAE];
	_ =	sdelay $0x3  }
0x36: {  	p1 =	seq.s32 s10, $0x1;
	s10 =	sld [smem:$0x3FAF];
	_ =	sdelay $0x3  }
0x37: {  	[smem:$0x3FAF] =	sst s10  }
0x38: {  	s10 =	sld [smem:$0x3FB0]  }
0x39: {  	_ = 	snop;
	(pc) =	sbr.ind lr, $3  }
0x3a: {  	_ = 	snop  }
0x3b: {  	_ = 	snop  }
0x3c: {  	p2 =	seq.s32 s10, $0x1;
	s10 =	sld [smem:$0x3FAF]  }
0x3d: {  	_ =	shalt  }
0x3e: {  	_ =	shalt  }
0x3f: {  	_ =	shalt  }
0x40: {  	_ =	shalt  }
0x41: {  	_ =	shalt  }
0x42: {  	_ =	shalt  }
0x43: {  	_ =	shalt  }
0x44: {  	_ =	shalt  }
0x45: {  	_ =	shalt  }
0x46: {  	_ =	shalt  }
0x47: {  	_ =	shalt  }
0x48: {  	_ =	shalt  }
0x49: {  	_ =	shalt  }
0x4a: {  	_ =	shalt  }
0x4b: {  	_ =	shalt  }
0x4c: {  	_ =	shalt  }
0x4d: {  	_ =	shalt  }
0x4e: {  	_ =	shalt  }
0x4f: {  	_ =	shalt  }
0x50: {  	_ =	shalt  }
0x51: {  	_ =	shalt  }
0x52: {  	_ =	shalt  }
0x53: {  	_ =	shalt  }
0x54: {  	_ =	shalt  }
0x55: {  	_ =	shalt  }
0x56: {  	_ =	shalt  }
0x57: {  	_ =	shalt  }
0x58: {  	_ =	shalt  }
0x59: {  	_ =	shalt  }
0x5a: {  	_ =	shalt  }
0x5b: {  	_ =	shalt  }
0x5c: {  	_ =	shalt  }
0x5d: {  	_ =	shalt  }
0x5e: {  	_ =	shalt  }
0x5f: {  	_ =	shalt  }
0x60: {  	_ =	shalt  }
0x61: {  	_ =	shalt  }
0x62: {  	_ =	shalt  }
0x63: {  	_ =	shalt  }
0x64: {  	_ =	shalt  }
0x65: {  	_ =	shalt  }
0x66: {  	_ =	shalt  }
0x67: {  	_ =	shalt  }
0x68: {  	_ =	shalt  }
0x69: {  	_ =	shalt  }
0x6a: {  	_ =	shalt  }
0x6b: {  	_ =	shalt  }
0x6c: {  	_ =	shalt  }
0x6d: {  	_ =	shalt  }
0x6e: {  	_ =	shalt  }
0x6f: {  	_ =	shalt  }
0x70: {  	_ =	shalt  }
0x71: {  	_ =	shalt  }
0x72: {  	_ =	shalt  }
0x73: {  	_ =	shalt  }
0x74: {  	_ =	shalt  }
0x75: {  	_ =	shalt  }
0x76: {  	_ =	shalt  }
0x77: {  	_ =	shalt  }
0x78: {  	_ =	shalt  }
0x79: {  	_ =	shalt  }
0x7a: {  	_ =	shalt  }
0x7b: {  	_ =	shalt  }
0x7c: {  	_ =	shalt  }
0x7d: {  	_ =	shalt  }
0x7e: {  	_ =	shalt  }
0x7f: {  	_ =	shalt  }
0x80: {  	_ =	shalt  }
0x81: {  	_ =	shalt  }
0x82: {  	_ =	shalt  }
0x83: {  	_ =	shalt  }
0x84: {  	_ =	shalt  }
0x85: {  	_ =	shalt  }
0x86: {  	_ =	shalt  }
0x87: {  	_ =	shalt  }
.Lfunc_end0:
.L_simem_size_0:
called_computation.3_lowered:
.L_overlay_start_0:
0x88: {  	s2 =	sld [smem:$0x3FD9]  }
0x89: {  	s3 =	sld [smem:$0x3FFE];
	_ =	sdelay $0x1  }
0x8a: {  	s1 =	srdreg.scid  }
0x8b: {  	s0 =	sand.u32 $0x1, s1  }
0x8c: {  	s16 =	sshll.u32 s0, $0xA;
	s2 =	sadd.s32 s3, s2  }
0x8d: {  	s2 =	sadd.s32 s2, s16  }
0x8e: {  	[smem:$0x3FBB] =	sst s2  }
0x8f: {  	_ = 	snop  }
0x90: {  	(tm) =	ssettm $0x1  }
0x91: {  	s17 =	sld [smem:$0x3FFB];
	_ =	sdelay $0x3  }
0x92: {  	_ =	strace s17  }
0x93: {  	s2 =	sld [smem:$0x3FFC];
	_ =	sdelay $0x3  }
0x94: {  	_ =	strace s2  }
0x95: {  	s2 =	sld [smem:$0x3FFD];
	_ =	sdelay $0x3  }
0x96: {  	_ =	strace s2  }
0x97: {  	_ =	strace $0x8FFFFFFF  }
0x98: {  	s18 =	sld [smem:$0x3FDB];
	_ =	sdelay $0x1  }
0x99: {  	s19 =	simm.s32 $_scs_section_size  }
0x9a: {  	s4 =	simm.s32 $_size__tile_overlayer_lowered;
	s5 =	simm.s32 $_tile_overlayer_lowered  }
0x9b: {  	s22 =	simm.s32 $0x1BFF;
	s21 =	sshll.u32 s5, $0x1;
	s2 =	sadd.s32 s19, s18  }
0x9c: {  	s6 =	simm.s32 $0x0;
	s20 =	sshll.u32 s4, $0x1;
	s4 =	sadd.s32 s21, s2  }
0x9d: {  	[timem:s6], [sflag:s22] =	dma.local [hbm:s4], s20  }
0x9e: {  	_ =	swait.ge [sflag:s22], s20  }
0x9f: {  	s3 =	ssub.s32 $0x0, s20;
	[sflag:s22] =	ssyncset.done $0x0  }
0xa0: {  	[sflag:s22] =	ssyncadd.s32 s3;
	_ =	sdelay $0x1  }
0xa1: {  	s23 =	simm.s32 $0x1B8B  }
0xa2: {  	_ =	swait.ge [sflag:s23], $0x1  }
0xa3: {  	[sflag:s23] =	ssyncset.done $0x0  }
0xa4: {  	s25 =	simm.s32 $0x1B8E;
	s24 =	sld [smem:$0x3FFE];
	[sflag:s23] =	ssyncadd.s32 $0xFFFFFFFF  }
0xa5: {  	s26 =	simm.s32 $execute0_lowered;
	[smem:$0x3FD2] =	sst s25  }
0xa6: {  	s4 =	sshll.u32 s26, $0x1;
	_ =	strace $0x8000004F;
	[dreg:$0x1] =	wrdreg $0xFFFFFFFF  }
0xa7: {  	s28 =	simm.s32 $_size_execute0_lowered;
	s2 =	sadd.s32 s2, s4;
	[dreg:$0x0] =	wrdreg $0x0  }
0xa8: {  	s4 =	sshll.u32 s28, $0x1;
	[dreg:$0x2] =	wrdreg s2  }
0xa9: {  	[dreg:$0x3] =	wrdreg s4  }
0xaa: {  	[dreg:$0x4] =	wrdreg $0xC0  }
0xab: {  	_ =	task [dreg:s6], $0x5FFFF  }
0xac: {  	[dreg:$0x1] =	wrdreg $0xFFFFFFFF  }
0xad: {  	[dreg:$0x0] =	wrdreg $0x60  }
0xae: {  	[dreg:$0x2] =	wrdreg s24  }
0xaf: {  	[dreg:$0x3] =	wrdreg $0x70000  }
0xb0: {  	[dreg:$0x4] =	wrdreg $0x9  }
0xb1: {  	_ =	task.clear_ibuf [dreg:s6], $0x5FFFF;
	_ =	strace $0x9000004F  }
0xb2: {  	s29 =	simm.s32 $0x9;
	_ =	strace $0x80000051  }
0xb3: {  	_ =	swait.ge [sflag:s29], $0x1  }
0xb4: {  	[sflag:s29] =	ssyncadd.s32 $0xFFFFFFFF  }
0xb5: {  	_ =	strace $0x90000051  }
0xb6: {  	_ =	sfence  }
0xb7: {  	s30 =	sld [smem:$0x0];
	_ =	sdelay $0x2  }
0xb8: {  	s31 =	sshll.u32 s1, $0xD;
	s1 =	sshrl.u32 s1, $0x2  }
0xb9: {  	s3 =	sand.u32 $0x4000, s31;
	s1 =	sadd.s32 s1, s30  }
0xba: {  	s0 =	sor.u32 s3, s0;
	s1 =	sshll.u32 s1, $0x11  }
0xbb: {  	s0 =	sor.u32 s1, s0  }
0xbc: {  	s0 =	sadd.s32 $0x8F2B, s0  }
0xbd: {  	[sflag:s0] =	ssyncadd.remote.s32 $0x1  }
0xbe: {  	_ =	sfence.sel $0xFFFF  }
0xbf: {  	[dreg:$0x0] =	wrdreg $0xFFFFFFFF;
	(pc) =	sbr.abs _section_cstart, $3  }
0xc0: {  	[dreg:$0x1] =	wrdreg $0xFFFFFFFF  }
0xc1: {  	_ =	task.clear_ibuf [dreg:s6], $0x2FFFF;
	_ =	strace $0x9FFFFFFF  }
0xc2: {  	(tm) =	ssettm $0x7FFFFFFF  }
0xc3: {  	_ =	shalt  }
tec
execute0_lowered:
.L_overlay_start_1:
0x0: {  	(tag) =	ssettag $0x1  }
0x1: {  	s6 =	rddreg [dreg:$0x0]  }
0x2: {  	s2 =	rddreg [dreg:$0x1];
	s3 =	srdreg.scid  }
0x3: {  	s0 =	rddreg [dreg:$0x2];
	s1 =	stileid.u32  }
0x4: {  	s14 =	simm.s32 $0x80;
	s15 =	simm.s32 $0x6000;
	s16 =	simm.s32 $0x1  }
0x5: {  	s17 =	simm.s32 $0x6800;
	s18 =	simm.s32 $0x2;
	s19 =	simm.s32 $0x0  }
0x6: {  	s7 =	sand.u32 $0x1, s3;
	s3 =	simm.s32 $0x0;
	s9 =	smul.u32 $0x2800, s1  }
0x7: {  	s31 =	sshll.u32 s1, $0x6;
	s4 =	sshll.u32 s7, $0x4;
	[smem:$0x7FF] =	sst s3  }
0x8: {  	s5 =	smul.u32 $0x28000, s7;
	s10 =	ssub.s32 $0x2, s7;
	p0 =	seq.s32 s7, $0x0  }
0x9: {  	s7 =	simm.s32 $0x20;
	s4 =	sor.u32 s1, s4;
	_ =	strace $0x80000050  }
0xa: {  	s12 =	sshrl.u32 s10, $0x1;
	s13 =	sadd.s32 s9, s2;
	s7 =	simm.s32 @!p0 $0x2F  }
0xb: {  	s8 =	smul.u32 $0x600, s4;
	s4 =	sadd.s32 $0xFA00, s6;
	s5 =	sadd.s32 s9, s5  }
0xc: {  	s10 =	ssub.s32 s10, s12;
	s12 =	sor.u32 $0x1C03, s31;
	s13 =	sshrl.u32 s13, $0x3  }
0xd: {  	s11 =	sshrl.u32 s5, $0x3;
	s5 =	sadd.s32 $0x70A00, s6;
	s8 =	sadd.s32 s8, s6  }
0xe: {  	s10 =	smax.u32 s10, $0x1;
	s11 =	sadd.s32 s11, s6;
	s6 =	sadd.s32 $0x14A00, s8  }
0xf: {  	s8 =	sadd.s32 $0x3600, s8;
	s9 =	sadd.s32 $0x71000, s11;
	s11 =	simm.s32 $0x3  }
.LBB2_1:
0x10: {  	[tilespmem:s3], [sflag:$0x3] =	stream.linear.gather [hbm4b:s6+s3], $0x3000, $0x38;
	[tilespmem:$0x9800] =	vst v63  }
0x11: {  	_ =	swait.ge [sflag:s11], $0x3000  }
0x12: {  	[sflag:s11] =	ssyncset.done $0x0  }
0x13: {  	s20 =	simm.s32 $0x3000;
	[sflag:s11] =	ssyncadd.s32 $0xFFFFD000  }
0x14: {  	[tilespmem:s20], [sflag:$0x3] =	stream.linear.gather [hbm4b:s8+s3], $0x3000, $0x38;
	[tilespmem:$0x9800] =	vst v63  }
0x15: {  	_ =	swait.ge [sflag:s11], $0x3000  }
0x16: {  	[sflag:s11] =	ssyncset.done $0x0  }
0x17: {  	[sflag:s11] =	ssyncadd.s32 $0xFFFFD000  }
0x18: {  	[spmem:s13], [sflag:s12] =	dma.local [hbm:s5], $0x500  }
0x19: {  	_ =	swait.ge [sflag:s11], $0x500  }
0x1a: {  	[sflag:s11] =	ssyncset.done $0x0  }
0x1b: {  	p1 =	sne.s32 s7, $0x1;
	[sflag:s11] =	ssyncadd.s32 $0xFFFFFB00  }
.Ltmp0:
0x1c: {  	[bflag:$0x0] =	sbarrier.arrive $0xFFFF;
	(pc) =	sbr.rel @!p1 .LBB2_2-.Ltmp0, $4  }
0x1d: {  	[tilespmem:s15], [sflag:$0x1] =	stream.indirect.gather [hbm4b:s4+s14], $0x10, s3, s14, $0xb8;
	[tilespmem:$0x9800] =	vst v63  }
0x1e: {  	_ =	swait.ge [sflag:s16], $0x800  }
0x1f: {  	s21 =	simm.s32 $0x100;
	[sflag:s16] =	ssyncset.done $0x0  }
0x20: {  	s22 =	sadd.s32 $0xFFFFFFFF, s7;
	p0 =	por $0x0, $0x0;
	[sflag:s16] =	ssyncadd.s32 $0xFFFFF800  }
0x21: {  	s23 =	simm.s32 $0x80  }
0x22: {  	[tilespmem:s17], [sflag:$0x2] =	stream.indirect.gather [hbm4b:s4+s14], $0x10, s23, s14, $0xb8;
	[tilespmem:$0x9800] =	vst v63  }
0x23: {  	_ = 	snop  }
0x24: {  	[spmem:s2] =	stream.indirect.scatter.add.f32 [tilespmem:s15], [sflag:$0x3], $0x10, s20, s14, $0xb8;
	[tilespmem:$0x9800] =	vst v63  }
0x25: {  	_ =	swait.ge [sflag:s11], $0x800  }
0x26: {  	[sflag:s11] =	ssyncset.done $0x0  }
0x27: {  	[sflag:s11] =	ssyncadd.s32 $0xFFFFF800  }
0x28: {  	_ =	swait.ge [sflag:s18], $0x800  }
0x29: {  	[sflag:s18] =	ssyncset.done $0x0  }
0x2a: {  	[sflag:s18] =	ssyncadd.s32 $0xFFFFF800  }
0x2b: {  	[tilespmem:s15], [sflag:$0x1] =	stream.indirect.gather [hbm4b:s4+s14], $0x10, s21, s14, $0xb8;
	[tilespmem:$0x9800] =	vst v63  }
0x2c: {  	s31 =	simm.s32 $0x3080;
	p1 =	sne.s32 s22, $0x1  }
0x2d: {  	[spmem:s2] =	stream.indirect.scatter.add.f32 [tilespmem:s17], [sflag:$0x3], $0x10, s31, s14, $0xb8;
	[tilespmem:$0x9800] =	vst v63  }
.Ltmp1:
0x2e: {  	_ =	swait.ge [sflag:s11], $0x800;
	(pc) =	sbr.rel @!p1 .LBB2_4-.Ltmp1, $4  }
0x2f: {  	[sflag:s11] =	ssyncset.done $0x0  }
0x30: {  	[sflag:s11] =	ssyncadd.s32 $0xFFFFF800  }
0x31: {  	p0 =	por $0x1, $0x1;
	s23 =	sadd.s32 $0xFFFFFFFF, s22;
	_ =	swait.ge [sflag:s16], $0x800  }
0x32: {  	s22 =	simm.s32 $0x3000;
	s21 =	simm.s32 $0x200;
	[sflag:s16] =	ssyncset.done $0x0  }
.LBB2_5:
0x33: {  	s24 =	sadd.s32 $0xFFFFFF80, s21;
	[sflag:s16] =	ssyncadd.s32 $0xFFFFF800;
	s22 =	sadd.s32 $0x100, s22  }
0x34: {  	[tilespmem:s17], [sflag:$0x2] =	stream.indirect.gather [hbm4b:s4+s14], $0x10, s24, s14, $0xb8;
	[tilespmem:$0x9800] =	vst v63  }
0x35: {  	p1 =	sne.s32 s23, $0x1;
	s23 =	sadd.s32 $0xFFFFFFFF, s23  }
0x36: {  	[spmem:s2] =	stream.indirect.scatter.add.f32 [tilespmem:s15], [sflag:$0x3], $0x10, s22, s14, $0xb8;
	[tilespmem:$0x9800] =	vst v63  }
0x37: {  	_ =	swait.ge [sflag:s11], $0x800  }
0x38: {  	[sflag:s11] =	ssyncset.done $0x0  }
0x39: {  	[sflag:s11] =	ssyncadd.s32 $0xFFFFF800  }
0x3a: {  	_ =	swait.ge [sflag:s18], $0x800  }
0x3b: {  	[sflag:s18] =	ssyncset.done $0x0  }
0x3c: {  	[sflag:s18] =	ssyncadd.s32 $0xFFFFF800  }
0x3d: {  	[tilespmem:s15], [sflag:$0x1] =	stream.indirect.gather [hbm4b:s4+s14], $0x10, s21, s14, $0xb8;
	[tilespmem:$0x9800] =	vst v63  }
0x3e: {  	s24 =	sadd.s32 $0x80, s22  }
0x3f: {  	[spmem:s2] =	stream.indirect.scatter.add.f32 [tilespmem:s17], [sflag:$0x3], $0x10, s24, s14, $0xb8;
	[tilespmem:$0x9800] =	vst v63  }
.Ltmp2:
0x40: {  	_ =	swait.ge [sflag:s11], $0x800;
	(pc) =	sbr.rel @p1 .LBB2_5-.Ltmp2, $4  }
0x41: {  	[sflag:s11] =	ssyncset.done $0x0  }
0x42: {  	[sflag:s11] =	ssyncadd.s32 $0xFFFFF800  }
0x43: {  	_ =	swait.ge [sflag:s16], $0x800  }
0x44: {  	s21 =	sadd.s32 $0x100, s21;
	[sflag:s16] =	ssyncset.done $0x0  }
.LBB2_6:
0x45: {  	s23 =	sadd.s32 $0xFFFFFF80, s21;
	[sflag:s16] =	ssyncadd.s32 @p0 $0xFFFFF800;
	s22 =	sadd.s32 @p0 $0x100, s22  }
0x46: {  	[tilespmem:s17], [sflag:$0x2] =	stream.indirect.gather [hbm4b:s4+s14], $0x10, s23, s14, $0xb8;
	[tilespmem:$0x9800] =	vst v63  }
0x47: {  	s20 =	smov.u32 @p0 s22  }
0x48: {  	[spmem:s2] =	stream.indirect.scatter.add.f32 [tilespmem:s15], [sflag:$0x3], $0x10, s20, s14, $0xb8;
	[tilespmem:$0x9800] =	vst v63  }
0x49: {  	_ =	swait.ge [sflag:s11], $0x800  }
0x4a: {  	[sflag:s11] =	ssyncset.done $0x0  }
0x4b: {  	[sflag:s11] =	ssyncadd.s32 $0xFFFFF800  }
0x4c: {  	_ =	swait.ge [sflag:s18], $0x800  }
0x4d: {  	[sflag:s18] =	ssyncset.done $0x0  }
0x4e: {  	[sflag:s18] =	ssyncadd.s32 $0xFFFFF800  }
0x4f: {  	[tilespmem:s15], [sflag:$0x1] =	stream.indirect.gather [hbm4b:s4+s14], $0x10, s21, s14, $0xb8;
	[tilespmem:$0x9800] =	vst v63  }
0x50: {  	s20 =	sadd.s32 $0x80, s20  }
0x51: {  	[spmem:s2] =	stream.indirect.scatter.add.f32 [tilespmem:s17], [sflag:$0x3], $0x10, s20, s14, $0xb8;
	[tilespmem:$0x9800] =	vst v63  }
0x52: {  	_ =	swait.ge [sflag:s11], $0x800  }
0x53: {  	[sflag:s11] =	ssyncset.done $0x0  }
0x54: {  	[sflag:s11] =	ssyncadd.s32 $0xFFFFF800  }
0x55: {  	_ =	swait.ge [sflag:s16], $0x800  }
0x56: {  	[sflag:s16] =	ssyncset.done $0x0  }
0x57: {  	s19 =	sadd.s32 $0x1, s19;
	[sflag:s16] =	ssyncadd.s32 $0xFFFFF800  }
0x58: {  	p0 =	sne.s32 s19, s10;
	[bflag:$0x0] =	sbarrier.arrive $0xFFFF  }
0x59: {  	[hbm:s9], [sflag:s12] =	dma.local [spmem:s13], $0x500  }
.Ltmp3:
0x5a: {  	_ = 	snop;
	(pc) =	sbr.rel @p0 .LBB2_1-.Ltmp3, $4  }
.Ltmp4:
0x5b: {  	_ = 	snop;
	(pc) =	sbr.rel @!p0 .LBB2_7-.Ltmp4, $4  }
0x5c: {  	_ =	swait.ge [sflag:s11], $0x500  }
0x5d: {  	[sflag:s11] =	ssyncset.done $0x0  }
0x5e: {  	[sflag:s11] =	ssyncadd.s32 $0xFFFFFB00  }
0x5f: {  	_ = 	snop  }
.LBB2_2:
.Ltmp5:
0x60: {  	(pc) =	sbr.rel .LBB2_6-.Ltmp5, $2  }
0x61: {  	_ =	sdelay $0x2  }
0x62: {  	s22 =	simm.s32 $0x3000  }
.LBB2_4:
.Ltmp6:
0x63: {  	(pc) =	sbr.rel .LBB2_6-.Ltmp6, $2  }
0x64: {  	_ =	sdelay $0x2  }
0x65: {  	s22 =	simm.s32 $0x3000  }
.LBB2_7:
0x66: {  	_ =	sfence.sel $0x180000  }
0x67: {  	[bflag:$0x0] =	sbarrier.arrive $0xFFFF  }
0x68: {  	p0 =	sne.s32 s1, $0x0;
	_ =	strace $0x90000050  }
0x69: {  	s0 =	sadd.s32 @!p0 $0x100000, s0;
	[bflag:$0x2] =	sbarrier.arrive $0xFFFF  }
0x6a: {  	[sflag:s0] =	ssyncadd.tile.s32 @!p0 $0x1;
	_ =	shalt  }
.Lfunc_end2:
_tile_overlayer_lowered:
.L_overlay_start_2:
0x6b: {  	(tag) =	ssettag $0x2  }
0x6c: {  	s0 =	rddreg [dreg:$0x0];
	s2 =	stileid.u32  }
0x6d: {  	s1 =	rddreg [dreg:$0x1];
	p0 =	sne.s32 s2, $0x0  }
0x6e: {  	s3 =	rddreg [dreg:$0x2];
	[bflag:$0x3] =	sbarrier.arrive $0xFFFF;
	s2 =	simm.s32 @!p0 $0x1C03  }
0x6f: {  	[timem:s3], [sflag:s2] =	dma.local @!p0 [hbm:s0], s1  }
0x70: {  	s0 =	simm.s32 @!p0 $0x3  }
0x71: {  	_ =	swait.ge @!p0 [sflag:s0], s1  }
0x72: {  	s1 =	ssub.s32 @!p0 $0x0, s1;
	[sflag:s0] =	ssyncset.done @!p0 $0x0  }
0x73: {  	[sflag:s0] =	ssyncadd.s32 @!p0 s1  }
0x74: {  	[bflag:$0x3] =	sbarrier.arrive $0xFFFF  }
0x75: {  	_ =	shalt  }

// kernel: kernel.27.cloned.1.call-start
scs
__scs_entry_jumppad:
0x0: {  	(pc) =	sbr.rel $0x88, $3  }
0x1: {  	(tag) =	ssettag $0x0;
	lr =	simm.s32 $0x1  }
0x2: {  	[smem:$0x3F94] =	sst lr;
	_ =	strace $0xD0000000  }
0x3: {  	_ = 	snop  }
0x4: {  	_ = 	snop  }
0x5: {  	_ = 	snop  }
0x6: {  	_ = 	snop  }
0x7: {  	_ = 	snop  }
__scs_overlays_trampoline_lowered:
0x8: {  	[smem:$0x3FA3] =	sst s0  }
0x9: {  	[smem:$0x3FA4] =	sst s1  }
0xa: {  	[smem:$0x3FA5] =	sst s2  }
0xb: {  	[smem:$0x3FA6] =	sst s3  }
0xc: {  	[smem:$0x3FA7] =	sst s4  }
0xd: {  	[smem:$0x3FA8] =	sst s5  }
0xe: {  	[smem:$0x3FA9] =	sst s6  }
0xf: {  	[smem:$0x3FAA] =	sst s7  }
0x10: {  	[smem:$0x3FAB] =	sst s8  }
0x11: {  	[smem:$0x3FAC] =	sst s9;
	s0 =	simm.s32 @!p0 $0x0  }
0x12: {  	s1 =	sld [smem:$0x3F92];
	s0 =	simm.s32 @p0 $0x1  }
0x13: {  	[smem:$0x3FAD] =	sst s0;
	s0 =	simm.s32 @!p1 $0x0  }
0x14: {  	s2 =	sld [smem:$0x3F91];
	s0 =	simm.s32 @p1 $0x1  }
0x15: {  	[smem:$0x3FAE] =	sst s0;
	s0 =	simm.s32 @!p2 $0x0  }
0x16: {  	s3 =	sld [smem:$0x3FDB];
	s0 =	simm.s32 @p2 $0x1  }
0x17: {  	s4 =	simm.s32 $0x1BF5;
	[smem:$0x3FB0] =	sst s0  }
0x18: {  	s0 =	sld [smem:$0x3F93];
	_ =	swait.ge [sflag:s4], $0x0  }
0x19: {  	s7 =	sld [smem:$0x3F94]  }
0x1a: {  	s8 =	sadd.s32 $0xFFFFE003, lr  }
0x1b: {  	s9 =	sadd.s32 $0xFFFFFEF7, lr;
	s5 =	simm.s32 $0xFFFFFFFF;
	p2 =	slt.u32 s8, $0xFFFFF086  }
0x1c: {  	p1 =	slt.u32 s9, $0xF7A;
	s5 =	simm.s32 @!p2 $0x0  }
0x1d: {  	s5 =	simm.s32 @p1 $0x1;
	p0 =	seq.s32 s7, s2  }
0x1e: {  	s7 =	smul.u32 @!p0 $0xF7A, s2;
	p2 =	seq.s32 @!p0 s5, $0x0  }
0x1f: {  	s9 =	smul.u32 $0xF7A, s1;
	s8 =	simm.s32 @!p0 $0x1BF5;
	p2 =	por !p2, p0  }
0x20: {  	[sflag:s8] =	ssyncset.s32 @!p0 $0xFFFFF086;
	s6 =	sadd.s32 @!p0 s3, s7;
	s7 =	simm.s32 @!p0 $0x108  }
0x21: {  	s3 =	sadd.s32 s3, s9;
	s6 =	sadd.s32 @!p0 $0x88, s6;
	s7 =	simm.s32 @p2 $0x1082  }
0x22: {  	[simem:s7], [sflag:s8] =	dma.local @!p0 [hbm:s6], $0xF7A  }
0x23: {  	s9 =	sor.u32 $0xD0000000, s2;
	s6 =	simm.s32 $0x108;
	_ =	swait.ge @!p0 [sflag:s8], $0x0  }
0x24: {  	s3 =	sadd.s32 $0x88, s3;
	s6 =	simm.s32 @!p1 $0x1082;
	[sflag:s4] =	ssyncset.s32 $0xFFFFF086  }
0x25: {  	[simem:s6], [sflag:s4] =	dma.local [hbm:s3], $0xF7A  }
0x26: {  	[smem:$0x3F94] =	sst s1;
	(tag) =	ssettag s2;
	_ =	strace s9  }
0x27: {  	s1 =	sld [smem:$0x3FA4]  }
0x28: {  	s2 =	sld [smem:$0x3FA5]  }
0x29: {  	s4 =	sld [smem:$0x3FA7]  }
0x2a: {  	p0 =	seq.s32 s5, $0x0;
	s5 =	sld [smem:$0x3FA8]  }
0x2b: {  	s6 =	sld [smem:$0x3FA9]  }
0x2c: {  	s7 =	sld [smem:$0x3FAA]  }
0x2d: {  	s3 =	simm.s32 $0x108;
	s8 =	sld [smem:$0x3FAB]  }
0x2e: {  	s3 =	simm.s32 @!p0 $0x1082;
	s9 =	sld [smem:$0x3FAC]  }
0x2f: {  	lr =	sadd.s32 s0, s3;
	s0 =	sld [smem:$0x3FA3]  }
0x30: {  	s3 =	sld [smem:$0x3FA6]  }
0x31: {  	[smem:$0x3FAF] =	sst s10  }
0x32: {  	s10 =	sld [smem:$0x3FAD];
	_ =	sdelay $0x3  }
0x33: {  	p0 =	seq.s32 s10, $0x1;
	s10 =	sld [smem:$0x3FAF];
	_ =	sdelay $0x3  }
0x34: {  	[smem:$0x3FAF] =	sst s10  }
0x35: {  	s10 =	sld [smem:$0x3FAE];
	_ =	sdelay $0x3  }
0x36: {  	p1 =	seq.s32 s10, $0x1;
	s10 =	sld [smem:$0x3FAF];
	_ =	sdelay $0x3  }
0x37: {  	[smem:$0x3FAF] =	sst s10  }
0x38: {  	s10 =	sld [smem:$0x3FB0]  }
0x39: {  	_ = 	snop;
	(pc) =	sbr.ind lr, $3  }
0x3a: {  	_ = 	snop  }
0x3b: {  	_ = 	snop  }
0x3c: {  	p2 =	seq.s32 s10, $0x1;
	s10 =	sld [smem:$0x3FAF]  }
0x3d: {  	_ =	shalt  }
0x3e: {  	_ =	shalt  }
0x3f: {  	_ =	shalt  }
0x40: {  	_ =	shalt  }
0x41: {  	_ =	shalt  }
0x42: {  	_ =	shalt  }
0x43: {  	_ =	shalt  }
0x44: {  	_ =	shalt  }
0x45: {  	_ =	shalt  }
0x46: {  	_ =	shalt  }
0x47: {  	_ =	shalt  }
0x48: {  	_ =	shalt  }
0x49: {  	_ =	shalt  }
0x4a: {  	_ =	shalt  }
0x4b: {  	_ =	shalt  }
0x4c: {  	_ =	shalt  }
0x4d: {  	_ =	shalt  }
0x4e: {  	_ =	shalt  }
0x4f: {  	_ =	shalt  }
0x50: {  	_ =	shalt  }
0x51: {  	_ =	shalt  }
0x52: {  	_ =	shalt  }
0x53: {  	_ =	shalt  }
0x54: {  	_ =	shalt  }
0x55: {  	_ =	shalt  }
0x56: {  	_ =	shalt  }
0x57: {  	_ =	shalt  }
0x58: {  	_ =	shalt  }
0x59: {  	_ =	shalt  }
0x5a: {  	_ =	shalt  }
0x5b: {  	_ =	shalt  }
0x5c: {  	_ =	shalt  }
0x5d: {  	_ =	shalt  }
0x5e: {  	_ =	shalt  }
0x5f: {  	_ =	shalt  }
0x60: {  	_ =	shalt  }
0x61: {  	_ =	shalt  }
0x62: {  	_ =	shalt  }
0x63: {  	_ =	shalt  }
0x64: {  	_ =	shalt  }
0x65: {  	_ =	shalt  }
0x66: {  	_ =	shalt  }
0x67: {  	_ =	shalt  }
0x68: {  	_ =	shalt  }
0x69: {  	_ =	shalt  }
0x6a: {  	_ =	shalt  }
0x6b: {  	_ =	shalt  }
0x6c: {  	_ =	shalt  }
0x6d: {  	_ =	shalt  }
0x6e: {  	_ =	shalt  }
0x6f: {  	_ =	shalt  }
0x70: {  	_ =	shalt  }
0x71: {  	_ =	shalt  }
0x72: {  	_ =	shalt  }
0x73: {  	_ =	shalt  }
0x74: {  	_ =	shalt  }
0x75: {  	_ =	shalt  }
0x76: {  	_ =	shalt  }
0x77: {  	_ =	shalt  }
0x78: {  	_ =	shalt  }
0x79: {  	_ =	shalt  }
0x7a: {  	_ =	shalt  }
0x7b: {  	_ =	shalt  }
0x7c: {  	_ =	shalt  }
0x7d: {  	_ =	shalt  }
0x7e: {  	_ =	shalt  }
0x7f: {  	_ =	shalt  }
0x80: {  	_ =	shalt  }
0x81: {  	_ =	shalt  }
0x82: {  	_ =	shalt  }
0x83: {  	_ =	shalt  }
0x84: {  	_ =	shalt  }
0x85: {  	_ =	shalt  }
0x86: {  	_ =	shalt  }
0x87: {  	_ =	shalt  }
.Lfunc_end0:
.L_simem_size_0:
called_computation.4_lowered:
.L_overlay_start_0:
0x88: {  	s2 =	sld [smem:$0x3FD9]  }
0x89: {  	s3 =	sld [smem:$0x3FFE];
	_ =	sdelay $0x1  }
0x8a: {  	s1 =	srdreg.scid  }
0x8b: {  	s0 =	sand.u32 $0x1, s1  }
0x8c: {  	s16 =	sshll.u32 s0, $0xA;
	s2 =	sadd.s32 s3, s2  }
0x8d: {  	s2 =	sadd.s32 s2, s16  }
0x8e: {  	[smem:$0x3FBB] =	sst s2  }
0x8f: {  	_ = 	snop  }
0x90: {  	(tm) =	ssettm $0x1  }
0x91: {  	s17 =	sld [smem:$0x3FFB];
	_ =	sdelay $0x3  }
0x92: {  	_ =	strace s17  }
0x93: {  	s2 =	sld [smem:$0x3FFC];
	_ =	sdelay $0x3  }
0x94: {  	_ =	strace s2  }
0x95: {  	s2 =	sld [smem:$0x3FFD];
	_ =	sdelay $0x3  }
0x96: {  	_ =	strace s2  }
0x97: {  	_ =	strace $0x8FFFFFFF  }
0x98: {  	s18 =	sld [smem:$0x3FDB];
	_ =	sdelay $0x1  }
0x99: {  	s19 =	simm.s32 $_scs_section_size  }
0x9a: {  	s4 =	simm.s32 $_size__tile_overlayer_lowered;
	s5 =	simm.s32 $_tile_overlayer_lowered  }
0x9b: {  	s22 =	simm.s32 $0x1BFF;
	s21 =	sshll.u32 s5, $0x1;
	s2 =	sadd.s32 s19, s18  }
0x9c: {  	s6 =	simm.s32 $0x0;
	s20 =	sshll.u32 s4, $0x1;
	s4 =	sadd.s32 s21, s2  }
0x9d: {  	[timem:s6], [sflag:s22] =	dma.local [hbm:s4], s20  }
0x9e: {  	_ =	swait.ge [sflag:s22], s20  }
0x9f: {  	s3 =	ssub.s32 $0x0, s20;
	[sflag:s22] =	ssyncset.done $0x0  }
0xa0: {  	[sflag:s22] =	ssyncadd.s32 s3;
	_ =	sdelay $0x1  }
0xa1: {  	s23 =	simm.s32 $0x1B8B  }
0xa2: {  	_ =	swait.ge [sflag:s23], $0x1  }
0xa3: {  	[sflag:s23] =	ssyncset.done $0x0  }
0xa4: {  	s25 =	simm.s32 $0x1B8E;
	s24 =	sld [smem:$0x3FFE];
	[sflag:s23] =	ssyncadd.s32 $0xFFFFFFFF  }
0xa5: {  	s26 =	simm.s32 $execute0_lowered;
	[smem:$0x3FD2] =	sst s25  }
0xa6: {  	s4 =	sshll.u32 s26, $0x1;
	_ =	strace $0x80000052;
	[dreg:$0x1] =	wrdreg $0xFFFFFFFF  }
0xa7: {  	s28 =	simm.s32 $_size_execute0_lowered;
	s2 =	sadd.s32 s2, s4;
	[dreg:$0x0] =	wrdreg $0x0  }
0xa8: {  	s4 =	sshll.u32 s28, $0x1;
	[dreg:$0x2] =	wrdreg s2  }
0xa9: {  	[dreg:$0x3] =	wrdreg s4  }
0xaa: {  	[dreg:$0x4] =	wrdreg $0xC0  }
0xab: {  	_ =	task [dreg:s6], $0x5FFFF  }
0xac: {  	[dreg:$0x1] =	wrdreg $0xFFFFFFFF  }
0xad: {  	[dreg:$0x0] =	wrdreg $0x60  }
0xae: {  	[dreg:$0x2] =	wrdreg s24  }
0xaf: {  	[dreg:$0x3] =	wrdreg $0x68000  }
0xb0: {  	[dreg:$0x4] =	wrdreg $0x9  }
0xb1: {  	_ =	task.clear_ibuf [dreg:s6], $0x5FFFF;
	_ =	strace $0x90000052  }
0xb2: {  	s29 =	simm.s32 $0x9;
	_ =	strace $0x80000054  }
0xb3: {  	_ =	swait.ge [sflag:s29], $0x1  }
0xb4: {  	[sflag:s29] =	ssyncadd.s32 $0xFFFFFFFF  }
0xb5: {  	_ =	strace $0x90000054  }
0xb6: {  	_ =	sfence  }
0xb7: {  	s30 =	sld [smem:$0x0];
	_ =	sdelay $0x2  }
0xb8: {  	s31 =	sshll.u32 s1, $0xD;
	s1 =	sshrl.u32 s1, $0x2  }
0xb9: {  	s3 =	sand.u32 $0x4000, s31;
	s1 =	sadd.s32 s1, s30  }
0xba: {  	s0 =	sor.u32 s3, s0;
	s1 =	sshll.u32 s1, $0x11  }
0xbb: {  	s0 =	sor.u32 s1, s0  }
0xbc: {  	s0 =	sadd.s32 $0x8F2B, s0  }
0xbd: {  	[sflag:s0] =	ssyncadd.remote.s32 $0x1  }
0xbe: {  	_ =	sfence.sel $0xFFFF  }
0xbf: {  	[dreg:$0x0] =	wrdreg $0xFFFFFFFF;
	(pc) =	sbr.abs _section_cstart, $3  }
0xc0: {  	[dreg:$0x1] =	wrdreg $0xFFFFFFFF  }
0xc1: {  	_ =	task.clear_ibuf [dreg:s6], $0x2FFFF;
	_ =	strace $0x9FFFFFFF  }
0xc2: {  	(tm) =	ssettm $0x7FFFFFFF  }
0xc3: {  	_ =	shalt  }
tec
execute0_lowered:
.L_overlay_start_1:
0x0: {  	(tag) =	ssettag $0x1  }
0x1: {  	s6 =	rddreg [dreg:$0x0]  }
0x2: {  	s2 =	rddreg [dreg:$0x1];
	s3 =	srdreg.scid  }
0x3: {  	s0 =	rddreg [dreg:$0x2];
	s1 =	stileid.u32  }
0x4: {  	s14 =	simm.s32 $0x80;
	s15 =	simm.s32 $0x6000;
	s16 =	simm.s32 $0x1  }
0x5: {  	s17 =	simm.s32 $0x6400;
	s18 =	simm.s32 $0x2;
	s19 =	simm.s32 $0x0  }
0x6: {  	s7 =	sand.u32 $0x1, s3;
	s3 =	simm.s32 $0x0;
	s9 =	smul.u32 $0x1400, s1  }
0x7: {  	s31 =	sshll.u32 s1, $0x6;
	s4 =	sshll.u32 s7, $0x4;
	[smem:$0x7FF] =	sst s3  }
0x8: {  	s5 =	smul.u32 $0x14000, s7;
	s10 =	ssub.s32 $0x2, s7;
	p0 =	seq.s32 s7, $0x0  }
0x9: {  	s7 =	simm.s32 $0x20;
	s4 =	sor.u32 s1, s4;
	_ =	strace $0x80000053  }
0xa: {  	s12 =	sshrl.u32 s10, $0x1;
	s13 =	sadd.s32 s9, s2;
	s7 =	simm.s32 @!p0 $0x2F  }
0xb: {  	s8 =	smul.u32 $0x600, s4;
	s4 =	sadd.s32 $0xFA00, s6;
	s5 =	sadd.s32 s9, s5  }
0xc: {  	s10 =	ssub.s32 s10, s12;
	s12 =	sor.u32 $0x1C03, s31;
	s13 =	sshrl.u32 s13, $0x3  }
0xd: {  	s11 =	sshrl.u32 s5, $0x3;
	s5 =	sadd.s32 $0xF600, s6;
	s8 =	sadd.s32 s8, s6  }
0xe: {  	s10 =	smax.u32 s10, $0x1;
	s11 =	sadd.s32 s11, s6;
	s6 =	sadd.s32 $0x14A00, s8  }
0xf: {  	s8 =	sadd.s32 $0x3600, s8;
	s9 =	sadd.s32 $0x70A00, s11;
	s11 =	simm.s32 $0x3  }
.LBB2_1:
0x10: {  	[tilespmem:s3], [sflag:$0x3] =	stream.linear.gather [hbm4b:s6+s3], $0x3000, $0x38;
	[tilespmem:$0x7C00] =	vst v63  }
0x11: {  	_ =	swait.ge [sflag:s11], $0x3000  }
0x12: {  	[sflag:s11] =	ssyncset.done $0x0  }
0x13: {  	s20 =	simm.s32 $0x3000;
	[sflag:s11] =	ssyncadd.s32 $0xFFFFD000  }
0x14: {  	[tilespmem:s20], [sflag:$0x3] =	stream.linear.gather [hbm4b:s8+s3], $0x3000, $0x38;
	[tilespmem:$0x7C00] =	vst v63  }
0x15: {  	_ =	swait.ge [sflag:s11], $0x3000  }
0x16: {  	[sflag:s11] =	ssyncset.done $0x0  }
0x17: {  	[sflag:s11] =	ssyncadd.s32 $0xFFFFD000  }
0x18: {  	[spmem:s13], [sflag:s12] =	dma.local [hbm:s5], $0x280  }
0x19: {  	_ =	swait.ge [sflag:s11], $0x280  }
0x1a: {  	[sflag:s11] =	ssyncset.done $0x0  }
0x1b: {  	p1 =	sne.s32 s7, $0x1;
	[sflag:s11] =	ssyncadd.s32 $0xFFFFFD80  }
.Ltmp0:
0x1c: {  	[bflag:$0x0] =	sbarrier.arrive $0xFFFF;
	(pc) =	sbr.rel @!p1 .LBB2_2-.Ltmp0, $4  }
0x1d: {  	[tilespmem:s15], [sflag:$0x1] =	stream.indirect.gather [hbm4b:s4+s14], $0x8, s3, s14, $0xb8;
	[tilespmem:$0x7C00] =	vst v63  }
0x1e: {  	_ =	swait.ge [sflag:s16], $0x400  }
0x1f: {  	s21 =	simm.s32 $0x100;
	[sflag:s16] =	ssyncset.done $0x0  }
0x20: {  	s22 =	sadd.s32 $0xFFFFFFFF, s7;
	p0 =	por $0x0, $0x0;
	[sflag:s16] =	ssyncadd.s32 $0xFFFFFC00  }
0x21: {  	s23 =	simm.s32 $0x80  }
0x22: {  	[tilespmem:s17], [sflag:$0x2] =	stream.indirect.gather [hbm4b:s4+s14], $0x8, s23, s14, $0xb8;
	[tilespmem:$0x7C00] =	vst v63  }
0x23: {  	_ = 	snop  }
0x24: {  	[spmem:s2] =	stream.indirect.scatter.add.f32 [tilespmem:s15], [sflag:$0x3], $0x8, s20, s14, $0xb8;
	[tilespmem:$0x7C00] =	vst v63  }
0x25: {  	_ =	swait.ge [sflag:s11], $0x400  }
0x26: {  	[sflag:s11] =	ssyncset.done $0x0  }
0x27: {  	[sflag:s11] =	ssyncadd.s32 $0xFFFFFC00  }
0x28: {  	_ =	swait.ge [sflag:s18], $0x400  }
0x29: {  	[sflag:s18] =	ssyncset.done $0x0  }
0x2a: {  	[sflag:s18] =	ssyncadd.s32 $0xFFFFFC00  }
0x2b: {  	[tilespmem:s15], [sflag:$0x1] =	stream.indirect.gather [hbm4b:s4+s14], $0x8, s21, s14, $0xb8;
	[tilespmem:$0x7C00] =	vst v63  }
0x2c: {  	s31 =	simm.s32 $0x3080;
	p1 =	sne.s32 s22, $0x1  }
0x2d: {  	[spmem:s2] =	stream.indirect.scatter.add.f32 [tilespmem:s17], [sflag:$0x3], $0x8, s31, s14, $0xb8;
	[tilespmem:$0x7C00] =	vst v63  }
.Ltmp1:
0x2e: {  	_ =	swait.ge [sflag:s11], $0x400;
	(pc) =	sbr.rel @!p1 .LBB2_4-.Ltmp1, $4  }
0x2f: {  	[sflag:s11] =	ssyncset.done $0x0  }
0x30: {  	[sflag:s11] =	ssyncadd.s32 $0xFFFFFC00  }
0x31: {  	p0 =	por $0x1, $0x1;
	s23 =	sadd.s32 $0xFFFFFFFF, s22;
	_ =	swait.ge [sflag:s16], $0x400  }
0x32: {  	s22 =	simm.s32 $0x3000;
	s21 =	simm.s32 $0x200;
	[sflag:s16] =	ssyncset.done $0x0  }
.LBB2_5:
0x33: {  	s24 =	sadd.s32 $0xFFFFFF80, s21;
	[sflag:s16] =	ssyncadd.s32 $0xFFFFFC00;
	s22 =	sadd.s32 $0x100, s22  }
0x34: {  	[tilespmem:s17], [sflag:$0x2] =	stream.indirect.gather [hbm4b:s4+s14], $0x8, s24, s14, $0xb8;
	[tilespmem:$0x7C00] =	vst v63  }
0x35: {  	p1 =	sne.s32 s23, $0x1;
	s23 =	sadd.s32 $0xFFFFFFFF, s23  }
0x36: {  	[spmem:s2] =	stream.indirect.scatter.add.f32 [tilespmem:s15], [sflag:$0x3], $0x8, s22, s14, $0xb8;
	[tilespmem:$0x7C00] =	vst v63  }
0x37: {  	_ =	swait.ge [sflag:s11], $0x400  }
0x38: {  	[sflag:s11] =	ssyncset.done $0x0  }
0x39: {  	[sflag:s11] =	ssyncadd.s32 $0xFFFFFC00  }
0x3a: {  	_ =	swait.ge [sflag:s18], $0x400  }
0x3b: {  	[sflag:s18] =	ssyncset.done $0x0  }
0x3c: {  	[sflag:s18] =	ssyncadd.s32 $0xFFFFFC00  }
0x3d: {  	[tilespmem:s15], [sflag:$0x1] =	stream.indirect.gather [hbm4b:s4+s14], $0x8, s21, s14, $0xb8;
	[tilespmem:$0x7C00] =	vst v63  }
0x3e: {  	s24 =	sadd.s32 $0x80, s22  }
0x3f: {  	[spmem:s2] =	stream.indirect.scatter.add.f32 [tilespmem:s17], [sflag:$0x3], $0x8, s24, s14, $0xb8;
	[tilespmem:$0x7C00] =	vst v63  }
.Ltmp2:
0x40: {  	_ =	swait.ge [sflag:s11], $0x400;
	(pc) =	sbr.rel @p1 .LBB2_5-.Ltmp2, $4  }
0x41: {  	[sflag:s11] =	ssyncset.done $0x0  }
0x42: {  	[sflag:s11] =	ssyncadd.s32 $0xFFFFFC00  }
0x43: {  	_ =	swait.ge [sflag:s16], $0x400  }
0x44: {  	s21 =	sadd.s32 $0x100, s21;
	[sflag:s16] =	ssyncset.done $0x0  }
.LBB2_6:
0x45: {  	s23 =	sadd.s32 $0xFFFFFF80, s21;
	[sflag:s16] =	ssyncadd.s32 @p0 $0xFFFFFC00;
	s22 =	sadd.s32 @p0 $0x100, s22  }
0x46: {  	[tilespmem:s17], [sflag:$0x2] =	stream.indirect.gather [hbm4b:s4+s14], $0x8, s23, s14, $0xb8;
	[tilespmem:$0x7C00] =	vst v63  }
0x47: {  	s20 =	smov.u32 @p0 s22  }
0x48: {  	[spmem:s2] =	stream.indirect.scatter.add.f32 [tilespmem:s15], [sflag:$0x3], $0x8, s20, s14, $0xb8;
	[tilespmem:$0x7C00] =	vst v63  }
0x49: {  	_ =	swait.ge [sflag:s11], $0x400  }
0x4a: {  	[sflag:s11] =	ssyncset.done $0x0  }
0x4b: {  	[sflag:s11] =	ssyncadd.s32 $0xFFFFFC00  }
0x4c: {  	_ =	swait.ge [sflag:s18], $0x400  }
0x4d: {  	[sflag:s18] =	ssyncset.done $0x0  }
0x4e: {  	[sflag:s18] =	ssyncadd.s32 $0xFFFFFC00  }
0x4f: {  	[tilespmem:s15], [sflag:$0x1] =	stream.indirect.gather [hbm4b:s4+s14], $0x8, s21, s14, $0xb8;
	[tilespmem:$0x7C00] =	vst v63  }
0x50: {  	s20 =	sadd.s32 $0x80, s20  }
0x51: {  	[spmem:s2] =	stream.indirect.scatter.add.f32 [tilespmem:s17], [sflag:$0x3], $0x8, s20, s14, $0xb8;
	[tilespmem:$0x7C00] =	vst v63  }
0x52: {  	_ =	swait.ge [sflag:s11], $0x400  }
0x53: {  	[sflag:s11] =	ssyncset.done $0x0  }
0x54: {  	[sflag:s11] =	ssyncadd.s32 $0xFFFFFC00  }
0x55: {  	_ =	swait.ge [sflag:s16], $0x400  }
0x56: {  	[sflag:s16] =	ssyncset.done $0x0  }
0x57: {  	s19 =	sadd.s32 $0x1, s19;
	[sflag:s16] =	ssyncadd.s32 $0xFFFFFC00  }
0x58: {  	p0 =	sne.s32 s19, s10;
	[bflag:$0x0] =	sbarrier.arrive $0xFFFF  }
0x59: {  	[hbm:s9], [sflag:s12] =	dma.local [spmem:s13], $0x280  }
.Ltmp3:
0x5a: {  	_ = 	snop;
	(pc) =	sbr.rel @p0 .LBB2_1-.Ltmp3, $4  }
.Ltmp4:
0x5b: {  	_ = 	snop;
	(pc) =	sbr.rel @!p0 .LBB2_7-.Ltmp4, $4  }
0x5c: {  	_ =	swait.ge [sflag:s11], $0x280  }
0x5d: {  	[sflag:s11] =	ssyncset.done $0x0  }
0x5e: {  	[sflag:s11] =	ssyncadd.s32 $0xFFFFFD80  }
0x5f: {  	_ = 	snop  }
.LBB2_2:
.Ltmp5:
0x60: {  	(pc) =	sbr.rel .LBB2_6-.Ltmp5, $2  }
0x61: {  	_ =	sdelay $0x2  }
0x62: {  	s22 =	simm.s32 $0x3000  }
.LBB2_4:
.Ltmp6:
0x63: {  	(pc) =	sbr.rel .LBB2_6-.Ltmp6, $2  }
0x64: {  	_ =	sdelay $0x2  }
0x65: {  	s22 =	simm.s32 $0x3000  }
.LBB2_7:
0x66: {  	_ =	sfence.sel $0x180000  }
0x67: {  	[bflag:$0x0] =	sbarrier.arrive $0xFFFF  }
0x68: {  	p0 =	sne.s32 s1, $0x0;
	_ =	strace $0x90000053  }
0x69: {  	s0 =	sadd.s32 @!p0 $0x100000, s0;
	[bflag:$0x2] =	sbarrier.arrive $0xFFFF  }
0x6a: {  	[sflag:s0] =	ssyncadd.tile.s32 @!p0 $0x1;
	_ =	shalt  }
.Lfunc_end2:
_tile_overlayer_lowered:
.L_overlay_start_2:
0x6b: {  	(tag) =	ssettag $0x2  }
0x6c: {  	s0 =	rddreg [dreg:$0x0];
	s2 =	stileid.u32  }
0x6d: {  	s1 =	rddreg [dreg:$0x1];
	p0 =	sne.s32 s2, $0x0  }
0x6e: {  	s3 =	rddreg [dreg:$0x2];
	[bflag:$0x3] =	sbarrier.arrive $0xFFFF;
	s2 =	simm.s32 @!p0 $0x1C03  }
0x6f: {  	[timem:s3], [sflag:s2] =	dma.local @!p0 [hbm:s0], s1  }
0x70: {  	s0 =	simm.s32 @!p0 $0x3  }
0x71: {  	_ =	swait.ge @!p0 [sflag:s0], s1  }
0x72: {  	s1 =	ssub.s32 @!p0 $0x0, s1;
	[sflag:s0] =	ssyncset.done @!p0 $0x0  }
0x73: {  	[sflag:s0] =	ssyncadd.s32 @!p0 s1  }
0x74: {  	[bflag:$0x3] =	sbarrier.arrive $0xFFFF  }
0x75: {  	_ =	shalt  }

// kernel: kernel.30.cloned.1.call-start
scs
__scs_entry_jumppad:
0x0: {  	(pc) =	sbr.rel $0x88, $3  }
0x1: {  	(tag) =	ssettag $0x0;
	lr =	simm.s32 $0x1  }
0x2: {  	[smem:$0x3F94] =	sst lr;
	_ =	strace $0xD0000000  }
0x3: {  	_ = 	snop  }
0x4: {  	_ = 	snop  }
0x5: {  	_ = 	snop  }
0x6: {  	_ = 	snop  }
0x7: {  	_ = 	snop  }
__scs_overlays_trampoline_lowered:
0x8: {  	[smem:$0x3FA3] =	sst s0  }
0x9: {  	[smem:$0x3FA4] =	sst s1  }
0xa: {  	[smem:$0x3FA5] =	sst s2  }
0xb: {  	[smem:$0x3FA6] =	sst s3  }
0xc: {  	[smem:$0x3FA7] =	sst s4  }
0xd: {  	[smem:$0x3FA8] =	sst s5  }
0xe: {  	[smem:$0x3FA9] =	sst s6  }
0xf: {  	[smem:$0x3FAA] =	sst s7  }
0x10: {  	[smem:$0x3FAB] =	sst s8  }
0x11: {  	[smem:$0x3FAC] =	sst s9;
	s0 =	simm.s32 @!p0 $0x0  }
0x12: {  	s1 =	sld [smem:$0x3F92];
	s0 =	simm.s32 @p0 $0x1  }
0x13: {  	[smem:$0x3FAD] =	sst s0;
	s0 =	simm.s32 @!p1 $0x0  }
0x14: {  	s2 =	sld [smem:$0x3F91];
	s0 =	simm.s32 @p1 $0x1  }
0x15: {  	[smem:$0x3FAE] =	sst s0;
	s0 =	simm.s32 @!p2 $0x0  }
0x16: {  	s3 =	sld [smem:$0x3FDB];
	s0 =	simm.s32 @p2 $0x1  }
0x17: {  	s4 =	simm.s32 $0x1BF5;
	[smem:$0x3FB0] =	sst s0  }
0x18: {  	s0 =	sld [smem:$0x3F93];
	_ =	swait.ge [sflag:s4], $0x0  }
0x19: {  	s7 =	sld [smem:$0x3F94]  }
0x1a: {  	s8 =	sadd.s32 $0xFFFFE003, lr  }
0x1b: {  	s9 =	sadd.s32 $0xFFFFFEF7, lr;
	s5 =	simm.s32 $0xFFFFFFFF;
	p2 =	slt.u32 s8, $0xFFFFF086  }
0x1c: {  	p1 =	slt.u32 s9, $0xF7A;
	s5 =	simm.s32 @!p2 $0x0  }
0x1d: {  	s5 =	simm.s32 @p1 $0x1;
	p0 =	seq.s32 s7, s2  }
0x1e: {  	s7 =	smul.u32 @!p0 $0xF7A, s2;
	p2 =	seq.s32 @!p0 s5, $0x0  }
0x1f: {  	s9 =	smul.u32 $0xF7A, s1;
	s8 =	simm.s32 @!p0 $0x1BF5;
	p2 =	por !p2, p0  }
0x20: {  	[sflag:s8] =	ssyncset.s32 @!p0 $0xFFFFF086;
	s6 =	sadd.s32 @!p0 s3, s7;
	s7 =	simm.s32 @!p0 $0x108  }
0x21: {  	s3 =	sadd.s32 s3, s9;
	s6 =	sadd.s32 @!p0 $0x88, s6;
	s7 =	simm.s32 @p2 $0x1082  }
0x22: {  	[simem:s7], [sflag:s8] =	dma.local @!p0 [hbm:s6], $0xF7A  }
0x23: {  	s9 =	sor.u32 $0xD0000000, s2;
	s6 =	simm.s32 $0x108;
	_ =	swait.ge @!p0 [sflag:s8], $0x0  }
0x24: {  	s3 =	sadd.s32 $0x88, s3;
	s6 =	simm.s32 @!p1 $0x1082;
	[sflag:s4] =	ssyncset.s32 $0xFFFFF086  }
0x25: {  	[simem:s6], [sflag:s4] =	dma.local [hbm:s3], $0xF7A  }
0x26: {  	[smem:$0x3F94] =	sst s1;
	(tag) =	ssettag s2;
	_ =	strace s9  }
0x27: {  	s1 =	sld [smem:$0x3FA4]  }
0x28: {  	s2 =	sld [smem:$0x3FA5]  }
0x29: {  	s4 =	sld [smem:$0x3FA7]  }
0x2a: {  	p0 =	seq.s32 s5, $0x0;
	s5 =	sld [smem:$0x3FA8]  }
0x2b: {  	s6 =	sld [smem:$0x3FA9]  }
0x2c: {  	s7 =	sld [smem:$0x3FAA]  }
0x2d: {  	s3 =	simm.s32 $0x108;
	s8 =	sld [smem:$0x3FAB]  }
0x2e: {  	s3 =	simm.s32 @!p0 $0x1082;
	s9 =	sld [smem:$0x3FAC]  }
0x2f: {  	lr =	sadd.s32 s0, s3;
	s0 =	sld [smem:$0x3FA3]  }
0x30: {  	s3 =	sld [smem:$0x3FA6]  }
0x31: {  	[smem:$0x3FAF] =	sst s10  }
0x32: {  	s10 =	sld [smem:$0x3FAD];
	_ =	sdelay $0x3  }
0x33: {  	p0 =	seq.s32 s10, $0x1;
	s10 =	sld [smem:$0x3FAF];
	_ =	sdelay $0x3  }
0x34: {  	[smem:$0x3FAF] =	sst s10  }
0x35: {  	s10 =	sld [smem:$0x3FAE];
	_ =	sdelay $0x3  }
0x36: {  	p1 =	seq.s32 s10, $0x1;
	s10 =	sld [smem:$0x3FAF];
	_ =	sdelay $0x3  }
0x37: {  	[smem:$0x3FAF] =	sst s10  }
0x38: {  	s10 =	sld [smem:$0x3FB0]  }
0x39: {  	_ = 	snop;
	(pc) =	sbr.ind lr, $3  }
0x3a: {  	_ = 	snop  }
0x3b: {  	_ = 	snop  }
0x3c: {  	p2 =	seq.s32 s10, $0x1;
	s10 =	sld [smem:$0x3FAF]  }
0x3d: {  	_ =	shalt  }
0x3e: {  	_ =	shalt  }
0x3f: {  	_ =	shalt  }
0x40: {  	_ =	shalt  }
0x41: {  	_ =	shalt  }
0x42: {  	_ =	shalt  }
0x43: {  	_ =	shalt  }
0x44: {  	_ =	shalt  }
0x45: {  	_ =	shalt  }
0x46: {  	_ =	shalt  }
0x47: {  	_ =	shalt  }
0x48: {  	_ =	shalt  }
0x49: {  	_ =	shalt  }
0x4a: {  	_ =	shalt  }
0x4b: {  	_ =	shalt  }
0x4c: {  	_ =	shalt  }
0x4d: {  	_ =	shalt  }
0x4e: {  	_ =	shalt  }
0x4f: {  	_ =	shalt  }
0x50: {  	_ =	shalt  }
0x51: {  	_ =	shalt  }
0x52: {  	_ =	shalt  }
0x53: {  	_ =	shalt  }
0x54: {  	_ =	shalt  }
0x55: {  	_ =	shalt  }
0x56: {  	_ =	shalt  }
0x57: {  	_ =	shalt  }
0x58: {  	_ =	shalt  }
0x59: {  	_ =	shalt  }
0x5a: {  	_ =	shalt  }
0x5b: {  	_ =	shalt  }
0x5c: {  	_ =	shalt  }
0x5d: {  	_ =	shalt  }
0x5e: {  	_ =	shalt  }
0x5f: {  	_ =	shalt  }
0x60: {  	_ =	shalt  }
0x61: {  	_ =	shalt  }
0x62: {  	_ =	shalt  }
0x63: {  	_ =	shalt  }
0x64: {  	_ =	shalt  }
0x65: {  	_ =	shalt  }
0x66: {  	_ =	shalt  }
0x67: {  	_ =	shalt  }
0x68: {  	_ =	shalt  }
0x69: {  	_ =	shalt  }
0x6a: {  	_ =	shalt  }
0x6b: {  	_ =	shalt  }
0x6c: {  	_ =	shalt  }
0x6d: {  	_ =	shalt  }
0x6e: {  	_ =	shalt  }
0x6f: {  	_ =	shalt  }
0x70: {  	_ =	shalt  }
0x71: {  	_ =	shalt  }
0x72: {  	_ =	shalt  }
0x73: {  	_ =	shalt  }
0x74: {  	_ =	shalt  }
0x75: {  	_ =	shalt  }
0x76: {  	_ =	shalt  }
0x77: {  	_ =	shalt  }
0x78: {  	_ =	shalt  }
0x79: {  	_ =	shalt  }
0x7a: {  	_ =	shalt  }
0x7b: {  	_ =	shalt  }
0x7c: {  	_ =	shalt  }
0x7d: {  	_ =	shalt  }
0x7e: {  	_ =	shalt  }
0x7f: {  	_ =	shalt  }
0x80: {  	_ =	shalt  }
0x81: {  	_ =	shalt  }
0x82: {  	_ =	shalt  }
0x83: {  	_ =	shalt  }
0x84: {  	_ =	shalt  }
0x85: {  	_ =	shalt  }
0x86: {  	_ =	shalt  }
0x87: {  	_ =	shalt  }
.Lfunc_end0:
.L_simem_size_0:
called_computation.5_lowered:
.L_overlay_start_0:
0x88: {  	s2 =	sld [smem:$0x3FD9]  }
0x89: {  	s3 =	sld [smem:$0x3FFE];
	_ =	sdelay $0x1  }
0x8a: {  	s1 =	srdreg.scid  }
0x8b: {  	s0 =	sand.u32 $0x1, s1  }
0x8c: {  	s16 =	sshll.u32 s0, $0xA;
	s2 =	sadd.s32 s3, s2  }
0x8d: {  	s2 =	sadd.s32 s2, s16  }
0x8e: {  	[smem:$0x3FBB] =	sst s2  }
0x8f: {  	_ = 	snop  }
0x90: {  	(tm) =	ssettm $0x1  }
0x91: {  	s17 =	sld [smem:$0x3FFB];
	_ =	sdelay $0x3  }
0x92: {  	_ =	strace s17  }
0x93: {  	s2 =	sld [smem:$0x3FFC];
	_ =	sdelay $0x3  }
0x94: {  	_ =	strace s2  }
0x95: {  	s2 =	sld [smem:$0x3FFD];
	_ =	sdelay $0x3  }
0x96: {  	_ =	strace s2  }
0x97: {  	_ =	strace $0x8FFFFFFF  }
0x98: {  	s18 =	sld [smem:$0x3FDB];
	_ =	sdelay $0x1  }
0x99: {  	s19 =	simm.s32 $_scs_section_size  }
0x9a: {  	s4 =	simm.s32 $_size__tile_overlayer_lowered;
	s5 =	simm.s32 $_tile_overlayer_lowered  }
0x9b: {  	s22 =	simm.s32 $0x1BFF;
	s21 =	sshll.u32 s5, $0x1;
	s2 =	sadd.s32 s19, s18  }
0x9c: {  	s6 =	simm.s32 $0x0;
	s20 =	sshll.u32 s4, $0x1;
	s4 =	sadd.s32 s21, s2  }
0x9d: {  	[timem:s6], [sflag:s22] =	dma.local [hbm:s4], s20  }
0x9e: {  	_ =	swait.ge [sflag:s22], s20  }
0x9f: {  	s3 =	ssub.s32 $0x0, s20;
	[sflag:s22] =	ssyncset.done $0x0  }
0xa0: {  	[sflag:s22] =	ssyncadd.s32 s3;
	_ =	sdelay $0x1  }
0xa1: {  	s23 =	simm.s32 $0x1B8B  }
0xa2: {  	_ =	swait.ge [sflag:s23], $0x1  }
0xa3: {  	[sflag:s23] =	ssyncset.done $0x0  }
0xa4: {  	s25 =	simm.s32 $0x1B8E;
	s24 =	sld [smem:$0x3FFE];
	[sflag:s23] =	ssyncadd.s32 $0xFFFFFFFF  }
0xa5: {  	s26 =	simm.s32 $execute0_lowered;
	[smem:$0x3FD2] =	sst s25  }
0xa6: {  	s4 =	sshll.u32 s26, $0x1;
	_ =	strace $0x80000055;
	[dreg:$0x1] =	wrdreg $0xFFFFFFFF  }
0xa7: {  	s28 =	simm.s32 $_size_execute0_lowered;
	s2 =	sadd.s32 s2, s4;
	[dreg:$0x0] =	wrdreg $0x0  }
0xa8: {  	s4 =	sshll.u32 s28, $0x1;
	[dreg:$0x2] =	wrdreg s2  }
0xa9: {  	[dreg:$0x3] =	wrdreg s4  }
0xaa: {  	[dreg:$0x4] =	wrdreg $0xC0  }
0xab: {  	_ =	task [dreg:s6], $0x5FFFF  }
0xac: {  	[dreg:$0x1] =	wrdreg $0xFFFFFFFF  }
0xad: {  	[dreg:$0x0] =	wrdreg $0x60  }
0xae: {  	[dreg:$0x2] =	wrdreg s24  }
0xaf: {  	[dreg:$0x3] =	wrdreg $0x68000  }
0xb0: {  	[dreg:$0x4] =	wrdreg $0x9  }
0xb1: {  	_ =	task.clear_ibuf [dreg:s6], $0x5FFFF;
	_ =	strace $0x90000055  }
0xb2: {  	s29 =	simm.s32 $0x9;
	_ =	strace $0x80000057  }
0xb3: {  	_ =	swait.ge [sflag:s29], $0x1  }
0xb4: {  	[sflag:s29] =	ssyncadd.s32 $0xFFFFFFFF  }
0xb5: {  	_ =	strace $0x90000057  }
0xb6: {  	_ =	sfence  }
0xb7: {  	s30 =	sld [smem:$0x0];
	_ =	sdelay $0x2  }
0xb8: {  	s31 =	sshll.u32 s1, $0xD;
	s1 =	sshrl.u32 s1, $0x2  }
0xb9: {  	s3 =	sand.u32 $0x4000, s31;
	s1 =	sadd.s32 s1, s30  }
0xba: {  	s0 =	sor.u32 s3, s0;
	s1 =	sshll.u32 s1, $0x11  }
0xbb: {  	s0 =	sor.u32 s1, s0  }
0xbc: {  	s0 =	sadd.s32 $0x8F2B, s0  }
0xbd: {  	[sflag:s0] =	ssyncadd.remote.s32 $0x1  }
0xbe: {  	_ =	sfence.sel $0xFFFF  }
0xbf: {  	[dreg:$0x0] =	wrdreg $0xFFFFFFFF;
	(pc) =	sbr.abs _section_cstart, $3  }
0xc0: {  	[dreg:$0x1] =	wrdreg $0xFFFFFFFF  }
0xc1: {  	_ =	task.clear_ibuf [dreg:s6], $0x2FFFF;
	_ =	strace $0x9FFFFFFF  }
0xc2: {  	(tm) =	ssettm $0x7FFFFFFF  }
0xc3: {  	_ =	shalt  }
tec
execute0_lowered:
.L_overlay_start_1:
0x0: {  	(tag) =	ssettag $0x1  }
0x1: {  	s6 =	rddreg [dreg:$0x0]  }
0x2: {  	s2 =	rddreg [dreg:$0x1];
	s3 =	srdreg.scid  }
0x3: {  	s0 =	rddreg [dreg:$0x2];
	s1 =	stileid.u32  }
0x4: {  	s14 =	simm.s32 $0x80;
	s15 =	simm.s32 $0x6000;
	s16 =	simm.s32 $0x1  }
0x5: {  	s17 =	simm.s32 $0x6400;
	s18 =	simm.s32 $0x2;
	s19 =	simm.s32 $0x0  }
0x6: {  	s7 =	sand.u32 $0x1, s3;
	s3 =	simm.s32 $0x0;
	s9 =	smul.u32 $0x1400, s1  }
0x7: {  	s31 =	sshll.u32 s1, $0x6;
	s4 =	sshll.u32 s7, $0x4;
	[smem:$0x7FF] =	sst s3  }
0x8: {  	s5 =	smul.u32 $0x14000, s7;
	s10 =	ssub.s32 $0x2, s7;
	p0 =	seq.s32 s7, $0x0  }
0x9: {  	s7 =	simm.s32 $0x20;
	s4 =	sor.u32 s1, s4;
	_ =	strace $0x80000056  }
0xa: {  	s12 =	sshrl.u32 s10, $0x1;
	s13 =	sadd.s32 s9, s2;
	s7 =	simm.s32 @!p0 $0x2F  }
0xb: {  	s8 =	smul.u32 $0x600, s4;
	s4 =	sadd.s32 $0xFA00, s6;
	s5 =	sadd.s32 s9, s5  }
0xc: {  	s10 =	ssub.s32 s10, s12;
	s12 =	sor.u32 $0x1C03, s31;
	s13 =	sshrl.u32 s13, $0x3  }
0xd: {  	s11 =	sshrl.u32 s5, $0x3;
	s5 =	sadd.s32 $0xF600, s6;
	s8 =	sadd.s32 s8, s6  }
0xe: {  	s10 =	smax.u32 s10, $0x1;
	s11 =	sadd.s32 s11, s6;
	s6 =	sadd.s32 $0x14A00, s8  }
0xf: {  	s8 =	sadd.s32 $0x3600, s8;
	s9 =	sadd.s32 $0x70A00, s11;
	s11 =	simm.s32 $0x3  }
.LBB2_1:
0x10: {  	[tilespmem:s3], [sflag:$0x3] =	stream.linear.gather [hbm4b:s6+s3], $0x3000, $0x38;
	[tilespmem:$0x7C00] =	vst v63  }
0x11: {  	_ =	swait.ge [sflag:s11], $0x3000  }
0x12: {  	[sflag:s11] =	ssyncset.done $0x0  }
0x13: {  	s20 =	simm.s32 $0x3000;
	[sflag:s11] =	ssyncadd.s32 $0xFFFFD000  }
0x14: {  	[tilespmem:s20], [sflag:$0x3] =	stream.linear.gather [hbm4b:s8+s3], $0x3000, $0x38;
	[tilespmem:$0x7C00] =	vst v63  }
0x15: {  	_ =	swait.ge [sflag:s11], $0x3000  }
0x16: {  	[sflag:s11] =	ssyncset.done $0x0  }
0x17: {  	[sflag:s11] =	ssyncadd.s32 $0xFFFFD000  }
0x18: {  	[spmem:s13], [sflag:s12] =	dma.local [hbm:s5], $0x280  }
0x19: {  	_ =	swait.ge [sflag:s11], $0x280  }
0x1a: {  	[sflag:s11] =	ssyncset.done $0x0  }
0x1b: {  	p1 =	sne.s32 s7, $0x1;
	[sflag:s11] =	ssyncadd.s32 $0xFFFFFD80  }
.Ltmp0:
0x1c: {  	[bflag:$0x0] =	sbarrier.arrive $0xFFFF;
	(pc) =	sbr.rel @!p1 .LBB2_2-.Ltmp0, $4  }
0x1d: {  	[tilespmem:s15], [sflag:$0x1] =	stream.indirect.gather [hbm4b:s4+s14], $0x8, s3, s14, $0xb8;
	[tilespmem:$0x7C00] =	vst v63  }
0x1e: {  	_ =	swait.ge [sflag:s16], $0x400  }
0x1f: {  	s21 =	simm.s32 $0x100;
	[sflag:s16] =	ssyncset.done $0x0  }
0x20: {  	s22 =	sadd.s32 $0xFFFFFFFF, s7;
	p0 =	por $0x0, $0x0;
	[sflag:s16] =	ssyncadd.s32 $0xFFFFFC00  }
0x21: {  	s23 =	simm.s32 $0x80  }
0x22: {  	[tilespmem:s17], [sflag:$0x2] =	stream.indirect.gather [hbm4b:s4+s14], $0x8, s23, s14, $0xb8;
	[tilespmem:$0x7C00] =	vst v63  }
0x23: {  	_ = 	snop  }
0x24: {  	[spmem:s2] =	stream.indirect.scatter.add.f32 [tilespmem:s15], [sflag:$0x3], $0x8, s20, s14, $0xb8;
	[tilespmem:$0x7C00] =	vst v63  }
0x25: {  	_ =	swait.ge [sflag:s11], $0x400  }
0x26: {  	[sflag:s11] =	ssyncset.done $0x0  }
0x27: {  	[sflag:s11] =	ssyncadd.s32 $0xFFFFFC00  }
0x28: {  	_ =	swait.ge [sflag:s18], $0x400  }
0x29: {  	[sflag:s18] =	ssyncset.done $0x0  }
0x2a: {  	[sflag:s18] =	ssyncadd.s32 $0xFFFFFC00  }
0x2b: {  	[tilespmem:s15], [sflag:$0x1] =	stream.indirect.gather [hbm4b:s4+s14], $0x8, s21, s14, $0xb8;
	[tilespmem:$0x7C00] =	vst v63  }
0x2c: {  	s31 =	simm.s32 $0x3080;
	p1 =	sne.s32 s22, $0x1  }
0x2d: {  	[spmem:s2] =	stream.indirect.scatter.add.f32 [tilespmem:s17], [sflag:$0x3], $0x8, s31, s14, $0xb8;
	[tilespmem:$0x7C00] =	vst v63  }
.Ltmp1:
0x2e: {  	_ =	swait.ge [sflag:s11], $0x400;
	(pc) =	sbr.rel @!p1 .LBB2_4-.Ltmp1, $4  }
0x2f: {  	[sflag:s11] =	ssyncset.done $0x0  }
0x30: {  	[sflag:s11] =	ssyncadd.s32 $0xFFFFFC00  }
0x31: {  	p0 =	por $0x1, $0x1;
	s23 =	sadd.s32 $0xFFFFFFFF, s22;
	_ =	swait.ge [sflag:s16], $0x400  }
0x32: {  	s22 =	simm.s32 $0x3000;
	s21 =	simm.s32 $0x200;
	[sflag:s16] =	ssyncset.done $0x0  }
.LBB2_5:
0x33: {  	s24 =	sadd.s32 $0xFFFFFF80, s21;
	[sflag:s16] =	ssyncadd.s32 $0xFFFFFC00;
	s22 =	sadd.s32 $0x100, s22  }
0x34: {  	[tilespmem:s17], [sflag:$0x2] =	stream.indirect.gather [hbm4b:s4+s14], $0x8, s24, s14, $0xb8;
	[tilespmem:$0x7C00] =	vst v63  }
0x35: {  	p1 =	sne.s32 s23, $0x1;
	s23 =	sadd.s32 $0xFFFFFFFF, s23  }
0x36: {  	[spmem:s2] =	stream.indirect.scatter.add.f32 [tilespmem:s15], [sflag:$0x3], $0x8, s22, s14, $0xb8;
	[tilespmem:$0x7C00] =	vst v63  }
0x37: {  	_ =	swait.ge [sflag:s11], $0x400  }
0x38: {  	[sflag:s11] =	ssyncset.done $0x0  }
0x39: {  	[sflag:s11] =	ssyncadd.s32 $0xFFFFFC00  }
0x3a: {  	_ =	swait.ge [sflag:s18], $0x400  }
0x3b: {  	[sflag:s18] =	ssyncset.done $0x0  }
0x3c: {  	[sflag:s18] =	ssyncadd.s32 $0xFFFFFC00  }
0x3d: {  	[tilespmem:s15], [sflag:$0x1] =	stream.indirect.gather [hbm4b:s4+s14], $0x8, s21, s14, $0xb8;
	[tilespmem:$0x7C00] =	vst v63  }
0x3e: {  	s24 =	sadd.s32 $0x80, s22  }
0x3f: {  	[spmem:s2] =	stream.indirect.scatter.add.f32 [tilespmem:s17], [sflag:$0x3], $0x8, s24, s14, $0xb8;
	[tilespmem:$0x7C00] =	vst v63  }
.Ltmp2:
0x40: {  	_ =	swait.ge [sflag:s11], $0x400;
	(pc) =	sbr.rel @p1 .LBB2_5-.Ltmp2, $4  }
0x41: {  	[sflag:s11] =	ssyncset.done $0x0  }
0x42: {  	[sflag:s11] =	ssyncadd.s32 $0xFFFFFC00  }
0x43: {  	_ =	swait.ge [sflag:s16], $0x400  }
0x44: {  	s21 =	sadd.s32 $0x100, s21;
	[sflag:s16] =	ssyncset.done $0x0  }
.LBB2_6:
0x45: {  	s23 =	sadd.s32 $0xFFFFFF80, s21;
	[sflag:s16] =	ssyncadd.s32 @p0 $0xFFFFFC00;
	s22 =	sadd.s32 @p0 $0x100, s22  }
0x46: {  	[tilespmem:s17], [sflag:$0x2] =	stream.indirect.gather [hbm4b:s4+s14], $0x8, s23, s14, $0xb8;
	[tilespmem:$0x7C00] =	vst v63  }
0x47: {  	s20 =	smov.u32 @p0 s22  }
0x48: {  	[spmem:s2] =	stream.indirect.scatter.add.f32 [tilespmem:s15], [sflag:$0x3], $0x8, s20, s14, $0xb8;
	[tilespmem:$0x7C00] =	vst v63  }
0x49: {  	_ =	swait.ge [sflag:s11], $0x400  }
0x4a: {  	[sflag:s11] =	ssyncset.done $0x0  }
0x4b: {  	[sflag:s11] =	ssyncadd.s32 $0xFFFFFC00  }
0x4c: {  	_ =	swait.ge [sflag:s18], $0x400  }
0x4d: {  	[sflag:s18] =	ssyncset.done $0x0  }
0x4e: {  	[sflag:s18] =	ssyncadd.s32 $0xFFFFFC00  }
0x4f: {  	[tilespmem:s15], [sflag:$0x1] =	stream.indirect.gather [hbm4b:s4+s14], $0x8, s21, s14, $0xb8;
	[tilespmem:$0x7C00] =	vst v63  }
0x50: {  	s20 =	sadd.s32 $0x80, s20  }
0x51: {  	[spmem:s2] =	stream.indirect.scatter.add.f32 [tilespmem:s17], [sflag:$0x3], $0x8, s20, s14, $0xb8;
	[tilespmem:$0x7C00] =	vst v63  }
0x52: {  	_ =	swait.ge [sflag:s11], $0x400  }
0x53: {  	[sflag:s11] =	ssyncset.done $0x0  }
0x54: {  	[sflag:s11] =	ssyncadd.s32 $0xFFFFFC00  }
0x55: {  	_ =	swait.ge [sflag:s16], $0x400  }
0x56: {  	[sflag:s16] =	ssyncset.done $0x0  }
0x57: {  	s19 =	sadd.s32 $0x1, s19;
	[sflag:s16] =	ssyncadd.s32 $0xFFFFFC00  }
0x58: {  	p0 =	sne.s32 s19, s10;
	[bflag:$0x0] =	sbarrier.arrive $0xFFFF  }
0x59: {  	[hbm:s9], [sflag:s12] =	dma.local [spmem:s13], $0x280  }
.Ltmp3:
0x5a: {  	_ = 	snop;
	(pc) =	sbr.rel @p0 .LBB2_1-.Ltmp3, $4  }
.Ltmp4:
0x5b: {  	_ = 	snop;
	(pc) =	sbr.rel @!p0 .LBB2_7-.Ltmp4, $4  }
0x5c: {  	_ =	swait.ge [sflag:s11], $0x280  }
0x5d: {  	[sflag:s11] =	ssyncset.done $0x0  }
0x5e: {  	[sflag:s11] =	ssyncadd.s32 $0xFFFFFD80  }
0x5f: {  	_ = 	snop  }
.LBB2_2:
.Ltmp5:
0x60: {  	(pc) =	sbr.rel .LBB2_6-.Ltmp5, $2  }
0x61: {  	_ =	sdelay $0x2  }
0x62: {  	s22 =	simm.s32 $0x3000  }
.LBB2_4:
.Ltmp6:
0x63: {  	(pc) =	sbr.rel .LBB2_6-.Ltmp6, $2  }
0x64: {  	_ =	sdelay $0x2  }
0x65: {  	s22 =	simm.s32 $0x3000  }
.LBB2_7:
0x66: {  	_ =	sfence.sel $0x180000  }
0x67: {  	[bflag:$0x0] =	sbarrier.arrive $0xFFFF  }
0x68: {  	p0 =	sne.s32 s1, $0x0;
	_ =	strace $0x90000056  }
0x69: {  	s0 =	sadd.s32 @!p0 $0x100000, s0;
	[bflag:$0x2] =	sbarrier.arrive $0xFFFF  }
0x6a: {  	[sflag:s0] =	ssyncadd.tile.s32 @!p0 $0x1;
	_ =	shalt  }
.Lfunc_end2:
_tile_overlayer_lowered:
.L_overlay_start_2:
0x6b: {  	(tag) =	ssettag $0x2  }
0x6c: {  	s0 =	rddreg [dreg:$0x0];
	s2 =	stileid.u32  }
0x6d: {  	s1 =	rddreg [dreg:$0x1];
	p0 =	sne.s32 s2, $0x0  }
0x6e: {  	s3 =	rddreg [dreg:$0x2];
	[bflag:$0x3] =	sbarrier.arrive $0xFFFF;
	s2 =	simm.s32 @!p0 $0x1C03  }
0x6f: {  	[timem:s3], [sflag:s2] =	dma.local @!p0 [hbm:s0], s1  }
0x70: {  	s0 =	simm.s32 @!p0 $0x3  }
0x71: {  	_ =	swait.ge @!p0 [sflag:s0], s1  }
0x72: {  	s1 =	ssub.s32 @!p0 $0x0, s1;
	[sflag:s0] =	ssyncset.done @!p0 $0x0  }
0x73: {  	[sflag:s0] =	ssyncadd.s32 @!p0 s1  }
0x74: {  	[bflag:$0x3] =	sbarrier.arrive $0xFFFF  }
0x75: {  	_ =	shalt  }

</sc_bundles>
